<compile_context>
chip_gen: v7x
topology: tpu7x:2x2x1
jax: 0.10.2.dev20260603
libtpu: 0.0.44.dev20260713+nightly
codegen_flags: <defaults>
</compile_context>

<pallas_src>
import jax
import jax.numpy as jnp
from jax import lax
from jax.experimental import pallas as pl
from jax.experimental.pallas import tpu as pltpu
from jax.experimental.pallas import tpu_sc as plsc

_H = 8
_W = 8
_EPS = 1e-6
_NC = 2
_NS = 16
_NW = _NC * _NS
_L = 16
_G = 128
_B = 4


def _sc_body(values2d, xs, ys, edges, zacc, zcnt, ones_h,
             out_sums, out_cnt,
             xs_buf, ys_buf, vb_a, vb_b,
             idx_a, idx_b, ones_buf, edges_buf,
             acc0, acc1, acc2, acc3, cnt_sh,
             sem_a, sem_b):
    c = lax.axis_index("c")
    s = lax.axis_index("s")
    wid = s * _NC + c
    npts = xs_buf.shape[0]
    n_total = values2d.shape[0] // _B
    base = wid * npts
    accs = (acc0, acc1, acc2, acc3)
    vbufs = (vb_a, vb_b)
    vsems = (sem_a, sem_b)
    idxs = (idx_a, idx_b)

    @pl.when(s == 0)
    def _init():
        for a in accs:
            pltpu.sync_copy(zacc, a)
        pltpu.sync_copy(zcnt, cnt_sh)

    pltpu.sync_copy(xs.at[pl.ds(base, npts)], xs_buf)
    pltpu.sync_copy(ys.at[pl.ds(base, npts)], ys_buf)
    pltpu.sync_copy(edges, edges_buf)
    pltpu.sync_copy(ones_h, ones_buf)
    plsc.subcore_barrier()

    ex = [edges_buf[j, :] for j in range(_H - 1)]
    ey = [edges_buf[_H - 1 + j, :] for j in range(_W - 1)]
    one = jnp.ones((_L,), jnp.int32)
    zero = jnp.zeros((_L,), jnp.int32)

    n_groups = npts // _G
    n_pairs = n_groups // 2

    def compute_bins(g, bank):
        p0 = g * _G
        for k in range(_G // _L):
            x = xs_buf[pl.ds(p0 + k * _L, _L)]
            y = ys_buf[pl.ds(p0 + k * _L, _L)]
            bx = zero
            for e in ex:
                bx = bx + jnp.where(x >= e, one, zero)
            by = zero
            for e in ey:
                by = by + jnp.where(y >= e, one, zero)
            idxs[bank][pl.ds(k * _L, _L)] = bx + _H * by

    def src(g, b):
        return values2d.at[pl.ds(b * n_total + base + g * _G, _G), :]

    def fire(g, b, bank):
        pltpu.async_copy(src(g, b), vbufs[bank], vsems[bank])

    def drain(g, b, bank):
        pltpu.make_async_copy(src(g, b), vbufs[bank], vsems[bank]).wait()

    def scat(bank, b, ibank):
        pltpu.sync_copy(vbufs[bank], accs[b].at[idxs[ibank]], add=True)

    compute_bins(0, 0)
    fire(0, 0, 0)

    def pair_body(i, carry):
        g0 = 2 * i
        compute_bins(g0 + 1, 1)
        units = [(g0, b, 0) for b in range(_B)] + \
                [(g0 + 1, b, 1) for b in range(_B)]
        for u, (g, b, ibank) in enumerate(units):
            bank = u % 2
            if u + 1 < len(units):
                gn, bn, _ = units[u + 1]
                fire(gn, bn, (u + 1) % 2)
            else:
                @pl.when(i < n_pairs - 1)
                def _prefetch_next_pair():
                    compute_bins(g0 + 2, 0)
                    fire(g0 + 2, 0, 0)
            drain(g, b, bank)
            scat(bank, b, ibank)
            if b == _B - 1:
                pltpu.sync_copy(ones_buf, cnt_sh.at[idxs[ibank]], add=True)
        return carry

    lax.fori_loop(0, n_pairs, pair_body, 0)

    plsc.subcore_barrier()

    @pl.when(s == 0)
    def _flush():
        nb = _H * _W
        for b in range(_B):
            pltpu.sync_copy(accs[b],
                            out_sums.at[pl.ds((c * _B + b) * nb, nb), :])
        pltpu.sync_copy(cnt_sh, out_cnt.at[pl.ds(c * nb, nb), :])


def _fin_body(sums_ref, cnt_ref, Wl_ref, bl_ref, out_ref):
    sums = sums_ref[0] + sums_ref[1]
    counts = cnt_ref[0, :, 0] + cnt_ref[1, :, 0]
    inv = 1.0 / jnp.maximum(counts, 1.0)
    means = sums * inv[None, :, None]
    out_ref[...] = means.reshape(_B, _H * _W * 64) @ Wl_ref[...] + bl_ref[...]


def kernel(values, coords, Wl, bl):
    B, N, C = values.shape
    npts = N // _NW
    nb = _H * _W

    Tx = jnp.linspace(-1.0 - _EPS, 1.0 + _EPS, _H + 1)
    Ty = jnp.linspace(-1.0 - _EPS, 1.0 + _EPS, _W + 1)
    edges = jnp.repeat(
        jnp.concatenate([Tx[1:_H], Ty[1:_W]]).astype(jnp.float32)[:, None],
        _L, axis=1)
    xs = coords[:, 0] + 0.0
    ys = coords[:, 1] + 0.0
    values2d = values.reshape(B * N, C)
    zacc = jnp.zeros((nb, C), jnp.float32)
    zcnt = jnp.zeros((nb, _L), jnp.float32)
    ones_h = jnp.ones((_G, _L), jnp.float32)

    vbuf_t = pltpu.VMEM((_G, C), jnp.float32)
    sc_call = pl.kernel(
        _sc_body,
        out_type=[
            jax.ShapeDtypeStruct((_NC * B * nb, C), jnp.float32),
            jax.ShapeDtypeStruct((_NC * nb, _L), jnp.float32),
        ],
        mesh=plsc.VectorSubcoreMesh(core_axis_name="c", subcore_axis_name="s"),
        scratch_types=[
            pltpu.VMEM((npts,), jnp.float32),
            pltpu.VMEM((npts,), jnp.float32),
            vbuf_t, vbuf_t,
            pltpu.VMEM((_G,), jnp.int32),
            pltpu.VMEM((_G,), jnp.int32),
            pltpu.VMEM((_G, _L), jnp.float32),
            pltpu.VMEM((_H + _W - 2, _L), jnp.float32),
            pltpu.VMEM_SHARED((nb, C), jnp.float32),
            pltpu.VMEM_SHARED((nb, C), jnp.float32),
            pltpu.VMEM_SHARED((nb, C), jnp.float32),
            pltpu.VMEM_SHARED((nb, C), jnp.float32),
            pltpu.VMEM_SHARED((nb, _L), jnp.float32),
            pltpu.SemaphoreType.DMA, pltpu.SemaphoreType.DMA,
        ],
    )
    sums, cnt = sc_call(values2d, xs, ys, edges, zacc, zcnt, ones_h)

    return pl.pallas_call(
        _fin_body,
        out_shape=jax.ShapeDtypeStruct((B, 128), jnp.float32),
    )(sums.reshape(_NC, B, nb, C), cnt.reshape(_NC, nb, _L),
      Wl, bl.reshape(1, 128))

# --- scband reference (transcript-rebuilt; emitter-appended) ---
"""Pipeline reference for scband-adaptive-avg-pool-sequence-90537910600306 (READ-ONLY COPY).

The authoritative reference and input builder live on the scoring server;
editing this copy changes nothing except your own understanding.
"""

import jax, jax.numpy as jnp
import numpy as np

H, W_BINS = 8, 8
EPS = 1e-6
EXTREMA = ((-1.0, 1.0), (-1.0, 1.0))


def setup_inputs(seed: int = 0) -> dict:
    key = jax.random.key(seed)
    k1, k2, k3, k4 = jax.random.split(key, 4)
    B, N, C = 4, 262144, 64
    d_out = 128
    values = jax.random.normal(k1, (B, N, C), dtype=jnp.float32)
    # coords uniform over the default extrema (-1, 1)^2 so every point falls in-range
    coords = jax.random.uniform(k2, (N, 2), dtype=jnp.float32, minval=-1.0, maxval=1.0)
    d_in = H * W_BINS * C
    Wl = jax.random.normal(k3, (d_in, d_out), dtype=jnp.float32) * (1.0 / np.sqrt(d_in))
    bl = jnp.zeros((d_out,), dtype=jnp.float32)
    return {"values": values, "coords": coords, "Wl": Wl, "bl": bl}


def reference(values, coords, Wl, bl):
    # Faithful translation of AAPseq: 2D adaptive-average-pool over scattered
    # coords via histogram binning, then the trailing dense layer.
    h, w = H, W_BINS
    Tx = jnp.linspace(EXTREMA[0][0] - EPS, EXTREMA[0][1] + EPS, h + 1)
    Ty = jnp.linspace(EXTREMA[1][0] - EPS, EXTREMA[1][1] + EPS, w + 1)
    # torch: kx = first index where Tx > X  == number of Tx <= X
    kx = jnp.searchsorted(Tx, coords[:, 0], side='right')
    ky = jnp.searchsorted(Ty, coords[:, 1], side='right')
    bins = (kx - 1) + (ky - 1) * h  # int bin id in [0, h*w)
    # per-bin mean of values over the point axis (segment reduce)
    v = jnp.swapaxes(values, 0, 1)  # [N, B, C]
    sums = jax.ops.segment_sum(v, bins, num_segments=h * w)  # [h*w, B, C]
    counts = jax.ops.segment_sum(jnp.ones((v.shape[0],), jnp.float32), bins, num_segments=h * w)
    means = sums / jnp.maximum(counts, 1.0)[:, None, None]  # [h*w, B, C]
    # torch.cat([... for b in range(h*w)], dim=1) -> bin-major concat per batch
    out = jnp.transpose(means, (1, 0, 2)).reshape(values.shape[0], -1)  # [B, h*w*C]
    # layer.layers == nn.Linear(h*w*C, 128)
    return out @ Wl + bl

if __name__ == "__main__":
    import jax
    _d = setup_inputs()
    print(jax.jit(kernel)(*tuple(_d.values())))

</pallas_src>

<mosaic_0001>
#map = affine_map<(d0, d1) -> (0, 0)>
#map1 = affine_map<(d0, d1) -> (0)>
module attributes {stable_mosaic.version = 14 : i64} {
  func.func @_sc_body(%arg0: i32, %arg1: i32, %arg2: memref<1048576x64xf32, #tpu.memory_space<hbm>>, %arg3: memref<262144xf32, #tpu.memory_space<hbm>>, %arg4: memref<262144xf32, #tpu.memory_space<hbm>>, %arg5: memref<14x16xf32, #tpu.memory_space<hbm>>, %arg6: memref<64x64xf32, #tpu.memory_space<hbm>>, %arg7: memref<64x16xf32, #tpu.memory_space<hbm>>, %arg8: memref<128x16xf32, #tpu.memory_space<hbm>>, %arg9: memref<512x64xf32, #tpu.memory_space<hbm>>, %arg10: memref<128x16xf32, #tpu.memory_space<hbm>>, %arg11: memref<8192xf32, #tpu.memory_space<vmem>>, %arg12: memref<8192xf32, #tpu.memory_space<vmem>>, %arg13: memref<128x64xf32, #tpu.memory_space<vmem>>, %arg14: memref<128x64xf32, #tpu.memory_space<vmem>>, %arg15: memref<128xi32, #tpu.memory_space<vmem>>, %arg16: memref<128xi32, #tpu.memory_space<vmem>>, %arg17: memref<128x16xf32, #tpu.memory_space<vmem>>, %arg18: memref<14x16xf32, #tpu.memory_space<vmem>>, %arg19: memref<64x64xf32, #tpu.memory_space<vmem_shared>>, %arg20: memref<64x64xf32, #tpu.memory_space<vmem_shared>>, %arg21: memref<64x64xf32, #tpu.memory_space<vmem_shared>>, %arg22: memref<64x64xf32, #tpu.memory_space<vmem_shared>>, %arg23: memref<64x16xf32, #tpu.memory_space<vmem_shared>>, %arg24: memref<!tpu.dma_semaphore, #tpu.memory_space<semaphore_mem>>, %arg25: memref<!tpu.dma_semaphore, #tpu.memory_space<semaphore_mem>>) attributes {dimension_semantics = [#tpu.dimension_semantics<core_parallel>, #tpu.dimension_semantics<subcore_parallel>], iteration_bounds = array<i64: 2, 16>, scalar_prefetch = 0 : i64, scratch_operands = 15 : i64, tpu.core_type = #tpu.core_type<sc_vector_subcore>, window_params = [{transform_indices = #map}, {transform_indices = #map1}, {transform_indices = #map1}, {transform_indices = #map}, {transform_indices = #map}, {transform_indices = #map}, {transform_indices = #map}, {transform_indices = #map}, {transform_indices = #map}]} {
    %mul3A = arith.constant 2 : i32
    %mul3A_0 = arith.muli %arg1, %mul3A : i32
    %add3A = arith.addi %mul3A_0, %arg0 : i32
    %mul3A_1 = arith.constant 8192 : i32
    %mul3A_2 = arith.muli %add3A, %mul3A_1 : i32
    %eq3A = arith.constant 0 : i32
    %eq3A_3 = arith.cmpi eq, %arg1, %eq3A : i32
    %convert_element_type3A = arith.extui %eq3A_3 : i1 to i32
    %cond3A = arith.constant 0 : i32
    %cond3A_4 = arith.cmpi ne, %convert_element_type3A, %cond3A : i32
    scf.if %cond3A_4 {
      "tpu.region"() ({
        %run_scoped3A = tpu.sem_alloc : memref<!tpu.dma_semaphore, #tpu.memory_space<semaphore_mem>>
        tpu.enqueue_dma source(%arg6 : memref<64x64xf32, #tpu.memory_space<hbm>>) target(%arg19 : memref<64x64xf32, #tpu.memory_space<vmem_shared>>) target_semaphore(%run_scoped3A : memref<!tpu.dma_semaphore, #tpu.memory_space<semaphore_mem>>)
        tpu.wait_dma2 semaphore(%run_scoped3A : memref<!tpu.dma_semaphore, #tpu.memory_space<semaphore_mem>>) src(%arg6 : memref<64x64xf32, #tpu.memory_space<hbm>>) dst(%arg19 : memref<64x64xf32, #tpu.memory_space<vmem_shared>>)
        tpu.yield
      }) : () -> ()
      "tpu.region"() ({
        %run_scoped3A = tpu.sem_alloc : memref<!tpu.dma_semaphore, #tpu.memory_space<semaphore_mem>>
        tpu.enqueue_dma source(%arg6 : memref<64x64xf32, #tpu.memory_space<hbm>>) target(%arg20 : memref<64x64xf32, #tpu.memory_space<vmem_shared>>) target_semaphore(%run_scoped3A : memref<!tpu.dma_semaphore, #tpu.memory_space<semaphore_mem>>)
        tpu.wait_dma2 semaphore(%run_scoped3A : memref<!tpu.dma_semaphore, #tpu.memory_space<semaphore_mem>>) src(%arg6 : memref<64x64xf32, #tpu.memory_space<hbm>>) dst(%arg20 : memref<64x64xf32, #tpu.memory_space<vmem_shared>>)
        tpu.yield
      }) : () -> ()
      "tpu.region"() ({
        %run_scoped3A = tpu.sem_alloc : memref<!tpu.dma_semaphore, #tpu.memory_space<semaphore_mem>>
        tpu.enqueue_dma source(%arg6 : memref<64x64xf32, #tpu.memory_space<hbm>>) target(%arg21 : memref<64x64xf32, #tpu.memory_space<vmem_shared>>) target_semaphore(%run_scoped3A : memref<!tpu.dma_semaphore, #tpu.memory_space<semaphore_mem>>)
        tpu.wait_dma2 semaphore(%run_scoped3A : memref<!tpu.dma_semaphore, #tpu.memory_space<semaphore_mem>>) src(%arg6 : memref<64x64xf32, #tpu.memory_space<hbm>>) dst(%arg21 : memref<64x64xf32, #tpu.memory_space<vmem_shared>>)
        tpu.yield
      }) : () -> ()
      "tpu.region"() ({
        %run_scoped3A = tpu.sem_alloc : memref<!tpu.dma_semaphore, #tpu.memory_space<semaphore_mem>>
        tpu.enqueue_dma source(%arg6 : memref<64x64xf32, #tpu.memory_space<hbm>>) target(%arg22 : memref<64x64xf32, #tpu.memory_space<vmem_shared>>) target_semaphore(%run_scoped3A : memref<!tpu.dma_semaphore, #tpu.memory_space<semaphore_mem>>)
        tpu.wait_dma2 semaphore(%run_scoped3A : memref<!tpu.dma_semaphore, #tpu.memory_space<semaphore_mem>>) src(%arg6 : memref<64x64xf32, #tpu.memory_space<hbm>>) dst(%arg22 : memref<64x64xf32, #tpu.memory_space<vmem_shared>>)
        tpu.yield
      }) : () -> ()
      "tpu.region"() ({
        %run_scoped3A = tpu.sem_alloc : memref<!tpu.dma_semaphore, #tpu.memory_space<semaphore_mem>>
        tpu.enqueue_dma source(%arg7 : memref<64x16xf32, #tpu.memory_space<hbm>>) target(%arg23 : memref<64x16xf32, #tpu.memory_space<vmem_shared>>) target_semaphore(%run_scoped3A : memref<!tpu.dma_semaphore, #tpu.memory_space<semaphore_mem>>)
        tpu.wait_dma2 semaphore(%run_scoped3A : memref<!tpu.dma_semaphore, #tpu.memory_space<semaphore_mem>>) src(%arg7 : memref<64x16xf32, #tpu.memory_space<hbm>>) dst(%arg23 : memref<64x16xf32, #tpu.memory_space<vmem_shared>>)
        tpu.yield
      }) : () -> ()
    } else {
    }
    "tpu.region"() ({
      %run_scoped3A = tpu.sem_alloc : memref<!tpu.dma_semaphore, #tpu.memory_space<semaphore_mem>>
      %dma_start3A_540 = tpu.memref_slice %arg3[%mul3A_2] : memref<262144xf32, #tpu.memory_space<hbm>> -> memref<8192xf32, #tpu.memory_space<hbm>>
      %dma_start3A_541 = tpu.memref_slice %arg3[%mul3A_2] : memref<262144xf32, #tpu.memory_space<hbm>> -> memref<8192xf32, #tpu.memory_space<hbm>>
      tpu.enqueue_dma source(%dma_start3A_541 : memref<8192xf32, #tpu.memory_space<hbm>>) target(%arg11 : memref<8192xf32, #tpu.memory_space<vmem>>) target_semaphore(%run_scoped3A : memref<!tpu.dma_semaphore, #tpu.memory_space<semaphore_mem>>)
      %dma_wait3A = tpu.memref_slice %arg3[%mul3A_2] : memref<262144xf32, #tpu.memory_space<hbm>> -> memref<8192xf32, #tpu.memory_space<hbm>>
      %dma_wait3A_542 = tpu.memref_slice %arg3[%mul3A_2] : memref<262144xf32, #tpu.memory_space<hbm>> -> memref<8192xf32, #tpu.memory_space<hbm>>
      tpu.wait_dma2 semaphore(%run_scoped3A : memref<!tpu.dma_semaphore, #tpu.memory_space<semaphore_mem>>) src(%dma_wait3A_542 : memref<8192xf32, #tpu.memory_space<hbm>>) dst(%arg11 : memref<8192xf32, #tpu.memory_space<vmem>>)
      tpu.yield
    }) : () -> ()
    "tpu.region"() ({
      %run_scoped3A = tpu.sem_alloc : memref<!tpu.dma_semaphore, #tpu.memory_space<semaphore_mem>>
      %dma_start3A_540 = tpu.memref_slice %arg4[%mul3A_2] : memref<262144xf32, #tpu.memory_space<hbm>> -> memref<8192xf32, #tpu.memory_space<hbm>>
      %dma_start3A_541 = tpu.memref_slice %arg4[%mul3A_2] : memref<262144xf32, #tpu.memory_space<hbm>> -> memref<8192xf32, #tpu.memory_space<hbm>>
      tpu.enqueue_dma source(%dma_start3A_541 : memref<8192xf32, #tpu.memory_space<hbm>>) target(%arg12 : memref<8192xf32, #tpu.memory_space<vmem>>) target_semaphore(%run_scoped3A : memref<!tpu.dma_semaphore, #tpu.memory_space<semaphore_mem>>)
      %dma_wait3A = tpu.memref_slice %arg4[%mul3A_2] : memref<262144xf32, #tpu.memory_space<hbm>> -> memref<8192xf32, #tpu.memory_space<hbm>>
      %dma_wait3A_542 = tpu.memref_slice %arg4[%mul3A_2] : memref<262144xf32, #tpu.memory_space<hbm>> -> memref<8192xf32, #tpu.memory_space<hbm>>
      tpu.wait_dma2 semaphore(%run_scoped3A : memref<!tpu.dma_semaphore, #tpu.memory_space<semaphore_mem>>) src(%dma_wait3A_542 : memref<8192xf32, #tpu.memory_space<hbm>>) dst(%arg12 : memref<8192xf32, #tpu.memory_space<vmem>>)
      tpu.yield
    }) : () -> ()
    "tpu.region"() ({
      %run_scoped3A = tpu.sem_alloc : memref<!tpu.dma_semaphore, #tpu.memory_space<semaphore_mem>>
      tpu.enqueue_dma source(%arg5 : memref<14x16xf32, #tpu.memory_space<hbm>>) target(%arg18 : memref<14x16xf32, #tpu.memory_space<vmem>>) target_semaphore(%run_scoped3A : memref<!tpu.dma_semaphore, #tpu.memory_space<semaphore_mem>>)
      tpu.wait_dma2 semaphore(%run_scoped3A : memref<!tpu.dma_semaphore, #tpu.memory_space<semaphore_mem>>) src(%arg5 : memref<14x16xf32, #tpu.memory_space<hbm>>) dst(%arg18 : memref<14x16xf32, #tpu.memory_space<vmem>>)
      tpu.yield
    }) : () -> ()
    "tpu.region"() ({
      %run_scoped3A = tpu.sem_alloc : memref<!tpu.dma_semaphore, #tpu.memory_space<semaphore_mem>>
      tpu.enqueue_dma source(%arg8 : memref<128x16xf32, #tpu.memory_space<hbm>>) target(%arg17 : memref<128x16xf32, #tpu.memory_space<vmem>>) target_semaphore(%run_scoped3A : memref<!tpu.dma_semaphore, #tpu.memory_space<semaphore_mem>>)
      tpu.wait_dma2 semaphore(%run_scoped3A : memref<!tpu.dma_semaphore, #tpu.memory_space<semaphore_mem>>) src(%arg8 : memref<128x16xf32, #tpu.memory_space<hbm>>) dst(%arg17 : memref<128x16xf32, #tpu.memory_space<vmem>>)
      tpu.yield
    }) : () -> ()
    %barrier3A = arith.constant 0 : index
    tpu.barrier barrier_id(%barrier3A)
    %get3A = arith.constant 0 : i32
    %get3A_5 = arith.index_cast %get3A : i32 to index
    %get3A_6 = arith.constant 0 : index
    %get3A_7 = tpu.vector_load %arg18[%get3A_5, %get3A_6] {strides = array<i32>} : memref<14x16xf32, #tpu.memory_space<vmem>>, vector<1x16xf32>,
    %get3A_8 = vector.shape_cast %get3A_7 : vector<1x16xf32> to vector<16xf32>
    %get3A_9 = arith.constant 1 : i32
    %get3A_10 = arith.index_cast %get3A_9 : i32 to index
    %get3A_11 = arith.constant 0 : index
    %get3A_12 = tpu.vector_load %arg18[%get3A_10, %get3A_11] {strides = array<i32>} : memref<14x16xf32, #tpu.memory_space<vmem>>, vector<1x16xf32>,
    %get3A_13 = vector.shape_cast %get3A_12 : vector<1x16xf32> to vector<16xf32>
    %get3A_14 = arith.constant 2 : i32
    %get3A_15 = arith.index_cast %get3A_14 : i32 to index
    %get3A_16 = arith.constant 0 : index
    %get3A_17 = tpu.vector_load %arg18[%get3A_15, %get3A_16] {strides = array<i32>} : memref<14x16xf32, #tpu.memory_space<vmem>>, vector<1x16xf32>,
    %get3A_18 = vector.shape_cast %get3A_17 : vector<1x16xf32> to vector<16xf32>
    %get3A_19 = arith.constant 3 : i32
    %get3A_20 = arith.index_cast %get3A_19 : i32 to index
    %get3A_21 = arith.constant 0 : index
    %get3A_22 = tpu.vector_load %arg18[%get3A_20, %get3A_21] {strides = array<i32>} : memref<14x16xf32, #tpu.memory_space<vmem>>, vector<1x16xf32>,
    %get3A_23 = vector.shape_cast %get3A_22 : vector<1x16xf32> to vector<16xf32>
    %get3A_24 = arith.constant 4 : i32
    %get3A_25 = arith.index_cast %get3A_24 : i32 to index
    %get3A_26 = arith.constant 0 : index
    %get3A_27 = tpu.vector_load %arg18[%get3A_25, %get3A_26] {strides = array<i32>} : memref<14x16xf32, #tpu.memory_space<vmem>>, vector<1x16xf32>,
    %get3A_28 = vector.shape_cast %get3A_27 : vector<1x16xf32> to vector<16xf32>
    %get3A_29 = arith.constant 5 : i32
    %get3A_30 = arith.index_cast %get3A_29 : i32 to index
    %get3A_31 = arith.constant 0 : index
    %get3A_32 = tpu.vector_load %arg18[%get3A_30, %get3A_31] {strides = array<i32>} : memref<14x16xf32, #tpu.memory_space<vmem>>, vector<1x16xf32>,
    %get3A_33 = vector.shape_cast %get3A_32 : vector<1x16xf32> to vector<16xf32>
    %get3A_34 = arith.constant 6 : i32
    %get3A_35 = arith.index_cast %get3A_34 : i32 to index
    %get3A_36 = arith.constant 0 : index
    %get3A_37 = tpu.vector_load %arg18[%get3A_35, %get3A_36] {strides = array<i32>} : memref<14x16xf32, #tpu.memory_space<vmem>>, vector<1x16xf32>,
    %get3A_38 = vector.shape_cast %get3A_37 : vector<1x16xf32> to vector<16xf32>
    %get3A_39 = arith.constant 7 : i32
    %get3A_40 = arith.index_cast %get3A_39 : i32 to index
    %get3A_41 = arith.constant 0 : index
    %get3A_42 = tpu.vector_load %arg18[%get3A_40, %get3A_41] {strides = array<i32>} : memref<14x16xf32, #tpu.memory_space<vmem>>, vector<1x16xf32>,
    %get3A_43 = vector.shape_cast %get3A_42 : vector<1x16xf32> to vector<16xf32>
    %get3A_44 = arith.constant 8 : i32
    %get3A_45 = arith.index_cast %get3A_44 : i32 to index
    %get3A_46 = arith.constant 0 : index
    %get3A_47 = tpu.vector_load %arg18[%get3A_45, %get3A_46] {strides = array<i32>} : memref<14x16xf32, #tpu.memory_space<vmem>>, vector<1x16xf32>,
    %get3A_48 = vector.shape_cast %get3A_47 : vector<1x16xf32> to vector<16xf32>
    %get3A_49 = arith.constant 9 : i32
    %get3A_50 = arith.index_cast %get3A_49 : i32 to index
    %get3A_51 = arith.constant 0 : index
    %get3A_52 = tpu.vector_load %arg18[%get3A_50, %get3A_51] {strides = array<i32>} : memref<14x16xf32, #tpu.memory_space<vmem>>, vector<1x16xf32>,
    %get3A_53 = vector.shape_cast %get3A_52 : vector<1x16xf32> to vector<16xf32>
    %get3A_54 = arith.constant 10 : i32
    %get3A_55 = arith.index_cast %get3A_54 : i32 to index
    %get3A_56 = arith.constant 0 : index
    %get3A_57 = tpu.vector_load %arg18[%get3A_55, %get3A_56] {strides = array<i32>} : memref<14x16xf32, #tpu.memory_space<vmem>>, vector<1x16xf32>,
    %get3A_58 = vector.shape_cast %get3A_57 : vector<1x16xf32> to vector<16xf32>
    %get3A_59 = arith.constant 11 : i32
    %get3A_60 = arith.index_cast %get3A_59 : i32 to index
    %get3A_61 = arith.constant 0 : index
    %get3A_62 = tpu.vector_load %arg18[%get3A_60, %get3A_61] {strides = array<i32>} : memref<14x16xf32, #tpu.memory_space<vmem>>, vector<1x16xf32>,
    %get3A_63 = vector.shape_cast %get3A_62 : vector<1x16xf32> to vector<16xf32>
    %get3A_64 = arith.constant 12 : i32
    %get3A_65 = arith.index_cast %get3A_64 : i32 to index
    %get3A_66 = arith.constant 0 : index
    %get3A_67 = tpu.vector_load %arg18[%get3A_65, %get3A_66] {strides = array<i32>} : memref<14x16xf32, #tpu.memory_space<vmem>>, vector<1x16xf32>,
    %get3A_68 = vector.shape_cast %get3A_67 : vector<1x16xf32> to vector<16xf32>
    %get3A_69 = arith.constant 13 : i32
    %get3A_70 = arith.index_cast %get3A_69 : i32 to index
    %get3A_71 = arith.constant 0 : index
    %get3A_72 = tpu.vector_load %arg18[%get3A_70, %get3A_71] {strides = array<i32>} : memref<14x16xf32, #tpu.memory_space<vmem>>, vector<1x16xf32>,
    %get3A_73 = vector.shape_cast %get3A_72 : vector<1x16xf32> to vector<16xf32>
    %broadcast_in_dim3A = arith.constant 1 : i32
    %broadcast_in_dim3A_74 = vector.broadcast %broadcast_in_dim3A : i32 to vector<16xi32>
    %broadcast_in_dim3A_75 = arith.constant 0 : i32
    %broadcast_in_dim3A_76 = vector.broadcast %broadcast_in_dim3A_75 : i32 to vector<16xi32>
    %get3A_77 = arith.constant 0 : index
    %get3A_78 = tpu.vector_load %arg11[%get3A_77] {strides = array<i32>} : memref<8192xf32, #tpu.memory_space<vmem>>, vector<16xf32>,
    %get3A_79 = vector.shape_cast %get3A_78 : vector<16xf32> to vector<16xf32>
    %get3A_80 = arith.constant 0 : index
    %get3A_81 = tpu.vector_load %arg12[%get3A_80] {strides = array<i32>} : memref<8192xf32, #tpu.memory_space<vmem>>, vector<16xf32>,
    %get3A_82 = vector.shape_cast %get3A_81 : vector<16xf32> to vector<16xf32>
    %ge3A = arith.cmpf oge, %get3A_79, %get3A_8 : vector<16xf32>
    %select_n3A = arith.select %ge3A, %broadcast_in_dim3A_74, %broadcast_in_dim3A_76 : vector<16xi1>, vector<16xi32>
    %add3A_83 = arith.addi %broadcast_in_dim3A_76, %select_n3A : vector<16xi32>
    %ge3A_84 = arith.cmpf oge, %get3A_79, %get3A_13 : vector<16xf32>
    %select_n3A_85 = arith.select %ge3A_84, %broadcast_in_dim3A_74, %broadcast_in_dim3A_76 : vector<16xi1>, vector<16xi32>
    %add3A_86 = arith.addi %add3A_83, %select_n3A_85 : vector<16xi32>
    %ge3A_87 = arith.cmpf oge, %get3A_79, %get3A_18 : vector<16xf32>
    %select_n3A_88 = arith.select %ge3A_87, %broadcast_in_dim3A_74, %broadcast_in_dim3A_76 : vector<16xi1>, vector<16xi32>
    %add3A_89 = arith.addi %add3A_86, %select_n3A_88 : vector<16xi32>
    %ge3A_90 = arith.cmpf oge, %get3A_79, %get3A_23 : vector<16xf32>
    %select_n3A_91 = arith.select %ge3A_90, %broadcast_in_dim3A_74, %broadcast_in_dim3A_76 : vector<16xi1>, vector<16xi32>
    %add3A_92 = arith.addi %add3A_89, %select_n3A_91 : vector<16xi32>
    %ge3A_93 = arith.cmpf oge, %get3A_79, %get3A_28 : vector<16xf32>
    %select_n3A_94 = arith.select %ge3A_93, %broadcast_in_dim3A_74, %broadcast_in_dim3A_76 : vector<16xi1>, vector<16xi32>
    %add3A_95 = arith.addi %add3A_92, %select_n3A_94 : vector<16xi32>
    %ge3A_96 = arith.cmpf oge, %get3A_79, %get3A_33 : vector<16xf32>
    %select_n3A_97 = arith.select %ge3A_96, %broadcast_in_dim3A_74, %broadcast_in_dim3A_76 : vector<16xi1>, vector<16xi32>
    %add3A_98 = arith.addi %add3A_95, %select_n3A_97 : vector<16xi32>
    %ge3A_99 = arith.cmpf oge, %get3A_79, %get3A_38 : vector<16xf32>
    %select_n3A_100 = arith.select %ge3A_99, %broadcast_in_dim3A_74, %broadcast_in_dim3A_76 : vector<16xi1>, vector<16xi32>
    %add3A_101 = arith.addi %add3A_98, %select_n3A_100 : vector<16xi32>
    %ge3A_102 = arith.cmpf oge, %get3A_82, %get3A_43 : vector<16xf32>
    %select_n3A_103 = arith.select %ge3A_102, %broadcast_in_dim3A_74, %broadcast_in_dim3A_76 : vector<16xi1>, vector<16xi32>
    %add3A_104 = arith.addi %broadcast_in_dim3A_76, %select_n3A_103 : vector<16xi32>
    %ge3A_105 = arith.cmpf oge, %get3A_82, %get3A_48 : vector<16xf32>
    %select_n3A_106 = arith.select %ge3A_105, %broadcast_in_dim3A_74, %broadcast_in_dim3A_76 : vector<16xi1>, vector<16xi32>
    %add3A_107 = arith.addi %add3A_104, %select_n3A_106 : vector<16xi32>
    %ge3A_108 = arith.cmpf oge, %get3A_82, %get3A_53 : vector<16xf32>
    %select_n3A_109 = arith.select %ge3A_108, %broadcast_in_dim3A_74, %broadcast_in_dim3A_76 : vector<16xi1>, vector<16xi32>
    %add3A_110 = arith.addi %add3A_107, %select_n3A_109 : vector<16xi32>
    %ge3A_111 = arith.cmpf oge, %get3A_82, %get3A_58 : vector<16xf32>
    %select_n3A_112 = arith.select %ge3A_111, %broadcast_in_dim3A_74, %broadcast_in_dim3A_76 : vector<16xi1>, vector<16xi32>
    %add3A_113 = arith.addi %add3A_110, %select_n3A_112 : vector<16xi32>
    %ge3A_114 = arith.cmpf oge, %get3A_82, %get3A_63 : vector<16xf32>
    %select_n3A_115 = arith.select %ge3A_114, %broadcast_in_dim3A_74, %broadcast_in_dim3A_76 : vector<16xi1>, vector<16xi32>
    %add3A_116 = arith.addi %add3A_113, %select_n3A_115 : vector<16xi32>
    %ge3A_117 = arith.cmpf oge, %get3A_82, %get3A_68 : vector<16xf32>
    %select_n3A_118 = arith.select %ge3A_117, %broadcast_in_dim3A_74, %broadcast_in_dim3A_76 : vector<16xi1>, vector<16xi32>
    %add3A_119 = arith.addi %add3A_116, %select_n3A_118 : vector<16xi32>
    %ge3A_120 = arith.cmpf oge, %get3A_82, %get3A_73 : vector<16xf32>
    %select_n3A_121 = arith.select %ge3A_120, %broadcast_in_dim3A_74, %broadcast_in_dim3A_76 : vector<16xi1>, vector<16xi32>
    %add3A_122 = arith.addi %add3A_119, %select_n3A_121 : vector<16xi32>
    %mul3A_123 = arith.constant 8 : i32
    %mul3A_124 = vector.broadcast %mul3A_123 : i32 to vector<16xi32>
    %mul3A_125 = arith.muli %mul3A_124, %add3A_122 : vector<16xi32>
    %add3A_126 = arith.addi %add3A_101, %mul3A_125 : vector<16xi32>
    %swap3A = arith.constant 0 : index
    %swap3A_127 = tpu.vector_load %arg15[%swap3A] {strides = array<i32>} : memref<128xi32, #tpu.memory_space<vmem>>, vector<16xi32>,
    %swap3A_128 = vector.shape_cast %swap3A_127 : vector<16xi32> to vector<16xi32>
    %swap3A_129 = vector.shape_cast %add3A_126 : vector<16xi32> to vector<16xi32>
    tpu.vector_store %arg15[%swap3A], %swap3A_129 {strides = array<i32>} : memref<128xi32, #tpu.memory_space<vmem>>, vector<16xi32>,
    %get3A_130 = arith.constant 16 : index
    %get3A_131 = tpu.vector_load %arg11[%get3A_130] {strides = array<i32>} : memref<8192xf32, #tpu.memory_space<vmem>>, vector<16xf32>,
    %get3A_132 = vector.shape_cast %get3A_131 : vector<16xf32> to vector<16xf32>
    %get3A_133 = arith.constant 16 : index
    %get3A_134 = tpu.vector_load %arg12[%get3A_133] {strides = array<i32>} : memref<8192xf32, #tpu.memory_space<vmem>>, vector<16xf32>,
    %get3A_135 = vector.shape_cast %get3A_134 : vector<16xf32> to vector<16xf32>
    %ge3A_136 = arith.cmpf oge, %get3A_132, %get3A_8 : vector<16xf32>
    %select_n3A_137 = arith.select %ge3A_136, %broadcast_in_dim3A_74, %broadcast_in_dim3A_76 : vector<16xi1>, vector<16xi32>
    %add3A_138 = arith.addi %broadcast_in_dim3A_76, %select_n3A_137 : vector<16xi32>
    %ge3A_139 = arith.cmpf oge, %get3A_132, %get3A_13 : vector<16xf32>
    %select_n3A_140 = arith.select %ge3A_139, %broadcast_in_dim3A_74, %broadcast_in_dim3A_76 : vector<16xi1>, vector<16xi32>
    %add3A_141 = arith.addi %add3A_138, %select_n3A_140 : vector<16xi32>
    %ge3A_142 = arith.cmpf oge, %get3A_132, %get3A_18 : vector<16xf32>
    %select_n3A_143 = arith.select %ge3A_142, %broadcast_in_dim3A_74, %broadcast_in_dim3A_76 : vector<16xi1>, vector<16xi32>
    %add3A_144 = arith.addi %add3A_141, %select_n3A_143 : vector<16xi32>
    %ge3A_145 = arith.cmpf oge, %get3A_132, %get3A_23 : vector<16xf32>
    %select_n3A_146 = arith.select %ge3A_145, %broadcast_in_dim3A_74, %broadcast_in_dim3A_76 : vector<16xi1>, vector<16xi32>
    %add3A_147 = arith.addi %add3A_144, %select_n3A_146 : vector<16xi32>
    %ge3A_148 = arith.cmpf oge, %get3A_132, %get3A_28 : vector<16xf32>
    %select_n3A_149 = arith.select %ge3A_148, %broadcast_in_dim3A_74, %broadcast_in_dim3A_76 : vector<16xi1>, vector<16xi32>
    %add3A_150 = arith.addi %add3A_147, %select_n3A_149 : vector<16xi32>
    %ge3A_151 = arith.cmpf oge, %get3A_132, %get3A_33 : vector<16xf32>
    %select_n3A_152 = arith.select %ge3A_151, %broadcast_in_dim3A_74, %broadcast_in_dim3A_76 : vector<16xi1>, vector<16xi32>
    %add3A_153 = arith.addi %add3A_150, %select_n3A_152 : vector<16xi32>
    %ge3A_154 = arith.cmpf oge, %get3A_132, %get3A_38 : vector<16xf32>
    %select_n3A_155 = arith.select %ge3A_154, %broadcast_in_dim3A_74, %broadcast_in_dim3A_76 : vector<16xi1>, vector<16xi32>
    %add3A_156 = arith.addi %add3A_153, %select_n3A_155 : vector<16xi32>
    %ge3A_157 = arith.cmpf oge, %get3A_135, %get3A_43 : vector<16xf32>
    %select_n3A_158 = arith.select %ge3A_157, %broadcast_in_dim3A_74, %broadcast_in_dim3A_76 : vector<16xi1>, vector<16xi32>
    %add3A_159 = arith.addi %broadcast_in_dim3A_76, %select_n3A_158 : vector<16xi32>
    %ge3A_160 = arith.cmpf oge, %get3A_135, %get3A_48 : vector<16xf32>
    %select_n3A_161 = arith.select %ge3A_160, %broadcast_in_dim3A_74, %broadcast_in_dim3A_76 : vector<16xi1>, vector<16xi32>
    %add3A_162 = arith.addi %add3A_159, %select_n3A_161 : vector<16xi32>
    %ge3A_163 = arith.cmpf oge, %get3A_135, %get3A_53 : vector<16xf32>
    %select_n3A_164 = arith.select %ge3A_163, %broadcast_in_dim3A_74, %broadcast_in_dim3A_76 : vector<16xi1>, vector<16xi32>
    %add3A_165 = arith.addi %add3A_162, %select_n3A_164 : vector<16xi32>
    %ge3A_166 = arith.cmpf oge, %get3A_135, %get3A_58 : vector<16xf32>
    %select_n3A_167 = arith.select %ge3A_166, %broadcast_in_dim3A_74, %broadcast_in_dim3A_76 : vector<16xi1>, vector<16xi32>
    %add3A_168 = arith.addi %add3A_165, %select_n3A_167 : vector<16xi32>
    %ge3A_169 = arith.cmpf oge, %get3A_135, %get3A_63 : vector<16xf32>
    %select_n3A_170 = arith.select %ge3A_169, %broadcast_in_dim3A_74, %broadcast_in_dim3A_76 : vector<16xi1>, vector<16xi32>
    %add3A_171 = arith.addi %add3A_168, %select_n3A_170 : vector<16xi32>
    %ge3A_172 = arith.cmpf oge, %get3A_135, %get3A_68 : vector<16xf32>
    %select_n3A_173 = arith.select %ge3A_172, %broadcast_in_dim3A_74, %broadcast_in_dim3A_76 : vector<16xi1>, vector<16xi32>
    %add3A_174 = arith.addi %add3A_171, %select_n3A_173 : vector<16xi32>
    %ge3A_175 = arith.cmpf oge, %get3A_135, %get3A_73 : vector<16xf32>
    %select_n3A_176 = arith.select %ge3A_175, %broadcast_in_dim3A_74, %broadcast_in_dim3A_76 : vector<16xi1>, vector<16xi32>
    %add3A_177 = arith.addi %add3A_174, %select_n3A_176 : vector<16xi32>
    %mul3A_178 = arith.constant 8 : i32
    %mul3A_179 = vector.broadcast %mul3A_178 : i32 to vector<16xi32>
    %mul3A_180 = arith.muli %mul3A_179, %add3A_177 : vector<16xi32>
    %add3A_181 = arith.addi %add3A_156, %mul3A_180 : vector<16xi32>
    %swap3A_182 = arith.constant 16 : index
    %swap3A_183 = tpu.vector_load %arg15[%swap3A_182] {strides = array<i32>} : memref<128xi32, #tpu.memory_space<vmem>>, vector<16xi32>,
    %swap3A_184 = vector.shape_cast %swap3A_183 : vector<16xi32> to vector<16xi32>
    %swap3A_185 = vector.shape_cast %add3A_181 : vector<16xi32> to vector<16xi32>
    tpu.vector_store %arg15[%swap3A_182], %swap3A_185 {strides = array<i32>} : memref<128xi32, #tpu.memory_space<vmem>>, vector<16xi32>,
    %get3A_186 = arith.constant 32 : index
    %get3A_187 = tpu.vector_load %arg11[%get3A_186] {strides = array<i32>} : memref<8192xf32, #tpu.memory_space<vmem>>, vector<16xf32>,
    %get3A_188 = vector.shape_cast %get3A_187 : vector<16xf32> to vector<16xf32>
    %get3A_189 = arith.constant 32 : index
    %get3A_190 = tpu.vector_load %arg12[%get3A_189] {strides = array<i32>} : memref<8192xf32, #tpu.memory_space<vmem>>, vector<16xf32>,
    %get3A_191 = vector.shape_cast %get3A_190 : vector<16xf32> to vector<16xf32>
    %ge3A_192 = arith.cmpf oge, %get3A_188, %get3A_8 : vector<16xf32>
    %select_n3A_193 = arith.select %ge3A_192, %broadcast_in_dim3A_74, %broadcast_in_dim3A_76 : vector<16xi1>, vector<16xi32>
    %add3A_194 = arith.addi %broadcast_in_dim3A_76, %select_n3A_193 : vector<16xi32>
    %ge3A_195 = arith.cmpf oge, %get3A_188, %get3A_13 : vector<16xf32>
    %select_n3A_196 = arith.select %ge3A_195, %broadcast_in_dim3A_74, %broadcast_in_dim3A_76 : vector<16xi1>, vector<16xi32>
    %add3A_197 = arith.addi %add3A_194, %select_n3A_196 : vector<16xi32>
    %ge3A_198 = arith.cmpf oge, %get3A_188, %get3A_18 : vector<16xf32>
    %select_n3A_199 = arith.select %ge3A_198, %broadcast_in_dim3A_74, %broadcast_in_dim3A_76 : vector<16xi1>, vector<16xi32>
    %add3A_200 = arith.addi %add3A_197, %select_n3A_199 : vector<16xi32>
    %ge3A_201 = arith.cmpf oge, %get3A_188, %get3A_23 : vector<16xf32>
    %select_n3A_202 = arith.select %ge3A_201, %broadcast_in_dim3A_74, %broadcast_in_dim3A_76 : vector<16xi1>, vector<16xi32>
    %add3A_203 = arith.addi %add3A_200, %select_n3A_202 : vector<16xi32>
    %ge3A_204 = arith.cmpf oge, %get3A_188, %get3A_28 : vector<16xf32>
    %select_n3A_205 = arith.select %ge3A_204, %broadcast_in_dim3A_74, %broadcast_in_dim3A_76 : vector<16xi1>, vector<16xi32>
    %add3A_206 = arith.addi %add3A_203, %select_n3A_205 : vector<16xi32>
    %ge3A_207 = arith.cmpf oge, %get3A_188, %get3A_33 : vector<16xf32>
    %select_n3A_208 = arith.select %ge3A_207, %broadcast_in_dim3A_74, %broadcast_in_dim3A_76 : vector<16xi1>, vector<16xi32>
    %add3A_209 = arith.addi %add3A_206, %select_n3A_208 : vector<16xi32>
    %ge3A_210 = arith.cmpf oge, %get3A_188, %get3A_38 : vector<16xf32>
    %select_n3A_211 = arith.select %ge3A_210, %broadcast_in_dim3A_74, %broadcast_in_dim3A_76 : vector<16xi1>, vector<16xi32>
    %add3A_212 = arith.addi %add3A_209, %select_n3A_211 : vector<16xi32>
    %ge3A_213 = arith.cmpf oge, %get3A_191, %get3A_43 : vector<16xf32>
    %select_n3A_214 = arith.select %ge3A_213, %broadcast_in_dim3A_74, %broadcast_in_dim3A_76 : vector<16xi1>, vector<16xi32>
    %add3A_215 = arith.addi %broadcast_in_dim3A_76, %select_n3A_214 : vector<16xi32>
    %ge3A_216 = arith.cmpf oge, %get3A_191, %get3A_48 : vector<16xf32>
    %select_n3A_217 = arith.select %ge3A_216, %broadcast_in_dim3A_74, %broadcast_in_dim3A_76 : vector<16xi1>, vector<16xi32>
    %add3A_218 = arith.addi %add3A_215, %select_n3A_217 : vector<16xi32>
    %ge3A_219 = arith.cmpf oge, %get3A_191, %get3A_53 : vector<16xf32>
    %select_n3A_220 = arith.select %ge3A_219, %broadcast_in_dim3A_74, %broadcast_in_dim3A_76 : vector<16xi1>, vector<16xi32>
    %add3A_221 = arith.addi %add3A_218, %select_n3A_220 : vector<16xi32>
    %ge3A_222 = arith.cmpf oge, %get3A_191, %get3A_58 : vector<16xf32>
    %select_n3A_223 = arith.select %ge3A_222, %broadcast_in_dim3A_74, %broadcast_in_dim3A_76 : vector<16xi1>, vector<16xi32>
    %add3A_224 = arith.addi %add3A_221, %select_n3A_223 : vector<16xi32>
    %ge3A_225 = arith.cmpf oge, %get3A_191, %get3A_63 : vector<16xf32>
    %select_n3A_226 = arith.select %ge3A_225, %broadcast_in_dim3A_74, %broadcast_in_dim3A_76 : vector<16xi1>, vector<16xi32>
    %add3A_227 = arith.addi %add3A_224, %select_n3A_226 : vector<16xi32>
    %ge3A_228 = arith.cmpf oge, %get3A_191, %get3A_68 : vector<16xf32>
    %select_n3A_229 = arith.select %ge3A_228, %broadcast_in_dim3A_74, %broadcast_in_dim3A_76 : vector<16xi1>, vector<16xi32>
    %add3A_230 = arith.addi %add3A_227, %select_n3A_229 : vector<16xi32>
    %ge3A_231 = arith.cmpf oge, %get3A_191, %get3A_73 : vector<16xf32>
    %select_n3A_232 = arith.select %ge3A_231, %broadcast_in_dim3A_74, %broadcast_in_dim3A_76 : vector<16xi1>, vector<16xi32>
    %add3A_233 = arith.addi %add3A_230, %select_n3A_232 : vector<16xi32>
    %mul3A_234 = arith.constant 8 : i32
    %mul3A_235 = vector.broadcast %mul3A_234 : i32 to vector<16xi32>
    %mul3A_236 = arith.muli %mul3A_235, %add3A_233 : vector<16xi32>
    %add3A_237 = arith.addi %add3A_212, %mul3A_236 : vector<16xi32>
    %swap3A_238 = arith.constant 32 : index
    %swap3A_239 = tpu.vector_load %arg15[%swap3A_238] {strides = array<i32>} : memref<128xi32, #tpu.memory_space<vmem>>, vector<16xi32>,
    %swap3A_240 = vector.shape_cast %swap3A_239 : vector<16xi32> to vector<16xi32>
    %swap3A_241 = vector.shape_cast %add3A_237 : vector<16xi32> to vector<16xi32>
    tpu.vector_store %arg15[%swap3A_238], %swap3A_241 {strides = array<i32>} : memref<128xi32, #tpu.memory_space<vmem>>, vector<16xi32>,
    %get3A_242 = arith.constant 48 : index
    %get3A_243 = tpu.vector_load %arg11[%get3A_242] {strides = array<i32>} : memref<8192xf32, #tpu.memory_space<vmem>>, vector<16xf32>,
    %get3A_244 = vector.shape_cast %get3A_243 : vector<16xf32> to vector<16xf32>
    %get3A_245 = arith.constant 48 : index
    %get3A_246 = tpu.vector_load %arg12[%get3A_245] {strides = array<i32>} : memref<8192xf32, #tpu.memory_space<vmem>>, vector<16xf32>,
    %get3A_247 = vector.shape_cast %get3A_246 : vector<16xf32> to vector<16xf32>
    %ge3A_248 = arith.cmpf oge, %get3A_244, %get3A_8 : vector<16xf32>
    %select_n3A_249 = arith.select %ge3A_248, %broadcast_in_dim3A_74, %broadcast_in_dim3A_76 : vector<16xi1>, vector<16xi32>
    %add3A_250 = arith.addi %broadcast_in_dim3A_76, %select_n3A_249 : vector<16xi32>
    %ge3A_251 = arith.cmpf oge, %get3A_244, %get3A_13 : vector<16xf32>
    %select_n3A_252 = arith.select %ge3A_251, %broadcast_in_dim3A_74, %broadcast_in_dim3A_76 : vector<16xi1>, vector<16xi32>
    %add3A_253 = arith.addi %add3A_250, %select_n3A_252 : vector<16xi32>
    %ge3A_254 = arith.cmpf oge, %get3A_244, %get3A_18 : vector<16xf32>
    %select_n3A_255 = arith.select %ge3A_254, %broadcast_in_dim3A_74, %broadcast_in_dim3A_76 : vector<16xi1>, vector<16xi32>
    %add3A_256 = arith.addi %add3A_253, %select_n3A_255 : vector<16xi32>
    %ge3A_257 = arith.cmpf oge, %get3A_244, %get3A_23 : vector<16xf32>
    %select_n3A_258 = arith.select %ge3A_257, %broadcast_in_dim3A_74, %broadcast_in_dim3A_76 : vector<16xi1>, vector<16xi32>
    %add3A_259 = arith.addi %add3A_256, %select_n3A_258 : vector<16xi32>
    %ge3A_260 = arith.cmpf oge, %get3A_244, %get3A_28 : vector<16xf32>
    %select_n3A_261 = arith.select %ge3A_260, %broadcast_in_dim3A_74, %broadcast_in_dim3A_76 : vector<16xi1>, vector<16xi32>
    %add3A_262 = arith.addi %add3A_259, %select_n3A_261 : vector<16xi32>
    %ge3A_263 = arith.cmpf oge, %get3A_244, %get3A_33 : vector<16xf32>
    %select_n3A_264 = arith.select %ge3A_263, %broadcast_in_dim3A_74, %broadcast_in_dim3A_76 : vector<16xi1>, vector<16xi32>
    %add3A_265 = arith.addi %add3A_262, %select_n3A_264 : vector<16xi32>
    %ge3A_266 = arith.cmpf oge, %get3A_244, %get3A_38 : vector<16xf32>
    %select_n3A_267 = arith.select %ge3A_266, %broadcast_in_dim3A_74, %broadcast_in_dim3A_76 : vector<16xi1>, vector<16xi32>
    %add3A_268 = arith.addi %add3A_265, %select_n3A_267 : vector<16xi32>
    %ge3A_269 = arith.cmpf oge, %get3A_247, %get3A_43 : vector<16xf32>
    %select_n3A_270 = arith.select %ge3A_269, %broadcast_in_dim3A_74, %broadcast_in_dim3A_76 : vector<16xi1>, vector<16xi32>
    %add3A_271 = arith.addi %broadcast_in_dim3A_76, %select_n3A_270 : vector<16xi32>
    %ge3A_272 = arith.cmpf oge, %get3A_247, %get3A_48 : vector<16xf32>
    %select_n3A_273 = arith.select %ge3A_272, %broadcast_in_dim3A_74, %broadcast_in_dim3A_76 : vector<16xi1>, vector<16xi32>
    %add3A_274 = arith.addi %add3A_271, %select_n3A_273 : vector<16xi32>
    %ge3A_275 = arith.cmpf oge, %get3A_247, %get3A_53 : vector<16xf32>
    %select_n3A_276 = arith.select %ge3A_275, %broadcast_in_dim3A_74, %broadcast_in_dim3A_76 : vector<16xi1>, vector<16xi32>
    %add3A_277 = arith.addi %add3A_274, %select_n3A_276 : vector<16xi32>
    %ge3A_278 = arith.cmpf oge, %get3A_247, %get3A_58 : vector<16xf32>
    %select_n3A_279 = arith.select %ge3A_278, %broadcast_in_dim3A_74, %broadcast_in_dim3A_76 : vector<16xi1>, vector<16xi32>
    %add3A_280 = arith.addi %add3A_277, %select_n3A_279 : vector<16xi32>
    %ge3A_281 = arith.cmpf oge, %get3A_247, %get3A_63 : vector<16xf32>
    %select_n3A_282 = arith.select %ge3A_281, %broadcast_in_dim3A_74, %broadcast_in_dim3A_76 : vector<16xi1>, vector<16xi32>
    %add3A_283 = arith.addi %add3A_280, %select_n3A_282 : vector<16xi32>
    %ge3A_284 = arith.cmpf oge, %get3A_247, %get3A_68 : vector<16xf32>
    %select_n3A_285 = arith.select %ge3A_284, %broadcast_in_dim3A_74, %broadcast_in_dim3A_76 : vector<16xi1>, vector<16xi32>
    %add3A_286 = arith.addi %add3A_283, %select_n3A_285 : vector<16xi32>
    %ge3A_287 = arith.cmpf oge, %get3A_247, %get3A_73 : vector<16xf32>
    %select_n3A_288 = arith.select %ge3A_287, %broadcast_in_dim3A_74, %broadcast_in_dim3A_76 : vector<16xi1>, vector<16xi32>
    %add3A_289 = arith.addi %add3A_286, %select_n3A_288 : vector<16xi32>
    %mul3A_290 = arith.constant 8 : i32
    %mul3A_291 = vector.broadcast %mul3A_290 : i32 to vector<16xi32>
    %mul3A_292 = arith.muli %mul3A_291, %add3A_289 : vector<16xi32>
    %add3A_293 = arith.addi %add3A_268, %mul3A_292 : vector<16xi32>
    %swap3A_294 = arith.constant 48 : index
    %swap3A_295 = tpu.vector_load %arg15[%swap3A_294] {strides = array<i32>} : memref<128xi32, #tpu.memory_space<vmem>>, vector<16xi32>,
    %swap3A_296 = vector.shape_cast %swap3A_295 : vector<16xi32> to vector<16xi32>
    %swap3A_297 = vector.shape_cast %add3A_293 : vector<16xi32> to vector<16xi32>
    tpu.vector_store %arg15[%swap3A_294], %swap3A_297 {strides = array<i32>} : memref<128xi32, #tpu.memory_space<vmem>>, vector<16xi32>,
    %get3A_298 = arith.constant 64 : index
    %get3A_299 = tpu.vector_load %arg11[%get3A_298] {strides = array<i32>} : memref<8192xf32, #tpu.memory_space<vmem>>, vector<16xf32>,
    %get3A_300 = vector.shape_cast %get3A_299 : vector<16xf32> to vector<16xf32>
    %get3A_301 = arith.constant 64 : index
    %get3A_302 = tpu.vector_load %arg12[%get3A_301] {strides = array<i32>} : memref<8192xf32, #tpu.memory_space<vmem>>, vector<16xf32>,
    %get3A_303 = vector.shape_cast %get3A_302 : vector<16xf32> to vector<16xf32>
    %ge3A_304 = arith.cmpf oge, %get3A_300, %get3A_8 : vector<16xf32>
    %select_n3A_305 = arith.select %ge3A_304, %broadcast_in_dim3A_74, %broadcast_in_dim3A_76 : vector<16xi1>, vector<16xi32>
    %add3A_306 = arith.addi %broadcast_in_dim3A_76, %select_n3A_305 : vector<16xi32>
    %ge3A_307 = arith.cmpf oge, %get3A_300, %get3A_13 : vector<16xf32>
    %select_n3A_308 = arith.select %ge3A_307, %broadcast_in_dim3A_74, %broadcast_in_dim3A_76 : vector<16xi1>, vector<16xi32>
    %add3A_309 = arith.addi %add3A_306, %select_n3A_308 : vector<16xi32>
    %ge3A_310 = arith.cmpf oge, %get3A_300, %get3A_18 : vector<16xf32>
    %select_n3A_311 = arith.select %ge3A_310, %broadcast_in_dim3A_74, %broadcast_in_dim3A_76 : vector<16xi1>, vector<16xi32>
    %add3A_312 = arith.addi %add3A_309, %select_n3A_311 : vector<16xi32>
    %ge3A_313 = arith.cmpf oge, %get3A_300, %get3A_23 : vector<16xf32>
    %select_n3A_314 = arith.select %ge3A_313, %broadcast_in_dim3A_74, %broadcast_in_dim3A_76 : vector<16xi1>, vector<16xi32>
    %add3A_315 = arith.addi %add3A_312, %select_n3A_314 : vector<16xi32>
    %ge3A_316 = arith.cmpf oge, %get3A_300, %get3A_28 : vector<16xf32>
    %select_n3A_317 = arith.select %ge3A_316, %broadcast_in_dim3A_74, %broadcast_in_dim3A_76 : vector<16xi1>, vector<16xi32>
    %add3A_318 = arith.addi %add3A_315, %select_n3A_317 : vector<16xi32>
    %ge3A_319 = arith.cmpf oge, %get3A_300, %get3A_33 : vector<16xf32>
    %select_n3A_320 = arith.select %ge3A_319, %broadcast_in_dim3A_74, %broadcast_in_dim3A_76 : vector<16xi1>, vector<16xi32>
    %add3A_321 = arith.addi %add3A_318, %select_n3A_320 : vector<16xi32>
    %ge3A_322 = arith.cmpf oge, %get3A_300, %get3A_38 : vector<16xf32>
    %select_n3A_323 = arith.select %ge3A_322, %broadcast_in_dim3A_74, %broadcast_in_dim3A_76 : vector<16xi1>, vector<16xi32>
    %add3A_324 = arith.addi %add3A_321, %select_n3A_323 : vector<16xi32>
    %ge3A_325 = arith.cmpf oge, %get3A_303, %get3A_43 : vector<16xf32>
    %select_n3A_326 = arith.select %ge3A_325, %broadcast_in_dim3A_74, %broadcast_in_dim3A_76 : vector<16xi1>, vector<16xi32>
    %add3A_327 = arith.addi %broadcast_in_dim3A_76, %select_n3A_326 : vector<16xi32>
    %ge3A_328 = arith.cmpf oge, %get3A_303, %get3A_48 : vector<16xf32>
    %select_n3A_329 = arith.select %ge3A_328, %broadcast_in_dim3A_74, %broadcast_in_dim3A_76 : vector<16xi1>, vector<16xi32>
    %add3A_330 = arith.addi %add3A_327, %select_n3A_329 : vector<16xi32>
    %ge3A_331 = arith.cmpf oge, %get3A_303, %get3A_53 : vector<16xf32>
    %select_n3A_332 = arith.select %ge3A_331, %broadcast_in_dim3A_74, %broadcast_in_dim3A_76 : vector<16xi1>, vector<16xi32>
    %add3A_333 = arith.addi %add3A_330, %select_n3A_332 : vector<16xi32>
    %ge3A_334 = arith.cmpf oge, %get3A_303, %get3A_58 : vector<16xf32>
    %select_n3A_335 = arith.select %ge3A_334, %broadcast_in_dim3A_74, %broadcast_in_dim3A_76 : vector<16xi1>, vector<16xi32>
    %add3A_336 = arith.addi %add3A_333, %select_n3A_335 : vector<16xi32>
    %ge3A_337 = arith.cmpf oge, %get3A_303, %get3A_63 : vector<16xf32>
    %select_n3A_338 = arith.select %ge3A_337, %broadcast_in_dim3A_74, %broadcast_in_dim3A_76 : vector<16xi1>, vector<16xi32>
    %add3A_339 = arith.addi %add3A_336, %select_n3A_338 : vector<16xi32>
    %ge3A_340 = arith.cmpf oge, %get3A_303, %get3A_68 : vector<16xf32>
    %select_n3A_341 = arith.select %ge3A_340, %broadcast_in_dim3A_74, %broadcast_in_dim3A_76 : vector<16xi1>, vector<16xi32>
    %add3A_342 = arith.addi %add3A_339, %select_n3A_341 : vector<16xi32>
    %ge3A_343 = arith.cmpf oge, %get3A_303, %get3A_73 : vector<16xf32>
    %select_n3A_344 = arith.select %ge3A_343, %broadcast_in_dim3A_74, %broadcast_in_dim3A_76 : vector<16xi1>, vector<16xi32>
    %add3A_345 = arith.addi %add3A_342, %select_n3A_344 : vector<16xi32>
    %mul3A_346 = arith.constant 8 : i32
    %mul3A_347 = vector.broadcast %mul3A_346 : i32 to vector<16xi32>
    %mul3A_348 = arith.muli %mul3A_347, %add3A_345 : vector<16xi32>
    %add3A_349 = arith.addi %add3A_324, %mul3A_348 : vector<16xi32>
    %swap3A_350 = arith.constant 64 : index
    %swap3A_351 = tpu.vector_load %arg15[%swap3A_350] {strides = array<i32>} : memref<128xi32, #tpu.memory_space<vmem>>, vector<16xi32>,
    %swap3A_352 = vector.shape_cast %swap3A_351 : vector<16xi32> to vector<16xi32>
    %swap3A_353 = vector.shape_cast %add3A_349 : vector<16xi32> to vector<16xi32>
    tpu.vector_store %arg15[%swap3A_350], %swap3A_353 {strides = array<i32>} : memref<128xi32, #tpu.memory_space<vmem>>, vector<16xi32>,
    %get3A_354 = arith.constant 80 : index
    %get3A_355 = tpu.vector_load %arg11[%get3A_354] {strides = array<i32>} : memref<8192xf32, #tpu.memory_space<vmem>>, vector<16xf32>,
    %get3A_356 = vector.shape_cast %get3A_355 : vector<16xf32> to vector<16xf32>
    %get3A_357 = arith.constant 80 : index
    %get3A_358 = tpu.vector_load %arg12[%get3A_357] {strides = array<i32>} : memref<8192xf32, #tpu.memory_space<vmem>>, vector<16xf32>,
    %get3A_359 = vector.shape_cast %get3A_358 : vector<16xf32> to vector<16xf32>
    %ge3A_360 = arith.cmpf oge, %get3A_356, %get3A_8 : vector<16xf32>
    %select_n3A_361 = arith.select %ge3A_360, %broadcast_in_dim3A_74, %broadcast_in_dim3A_76 : vector<16xi1>, vector<16xi32>
    %add3A_362 = arith.addi %broadcast_in_dim3A_76, %select_n3A_361 : vector<16xi32>
    %ge3A_363 = arith.cmpf oge, %get3A_356, %get3A_13 : vector<16xf32>
    %select_n3A_364 = arith.select %ge3A_363, %broadcast_in_dim3A_74, %broadcast_in_dim3A_76 : vector<16xi1>, vector<16xi32>
    %add3A_365 = arith.addi %add3A_362, %select_n3A_364 : vector<16xi32>
    %ge3A_366 = arith.cmpf oge, %get3A_356, %get3A_18 : vector<16xf32>
    %select_n3A_367 = arith.select %ge3A_366, %broadcast_in_dim3A_74, %broadcast_in_dim3A_76 : vector<16xi1>, vector<16xi32>
    %add3A_368 = arith.addi %add3A_365, %select_n3A_367 : vector<16xi32>
    %ge3A_369 = arith.cmpf oge, %get3A_356, %get3A_23 : vector<16xf32>
    %select_n3A_370 = arith.select %ge3A_369, %broadcast_in_dim3A_74, %broadcast_in_dim3A_76 : vector<16xi1>, vector<16xi32>
    %add3A_371 = arith.addi %add3A_368, %select_n3A_370 : vector<16xi32>
    %ge3A_372 = arith.cmpf oge, %get3A_356, %get3A_28 : vector<16xf32>
    %select_n3A_373 = arith.select %ge3A_372, %broadcast_in_dim3A_74, %broadcast_in_dim3A_76 : vector<16xi1>, vector<16xi32>
    %add3A_374 = arith.addi %add3A_371, %select_n3A_373 : vector<16xi32>
    %ge3A_375 = arith.cmpf oge, %get3A_356, %get3A_33 : vector<16xf32>
    %select_n3A_376 = arith.select %ge3A_375, %broadcast_in_dim3A_74, %broadcast_in_dim3A_76 : vector<16xi1>, vector<16xi32>
    %add3A_377 = arith.addi %add3A_374, %select_n3A_376 : vector<16xi32>
    %ge3A_378 = arith.cmpf oge, %get3A_356, %get3A_38 : vector<16xf32>
    %select_n3A_379 = arith.select %ge3A_378, %broadcast_in_dim3A_74, %broadcast_in_dim3A_76 : vector<16xi1>, vector<16xi32>
    %add3A_380 = arith.addi %add3A_377, %select_n3A_379 : vector<16xi32>
    %ge3A_381 = arith.cmpf oge, %get3A_359, %get3A_43 : vector<16xf32>
    %select_n3A_382 = arith.select %ge3A_381, %broadcast_in_dim3A_74, %broadcast_in_dim3A_76 : vector<16xi1>, vector<16xi32>
    %add3A_383 = arith.addi %broadcast_in_dim3A_76, %select_n3A_382 : vector<16xi32>
    %ge3A_384 = arith.cmpf oge, %get3A_359, %get3A_48 : vector<16xf32>
    %select_n3A_385 = arith.select %ge3A_384, %broadcast_in_dim3A_74, %broadcast_in_dim3A_76 : vector<16xi1>, vector<16xi32>
    %add3A_386 = arith.addi %add3A_383, %select_n3A_385 : vector<16xi32>
    %ge3A_387 = arith.cmpf oge, %get3A_359, %get3A_53 : vector<16xf32>
    %select_n3A_388 = arith.select %ge3A_387, %broadcast_in_dim3A_74, %broadcast_in_dim3A_76 : vector<16xi1>, vector<16xi32>
    %add3A_389 = arith.addi %add3A_386, %select_n3A_388 : vector<16xi32>
    %ge3A_390 = arith.cmpf oge, %get3A_359, %get3A_58 : vector<16xf32>
    %select_n3A_391 = arith.select %ge3A_390, %broadcast_in_dim3A_74, %broadcast_in_dim3A_76 : vector<16xi1>, vector<16xi32>
    %add3A_392 = arith.addi %add3A_389, %select_n3A_391 : vector<16xi32>
    %ge3A_393 = arith.cmpf oge, %get3A_359, %get3A_63 : vector<16xf32>
    %select_n3A_394 = arith.select %ge3A_393, %broadcast_in_dim3A_74, %broadcast_in_dim3A_76 : vector<16xi1>, vector<16xi32>
    %add3A_395 = arith.addi %add3A_392, %select_n3A_394 : vector<16xi32>
    %ge3A_396 = arith.cmpf oge, %get3A_359, %get3A_68 : vector<16xf32>
    %select_n3A_397 = arith.select %ge3A_396, %broadcast_in_dim3A_74, %broadcast_in_dim3A_76 : vector<16xi1>, vector<16xi32>
    %add3A_398 = arith.addi %add3A_395, %select_n3A_397 : vector<16xi32>
    %ge3A_399 = arith.cmpf oge, %get3A_359, %get3A_73 : vector<16xf32>
    %select_n3A_400 = arith.select %ge3A_399, %broadcast_in_dim3A_74, %broadcast_in_dim3A_76 : vector<16xi1>, vector<16xi32>
    %add3A_401 = arith.addi %add3A_398, %select_n3A_400 : vector<16xi32>
    %mul3A_402 = arith.constant 8 : i32
    %mul3A_403 = vector.broadcast %mul3A_402 : i32 to vector<16xi32>
    %mul3A_404 = arith.muli %mul3A_403, %add3A_401 : vector<16xi32>
    %add3A_405 = arith.addi %add3A_380, %mul3A_404 : vector<16xi32>
    %swap3A_406 = arith.constant 80 : index
    %swap3A_407 = tpu.vector_load %arg15[%swap3A_406] {strides = array<i32>} : memref<128xi32, #tpu.memory_space<vmem>>, vector<16xi32>,
    %swap3A_408 = vector.shape_cast %swap3A_407 : vector<16xi32> to vector<16xi32>
    %swap3A_409 = vector.shape_cast %add3A_405 : vector<16xi32> to vector<16xi32>
    tpu.vector_store %arg15[%swap3A_406], %swap3A_409 {strides = array<i32>} : memref<128xi32, #tpu.memory_space<vmem>>, vector<16xi32>,
    %get3A_410 = arith.constant 96 : index
    %get3A_411 = tpu.vector_load %arg11[%get3A_410] {strides = array<i32>} : memref<8192xf32, #tpu.memory_space<vmem>>, vector<16xf32>,
    %get3A_412 = vector.shape_cast %get3A_411 : vector<16xf32> to vector<16xf32>
    %get3A_413 = arith.constant 96 : index
    %get3A_414 = tpu.vector_load %arg12[%get3A_413] {strides = array<i32>} : memref<8192xf32, #tpu.memory_space<vmem>>, vector<16xf32>,
    %get3A_415 = vector.shape_cast %get3A_414 : vector<16xf32> to vector<16xf32>
    %ge3A_416 = arith.cmpf oge, %get3A_412, %get3A_8 : vector<16xf32>
    %select_n3A_417 = arith.select %ge3A_416, %broadcast_in_dim3A_74, %broadcast_in_dim3A_76 : vector<16xi1>, vector<16xi32>
    %add3A_418 = arith.addi %broadcast_in_dim3A_76, %select_n3A_417 : vector<16xi32>
    %ge3A_419 = arith.cmpf oge, %get3A_412, %get3A_13 : vector<16xf32>
    %select_n3A_420 = arith.select %ge3A_419, %broadcast_in_dim3A_74, %broadcast_in_dim3A_76 : vector<16xi1>, vector<16xi32>
    %add3A_421 = arith.addi %add3A_418, %select_n3A_420 : vector<16xi32>
    %ge3A_422 = arith.cmpf oge, %get3A_412, %get3A_18 : vector<16xf32>
    %select_n3A_423 = arith.select %ge3A_422, %broadcast_in_dim3A_74, %broadcast_in_dim3A_76 : vector<16xi1>, vector<16xi32>
    %add3A_424 = arith.addi %add3A_421, %select_n3A_423 : vector<16xi32>
    %ge3A_425 = arith.cmpf oge, %get3A_412, %get3A_23 : vector<16xf32>
    %select_n3A_426 = arith.select %ge3A_425, %broadcast_in_dim3A_74, %broadcast_in_dim3A_76 : vector<16xi1>, vector<16xi32>
    %add3A_427 = arith.addi %add3A_424, %select_n3A_426 : vector<16xi32>
    %ge3A_428 = arith.cmpf oge, %get3A_412, %get3A_28 : vector<16xf32>
    %select_n3A_429 = arith.select %ge3A_428, %broadcast_in_dim3A_74, %broadcast_in_dim3A_76 : vector<16xi1>, vector<16xi32>
    %add3A_430 = arith.addi %add3A_427, %select_n3A_429 : vector<16xi32>
    %ge3A_431 = arith.cmpf oge, %get3A_412, %get3A_33 : vector<16xf32>
    %select_n3A_432 = arith.select %ge3A_431, %broadcast_in_dim3A_74, %broadcast_in_dim3A_76 : vector<16xi1>, vector<16xi32>
    %add3A_433 = arith.addi %add3A_430, %select_n3A_432 : vector<16xi32>
    %ge3A_434 = arith.cmpf oge, %get3A_412, %get3A_38 : vector<16xf32>
    %select_n3A_435 = arith.select %ge3A_434, %broadcast_in_dim3A_74, %broadcast_in_dim3A_76 : vector<16xi1>, vector<16xi32>
    %add3A_436 = arith.addi %add3A_433, %select_n3A_435 : vector<16xi32>
    %ge3A_437 = arith.cmpf oge, %get3A_415, %get3A_43 : vector<16xf32>
    %select_n3A_438 = arith.select %ge3A_437, %broadcast_in_dim3A_74, %broadcast_in_dim3A_76 : vector<16xi1>, vector<16xi32>
    %add3A_439 = arith.addi %broadcast_in_dim3A_76, %select_n3A_438 : vector<16xi32>
    %ge3A_440 = arith.cmpf oge, %get3A_415, %get3A_48 : vector<16xf32>
    %select_n3A_441 = arith.select %ge3A_440, %broadcast_in_dim3A_74, %broadcast_in_dim3A_76 : vector<16xi1>, vector<16xi32>
    %add3A_442 = arith.addi %add3A_439, %select_n3A_441 : vector<16xi32>
    %ge3A_443 = arith.cmpf oge, %get3A_415, %get3A_53 : vector<16xf32>
    %select_n3A_444 = arith.select %ge3A_443, %broadcast_in_dim3A_74, %broadcast_in_dim3A_76 : vector<16xi1>, vector<16xi32>
    %add3A_445 = arith.addi %add3A_442, %select_n3A_444 : vector<16xi32>
    %ge3A_446 = arith.cmpf oge, %get3A_415, %get3A_58 : vector<16xf32>
    %select_n3A_447 = arith.select %ge3A_446, %broadcast_in_dim3A_74, %broadcast_in_dim3A_76 : vector<16xi1>, vector<16xi32>
    %add3A_448 = arith.addi %add3A_445, %select_n3A_447 : vector<16xi32>
    %ge3A_449 = arith.cmpf oge, %get3A_415, %get3A_63 : vector<16xf32>
    %select_n3A_450 = arith.select %ge3A_449, %broadcast_in_dim3A_74, %broadcast_in_dim3A_76 : vector<16xi1>, vector<16xi32>
    %add3A_451 = arith.addi %add3A_448, %select_n3A_450 : vector<16xi32>
    %ge3A_452 = arith.cmpf oge, %get3A_415, %get3A_68 : vector<16xf32>
    %select_n3A_453 = arith.select %ge3A_452, %broadcast_in_dim3A_74, %broadcast_in_dim3A_76 : vector<16xi1>, vector<16xi32>
    %add3A_454 = arith.addi %add3A_451, %select_n3A_453 : vector<16xi32>
    %ge3A_455 = arith.cmpf oge, %get3A_415, %get3A_73 : vector<16xf32>
    %select_n3A_456 = arith.select %ge3A_455, %broadcast_in_dim3A_74, %broadcast_in_dim3A_76 : vector<16xi1>, vector<16xi32>
    %add3A_457 = arith.addi %add3A_454, %select_n3A_456 : vector<16xi32>
    %mul3A_458 = arith.constant 8 : i32
    %mul3A_459 = vector.broadcast %mul3A_458 : i32 to vector<16xi32>
    %mul3A_460 = arith.muli %mul3A_459, %add3A_457 : vector<16xi32>
    %add3A_461 = arith.addi %add3A_436, %mul3A_460 : vector<16xi32>
    %swap3A_462 = arith.constant 96 : index
    %swap3A_463 = tpu.vector_load %arg15[%swap3A_462] {strides = array<i32>} : memref<128xi32, #tpu.memory_space<vmem>>, vector<16xi32>,
    %swap3A_464 = vector.shape_cast %swap3A_463 : vector<16xi32> to vector<16xi32>
    %swap3A_465 = vector.shape_cast %add3A_461 : vector<16xi32> to vector<16xi32>
    tpu.vector_store %arg15[%swap3A_462], %swap3A_465 {strides = array<i32>} : memref<128xi32, #tpu.memory_space<vmem>>, vector<16xi32>,
    %get3A_466 = arith.constant 112 : index
    %get3A_467 = tpu.vector_load %arg11[%get3A_466] {strides = array<i32>} : memref<8192xf32, #tpu.memory_space<vmem>>, vector<16xf32>,
    %get3A_468 = vector.shape_cast %get3A_467 : vector<16xf32> to vector<16xf32>
    %get3A_469 = arith.constant 112 : index
    %get3A_470 = tpu.vector_load %arg12[%get3A_469] {strides = array<i32>} : memref<8192xf32, #tpu.memory_space<vmem>>, vector<16xf32>,
    %get3A_471 = vector.shape_cast %get3A_470 : vector<16xf32> to vector<16xf32>
    %ge3A_472 = arith.cmpf oge, %get3A_468, %get3A_8 : vector<16xf32>
    %select_n3A_473 = arith.select %ge3A_472, %broadcast_in_dim3A_74, %broadcast_in_dim3A_76 : vector<16xi1>, vector<16xi32>
    %add3A_474 = arith.addi %broadcast_in_dim3A_76, %select_n3A_473 : vector<16xi32>
    %ge3A_475 = arith.cmpf oge, %get3A_468, %get3A_13 : vector<16xf32>
    %select_n3A_476 = arith.select %ge3A_475, %broadcast_in_dim3A_74, %broadcast_in_dim3A_76 : vector<16xi1>, vector<16xi32>
    %add3A_477 = arith.addi %add3A_474, %select_n3A_476 : vector<16xi32>
    %ge3A_478 = arith.cmpf oge, %get3A_468, %get3A_18 : vector<16xf32>
    %select_n3A_479 = arith.select %ge3A_478, %broadcast_in_dim3A_74, %broadcast_in_dim3A_76 : vector<16xi1>, vector<16xi32>
    %add3A_480 = arith.addi %add3A_477, %select_n3A_479 : vector<16xi32>
    %ge3A_481 = arith.cmpf oge, %get3A_468, %get3A_23 : vector<16xf32>
    %select_n3A_482 = arith.select %ge3A_481, %broadcast_in_dim3A_74, %broadcast_in_dim3A_76 : vector<16xi1>, vector<16xi32>
    %add3A_483 = arith.addi %add3A_480, %select_n3A_482 : vector<16xi32>
    %ge3A_484 = arith.cmpf oge, %get3A_468, %get3A_28 : vector<16xf32>
    %select_n3A_485 = arith.select %ge3A_484, %broadcast_in_dim3A_74, %broadcast_in_dim3A_76 : vector<16xi1>, vector<16xi32>
    %add3A_486 = arith.addi %add3A_483, %select_n3A_485 : vector<16xi32>
    %ge3A_487 = arith.cmpf oge, %get3A_468, %get3A_33 : vector<16xf32>
    %select_n3A_488 = arith.select %ge3A_487, %broadcast_in_dim3A_74, %broadcast_in_dim3A_76 : vector<16xi1>, vector<16xi32>
    %add3A_489 = arith.addi %add3A_486, %select_n3A_488 : vector<16xi32>
    %ge3A_490 = arith.cmpf oge, %get3A_468, %get3A_38 : vector<16xf32>
    %select_n3A_491 = arith.select %ge3A_490, %broadcast_in_dim3A_74, %broadcast_in_dim3A_76 : vector<16xi1>, vector<16xi32>
    %add3A_492 = arith.addi %add3A_489, %select_n3A_491 : vector<16xi32>
    %ge3A_493 = arith.cmpf oge, %get3A_471, %get3A_43 : vector<16xf32>
    %select_n3A_494 = arith.select %ge3A_493, %broadcast_in_dim3A_74, %broadcast_in_dim3A_76 : vector<16xi1>, vector<16xi32>
    %add3A_495 = arith.addi %broadcast_in_dim3A_76, %select_n3A_494 : vector<16xi32>
    %ge3A_496 = arith.cmpf oge, %get3A_471, %get3A_48 : vector<16xf32>
    %select_n3A_497 = arith.select %ge3A_496, %broadcast_in_dim3A_74, %broadcast_in_dim3A_76 : vector<16xi1>, vector<16xi32>
    %add3A_498 = arith.addi %add3A_495, %select_n3A_497 : vector<16xi32>
    %ge3A_499 = arith.cmpf oge, %get3A_471, %get3A_53 : vector<16xf32>
    %select_n3A_500 = arith.select %ge3A_499, %broadcast_in_dim3A_74, %broadcast_in_dim3A_76 : vector<16xi1>, vector<16xi32>
    %add3A_501 = arith.addi %add3A_498, %select_n3A_500 : vector<16xi32>
    %ge3A_502 = arith.cmpf oge, %get3A_471, %get3A_58 : vector<16xf32>
    %select_n3A_503 = arith.select %ge3A_502, %broadcast_in_dim3A_74, %broadcast_in_dim3A_76 : vector<16xi1>, vector<16xi32>
    %add3A_504 = arith.addi %add3A_501, %select_n3A_503 : vector<16xi32>
    %ge3A_505 = arith.cmpf oge, %get3A_471, %get3A_63 : vector<16xf32>
    %select_n3A_506 = arith.select %ge3A_505, %broadcast_in_dim3A_74, %broadcast_in_dim3A_76 : vector<16xi1>, vector<16xi32>
    %add3A_507 = arith.addi %add3A_504, %select_n3A_506 : vector<16xi32>
    %ge3A_508 = arith.cmpf oge, %get3A_471, %get3A_68 : vector<16xf32>
    %select_n3A_509 = arith.select %ge3A_508, %broadcast_in_dim3A_74, %broadcast_in_dim3A_76 : vector<16xi1>, vector<16xi32>
    %add3A_510 = arith.addi %add3A_507, %select_n3A_509 : vector<16xi32>
    %ge3A_511 = arith.cmpf oge, %get3A_471, %get3A_73 : vector<16xf32>
    %select_n3A_512 = arith.select %ge3A_511, %broadcast_in_dim3A_74, %broadcast_in_dim3A_76 : vector<16xi1>, vector<16xi32>
    %add3A_513 = arith.addi %add3A_510, %select_n3A_512 : vector<16xi32>
    %mul3A_514 = arith.constant 8 : i32
    %mul3A_515 = vector.broadcast %mul3A_514 : i32 to vector<16xi32>
    %mul3A_516 = arith.muli %mul3A_515, %add3A_513 : vector<16xi32>
    %add3A_517 = arith.addi %add3A_492, %mul3A_516 : vector<16xi32>
    %swap3A_518 = arith.constant 112 : index
    %swap3A_519 = tpu.vector_load %arg15[%swap3A_518] {strides = array<i32>} : memref<128xi32, #tpu.memory_space<vmem>>, vector<16xi32>,
    %swap3A_520 = vector.shape_cast %swap3A_519 : vector<16xi32> to vector<16xi32>
    %swap3A_521 = vector.shape_cast %add3A_517 : vector<16xi32> to vector<16xi32>
    tpu.vector_store %arg15[%swap3A_518], %swap3A_521 {strides = array<i32>} : memref<128xi32, #tpu.memory_space<vmem>>, vector<16xi32>,
    %add3A_522 = arith.constant 0 : i32
    %add3A_523 = arith.addi %add3A_522, %mul3A_2 : i32
    %add3A_524 = arith.constant 0 : i32
    %add3A_525 = arith.addi %add3A_523, %add3A_524 : i32
    %dma_start3A = arith.constant 0 : i32
    %dma_start3A_526 = tpu.memref_slice %arg2[%add3A_525, %dma_start3A] : memref<1048576x64xf32, #tpu.memory_space<hbm>> -> memref<128x64xf32, #tpu.memory_space<hbm>>
    %dma_start3A_527 = arith.constant 0 : i32
    %dma_start3A_528 = tpu.memref_slice %arg2[%add3A_525, %dma_start3A_527] : memref<1048576x64xf32, #tpu.memory_space<hbm>> -> memref<128x64xf32, #tpu.memory_space<hbm>>
    tpu.enqueue_dma source(%dma_start3A_528 : memref<128x64xf32, #tpu.memory_space<hbm>>) target(%arg13 : memref<128x64xf32, #tpu.memory_space<vmem>>) target_semaphore(%arg24 : memref<!tpu.dma_semaphore, #tpu.memory_space<semaphore_mem>>)
    %scan3A = arith.constant 0 : i32
    %scan3A_529 = arith.constant 0 : i32
    %scan3A_530 = arith.constant 32 : i32
    %scan3A_531 = arith.addi %scan3A_529, %scan3A_530 : i32
    %scan3A_532 = arith.constant 1 : i32
    scf.for %scan3A_540 = %scan3A_529 to %scan3A_531 step %scan3A_532  : i32 {
      %mul3A_541 = arith.constant 2 : i32
      %mul3A_542 = arith.muli %mul3A_541, %scan3A_540 : i32
      %add3A_543 = arith.constant 1 : i32
      %add3A_544 = arith.addi %mul3A_542, %add3A_543 : i32
      %mul3A_545 = arith.constant 128 : i32
      %mul3A_546 = arith.muli %add3A_544, %mul3A_545 : i32
      %add3A_547 = arith.constant 0 : i32
      %add3A_548 = arith.addi %mul3A_546, %add3A_547 : i32
      %get3A_549 = arith.index_cast %add3A_548 : i32 to index
      %get3A_550 = tpu.vector_load %arg11[%get3A_549] {strides = array<i32>} : memref<8192xf32, #tpu.memory_space<vmem>>, vector<16xf32>,
      %get3A_551 = vector.shape_cast %get3A_550 : vector<16xf32> to vector<16xf32>
      %add3A_552 = arith.constant 0 : i32
      %add3A_553 = arith.addi %mul3A_546, %add3A_552 : i32
      %get3A_554 = arith.index_cast %add3A_553 : i32 to index
      %get3A_555 = tpu.vector_load %arg12[%get3A_554] {strides = array<i32>} : memref<8192xf32, #tpu.memory_space<vmem>>, vector<16xf32>,
      %get3A_556 = vector.shape_cast %get3A_555 : vector<16xf32> to vector<16xf32>
      %ge3A_557 = arith.cmpf oge, %get3A_551, %get3A_8 : vector<16xf32>
      %select_n3A_558 = arith.select %ge3A_557, %broadcast_in_dim3A_74, %broadcast_in_dim3A_76 : vector<16xi1>, vector<16xi32>
      %add3A_559 = arith.addi %broadcast_in_dim3A_76, %select_n3A_558 : vector<16xi32>
      %ge3A_560 = arith.cmpf oge, %get3A_551, %get3A_13 : vector<16xf32>
      %select_n3A_561 = arith.select %ge3A_560, %broadcast_in_dim3A_74, %broadcast_in_dim3A_76 : vector<16xi1>, vector<16xi32>
      %add3A_562 = arith.addi %add3A_559, %select_n3A_561 : vector<16xi32>
      %ge3A_563 = arith.cmpf oge, %get3A_551, %get3A_18 : vector<16xf32>
      %select_n3A_564 = arith.select %ge3A_563, %broadcast_in_dim3A_74, %broadcast_in_dim3A_76 : vector<16xi1>, vector<16xi32>
      %add3A_565 = arith.addi %add3A_562, %select_n3A_564 : vector<16xi32>
      %ge3A_566 = arith.cmpf oge, %get3A_551, %get3A_23 : vector<16xf32>
      %select_n3A_567 = arith.select %ge3A_566, %broadcast_in_dim3A_74, %broadcast_in_dim3A_76 : vector<16xi1>, vector<16xi32>
      %add3A_568 = arith.addi %add3A_565, %select_n3A_567 : vector<16xi32>
      %ge3A_569 = arith.cmpf oge, %get3A_551, %get3A_28 : vector<16xf32>
      %select_n3A_570 = arith.select %ge3A_569, %broadcast_in_dim3A_74, %broadcast_in_dim3A_76 : vector<16xi1>, vector<16xi32>
      %add3A_571 = arith.addi %add3A_568, %select_n3A_570 : vector<16xi32>
      %ge3A_572 = arith.cmpf oge, %get3A_551, %get3A_33 : vector<16xf32>
      %select_n3A_573 = arith.select %ge3A_572, %broadcast_in_dim3A_74, %broadcast_in_dim3A_76 : vector<16xi1>, vector<16xi32>
      %add3A_574 = arith.addi %add3A_571, %select_n3A_573 : vector<16xi32>
      %ge3A_575 = arith.cmpf oge, %get3A_551, %get3A_38 : vector<16xf32>
      %select_n3A_576 = arith.select %ge3A_575, %broadcast_in_dim3A_74, %broadcast_in_dim3A_76 : vector<16xi1>, vector<16xi32>
      %add3A_577 = arith.addi %add3A_574, %select_n3A_576 : vector<16xi32>
      %ge3A_578 = arith.cmpf oge, %get3A_556, %get3A_43 : vector<16xf32>
      %select_n3A_579 = arith.select %ge3A_578, %broadcast_in_dim3A_74, %broadcast_in_dim3A_76 : vector<16xi1>, vector<16xi32>
      %add3A_580 = arith.addi %broadcast_in_dim3A_76, %select_n3A_579 : vector<16xi32>
      %ge3A_581 = arith.cmpf oge, %get3A_556, %get3A_48 : vector<16xf32>
      %select_n3A_582 = arith.select %ge3A_581, %broadcast_in_dim3A_74, %broadcast_in_dim3A_76 : vector<16xi1>, vector<16xi32>
      %add3A_583 = arith.addi %add3A_580, %select_n3A_582 : vector<16xi32>
      %ge3A_584 = arith.cmpf oge, %get3A_556, %get3A_53 : vector<16xf32>
      %select_n3A_585 = arith.select %ge3A_584, %broadcast_in_dim3A_74, %broadcast_in_dim3A_76 : vector<16xi1>, vector<16xi32>
      %add3A_586 = arith.addi %add3A_583, %select_n3A_585 : vector<16xi32>
      %ge3A_587 = arith.cmpf oge, %get3A_556, %get3A_58 : vector<16xf32>
      %select_n3A_588 = arith.select %ge3A_587, %broadcast_in_dim3A_74, %broadcast_in_dim3A_76 : vector<16xi1>, vector<16xi32>
      %add3A_589 = arith.addi %add3A_586, %select_n3A_588 : vector<16xi32>
      %ge3A_590 = arith.cmpf oge, %get3A_556, %get3A_63 : vector<16xf32>
      %select_n3A_591 = arith.select %ge3A_590, %broadcast_in_dim3A_74, %broadcast_in_dim3A_76 : vector<16xi1>, vector<16xi32>
      %add3A_592 = arith.addi %add3A_589, %select_n3A_591 : vector<16xi32>
      %ge3A_593 = arith.cmpf oge, %get3A_556, %get3A_68 : vector<16xf32>
      %select_n3A_594 = arith.select %ge3A_593, %broadcast_in_dim3A_74, %broadcast_in_dim3A_76 : vector<16xi1>, vector<16xi32>
      %add3A_595 = arith.addi %add3A_592, %select_n3A_594 : vector<16xi32>
      %ge3A_596 = arith.cmpf oge, %get3A_556, %get3A_73 : vector<16xf32>
      %select_n3A_597 = arith.select %ge3A_596, %broadcast_in_dim3A_74, %broadcast_in_dim3A_76 : vector<16xi1>, vector<16xi32>
      %add3A_598 = arith.addi %add3A_595, %select_n3A_597 : vector<16xi32>
      %mul3A_599 = arith.constant 8 : i32
      %mul3A_600 = vector.broadcast %mul3A_599 : i32 to vector<16xi32>
      %mul3A_601 = arith.muli %mul3A_600, %add3A_598 : vector<16xi32>
      %add3A_602 = arith.addi %add3A_577, %mul3A_601 : vector<16xi32>
      %swap3A_603 = arith.constant 0 : index
      %swap3A_604 = tpu.vector_load %arg16[%swap3A_603] {strides = array<i32>} : memref<128xi32, #tpu.memory_space<vmem>>, vector<16xi32>,
      %swap3A_605 = vector.shape_cast %swap3A_604 : vector<16xi32> to vector<16xi32>
      %swap3A_606 = vector.shape_cast %add3A_602 : vector<16xi32> to vector<16xi32>
      tpu.vector_store %arg16[%swap3A_603], %swap3A_606 {strides = array<i32>} : memref<128xi32, #tpu.memory_space<vmem>>, vector<16xi32>,
      %add3A_607 = arith.constant 16 : i32
      %add3A_608 = arith.addi %mul3A_546, %add3A_607 : i32
      %get3A_609 = arith.index_cast %add3A_608 : i32 to index
      %get3A_610 = tpu.vector_load %arg11[%get3A_609] {strides = array<i32>} : memref<8192xf32, #tpu.memory_space<vmem>>, vector<16xf32>,
      %get3A_611 = vector.shape_cast %get3A_610 : vector<16xf32> to vector<16xf32>
      %add3A_612 = arith.constant 16 : i32
      %add3A_613 = arith.addi %mul3A_546, %add3A_612 : i32
      %get3A_614 = arith.index_cast %add3A_613 : i32 to index
      %get3A_615 = tpu.vector_load %arg12[%get3A_614] {strides = array<i32>} : memref<8192xf32, #tpu.memory_space<vmem>>, vector<16xf32>,
      %get3A_616 = vector.shape_cast %get3A_615 : vector<16xf32> to vector<16xf32>
      %ge3A_617 = arith.cmpf oge, %get3A_611, %get3A_8 : vector<16xf32>
      %select_n3A_618 = arith.select %ge3A_617, %broadcast_in_dim3A_74, %broadcast_in_dim3A_76 : vector<16xi1>, vector<16xi32>
      %add3A_619 = arith.addi %broadcast_in_dim3A_76, %select_n3A_618 : vector<16xi32>
      %ge3A_620 = arith.cmpf oge, %get3A_611, %get3A_13 : vector<16xf32>
      %select_n3A_621 = arith.select %ge3A_620, %broadcast_in_dim3A_74, %broadcast_in_dim3A_76 : vector<16xi1>, vector<16xi32>
      %add3A_622 = arith.addi %add3A_619, %select_n3A_621 : vector<16xi32>
      %ge3A_623 = arith.cmpf oge, %get3A_611, %get3A_18 : vector<16xf32>
      %select_n3A_624 = arith.select %ge3A_623, %broadcast_in_dim3A_74, %broadcast_in_dim3A_76 : vector<16xi1>, vector<16xi32>
      %add3A_625 = arith.addi %add3A_622, %select_n3A_624 : vector<16xi32>
      %ge3A_626 = arith.cmpf oge, %get3A_611, %get3A_23 : vector<16xf32>
      %select_n3A_627 = arith.select %ge3A_626, %broadcast_in_dim3A_74, %broadcast_in_dim3A_76 : vector<16xi1>, vector<16xi32>
      %add3A_628 = arith.addi %add3A_625, %select_n3A_627 : vector<16xi32>
      %ge3A_629 = arith.cmpf oge, %get3A_611, %get3A_28 : vector<16xf32>
      %select_n3A_630 = arith.select %ge3A_629, %broadcast_in_dim3A_74, %broadcast_in_dim3A_76 : vector<16xi1>, vector<16xi32>
      %add3A_631 = arith.addi %add3A_628, %select_n3A_630 : vector<16xi32>
      %ge3A_632 = arith.cmpf oge, %get3A_611, %get3A_33 : vector<16xf32>
      %select_n3A_633 = arith.select %ge3A_632, %broadcast_in_dim3A_74, %broadcast_in_dim3A_76 : vector<16xi1>, vector<16xi32>
      %add3A_634 = arith.addi %add3A_631, %select_n3A_633 : vector<16xi32>
      %ge3A_635 = arith.cmpf oge, %get3A_611, %get3A_38 : vector<16xf32>
      %select_n3A_636 = arith.select %ge3A_635, %broadcast_in_dim3A_74, %broadcast_in_dim3A_76 : vector<16xi1>, vector<16xi32>
      %add3A_637 = arith.addi %add3A_634, %select_n3A_636 : vector<16xi32>
      %ge3A_638 = arith.cmpf oge, %get3A_616, %get3A_43 : vector<16xf32>
      %select_n3A_639 = arith.select %ge3A_638, %broadcast_in_dim3A_74, %broadcast_in_dim3A_76 : vector<16xi1>, vector<16xi32>
      %add3A_640 = arith.addi %broadcast_in_dim3A_76, %select_n3A_639 : vector<16xi32>
      %ge3A_641 = arith.cmpf oge, %get3A_616, %get3A_48 : vector<16xf32>
      %select_n3A_642 = arith.select %ge3A_641, %broadcast_in_dim3A_74, %broadcast_in_dim3A_76 : vector<16xi1>, vector<16xi32>
      %add3A_643 = arith.addi %add3A_640, %select_n3A_642 : vector<16xi32>
      %ge3A_644 = arith.cmpf oge, %get3A_616, %get3A_53 : vector<16xf32>
      %select_n3A_645 = arith.select %ge3A_644, %broadcast_in_dim3A_74, %broadcast_in_dim3A_76 : vector<16xi1>, vector<16xi32>
      %add3A_646 = arith.addi %add3A_643, %select_n3A_645 : vector<16xi32>
      %ge3A_647 = arith.cmpf oge, %get3A_616, %get3A_58 : vector<16xf32>
      %select_n3A_648 = arith.select %ge3A_647, %broadcast_in_dim3A_74, %broadcast_in_dim3A_76 : vector<16xi1>, vector<16xi32>
      %add3A_649 = arith.addi %add3A_646, %select_n3A_648 : vector<16xi32>
      %ge3A_650 = arith.cmpf oge, %get3A_616, %get3A_63 : vector<16xf32>
      %select_n3A_651 = arith.select %ge3A_650, %broadcast_in_dim3A_74, %broadcast_in_dim3A_76 : vector<16xi1>, vector<16xi32>
      %add3A_652 = arith.addi %add3A_649, %select_n3A_651 : vector<16xi32>
      %ge3A_653 = arith.cmpf oge, %get3A_616, %get3A_68 : vector<16xf32>
      %select_n3A_654 = arith.select %ge3A_653, %broadcast_in_dim3A_74, %broadcast_in_dim3A_76 : vector<16xi1>, vector<16xi32>
      %add3A_655 = arith.addi %add3A_652, %select_n3A_654 : vector<16xi32>
      %ge3A_656 = arith.cmpf oge, %get3A_616, %get3A_73 : vector<16xf32>
      %select_n3A_657 = arith.select %ge3A_656, %broadcast_in_dim3A_74, %broadcast_in_dim3A_76 : vector<16xi1>, vector<16xi32>
      %add3A_658 = arith.addi %add3A_655, %select_n3A_657 : vector<16xi32>
      %mul3A_659 = arith.constant 8 : i32
      %mul3A_660 = vector.broadcast %mul3A_659 : i32 to vector<16xi32>
      %mul3A_661 = arith.muli %mul3A_660, %add3A_658 : vector<16xi32>
      %add3A_662 = arith.addi %add3A_637, %mul3A_661 : vector<16xi32>
      %swap3A_663 = arith.constant 16 : index
      %swap3A_664 = tpu.vector_load %arg16[%swap3A_663] {strides = array<i32>} : memref<128xi32, #tpu.memory_space<vmem>>, vector<16xi32>,
      %swap3A_665 = vector.shape_cast %swap3A_664 : vector<16xi32> to vector<16xi32>
      %swap3A_666 = vector.shape_cast %add3A_662 : vector<16xi32> to vector<16xi32>
      tpu.vector_store %arg16[%swap3A_663], %swap3A_666 {strides = array<i32>} : memref<128xi32, #tpu.memory_space<vmem>>, vector<16xi32>,
      %add3A_667 = arith.constant 32 : i32
      %add3A_668 = arith.addi %mul3A_546, %add3A_667 : i32
      %get3A_669 = arith.index_cast %add3A_668 : i32 to index
      %get3A_670 = tpu.vector_load %arg11[%get3A_669] {strides = array<i32>} : memref<8192xf32, #tpu.memory_space<vmem>>, vector<16xf32>,
      %get3A_671 = vector.shape_cast %get3A_670 : vector<16xf32> to vector<16xf32>
      %add3A_672 = arith.constant 32 : i32
      %add3A_673 = arith.addi %mul3A_546, %add3A_672 : i32
      %get3A_674 = arith.index_cast %add3A_673 : i32 to index
      %get3A_675 = tpu.vector_load %arg12[%get3A_674] {strides = array<i32>} : memref<8192xf32, #tpu.memory_space<vmem>>, vector<16xf32>,
      %get3A_676 = vector.shape_cast %get3A_675 : vector<16xf32> to vector<16xf32>
      %ge3A_677 = arith.cmpf oge, %get3A_671, %get3A_8 : vector<16xf32>
      %select_n3A_678 = arith.select %ge3A_677, %broadcast_in_dim3A_74, %broadcast_in_dim3A_76 : vector<16xi1>, vector<16xi32>
      %add3A_679 = arith.addi %broadcast_in_dim3A_76, %select_n3A_678 : vector<16xi32>
      %ge3A_680 = arith.cmpf oge, %get3A_671, %get3A_13 : vector<16xf32>
      %select_n3A_681 = arith.select %ge3A_680, %broadcast_in_dim3A_74, %broadcast_in_dim3A_76 : vector<16xi1>, vector<16xi32>
      %add3A_682 = arith.addi %add3A_679, %select_n3A_681 : vector<16xi32>
      %ge3A_683 = arith.cmpf oge, %get3A_671, %get3A_18 : vector<16xf32>
      %select_n3A_684 = arith.select %ge3A_683, %broadcast_in_dim3A_74, %broadcast_in_dim3A_76 : vector<16xi1>, vector<16xi32>
      %add3A_685 = arith.addi %add3A_682, %select_n3A_684 : vector<16xi32>
      %ge3A_686 = arith.cmpf oge, %get3A_671, %get3A_23 : vector<16xf32>
      %select_n3A_687 = arith.select %ge3A_686, %broadcast_in_dim3A_74, %broadcast_in_dim3A_76 : vector<16xi1>, vector<16xi32>
      %add3A_688 = arith.addi %add3A_685, %select_n3A_687 : vector<16xi32>
      %ge3A_689 = arith.cmpf oge, %get3A_671, %get3A_28 : vector<16xf32>
      %select_n3A_690 = arith.select %ge3A_689, %broadcast_in_dim3A_74, %broadcast_in_dim3A_76 : vector<16xi1>, vector<16xi32>
      %add3A_691 = arith.addi %add3A_688, %select_n3A_690 : vector<16xi32>
      %ge3A_692 = arith.cmpf oge, %get3A_671, %get3A_33 : vector<16xf32>
      %select_n3A_693 = arith.select %ge3A_692, %broadcast_in_dim3A_74, %broadcast_in_dim3A_76 : vector<16xi1>, vector<16xi32>
      %add3A_694 = arith.addi %add3A_691, %select_n3A_693 : vector<16xi32>
      %ge3A_695 = arith.cmpf oge, %get3A_671, %get3A_38 : vector<16xf32>
      %select_n3A_696 = arith.select %ge3A_695, %broadcast_in_dim3A_74, %broadcast_in_dim3A_76 : vector<16xi1>, vector<16xi32>
      %add3A_697 = arith.addi %add3A_694, %select_n3A_696 : vector<16xi32>
      %ge3A_698 = arith.cmpf oge, %get3A_676, %get3A_43 : vector<16xf32>
      %select_n3A_699 = arith.select %ge3A_698, %broadcast_in_dim3A_74, %broadcast_in_dim3A_76 : vector<16xi1>, vector<16xi32>
      %add3A_700 = arith.addi %broadcast_in_dim3A_76, %select_n3A_699 : vector<16xi32>
      %ge3A_701 = arith.cmpf oge, %get3A_676, %get3A_48 : vector<16xf32>
      %select_n3A_702 = arith.select %ge3A_701, %broadcast_in_dim3A_74, %broadcast_in_dim3A_76 : vector<16xi1>, vector<16xi32>
      %add3A_703 = arith.addi %add3A_700, %select_n3A_702 : vector<16xi32>
      %ge3A_704 = arith.cmpf oge, %get3A_676, %get3A_53 : vector<16xf32>
      %select_n3A_705 = arith.select %ge3A_704, %broadcast_in_dim3A_74, %broadcast_in_dim3A_76 : vector<16xi1>, vector<16xi32>
      %add3A_706 = arith.addi %add3A_703, %select_n3A_705 : vector<16xi32>
      %ge3A_707 = arith.cmpf oge, %get3A_676, %get3A_58 : vector<16xf32>
      %select_n3A_708 = arith.select %ge3A_707, %broadcast_in_dim3A_74, %broadcast_in_dim3A_76 : vector<16xi1>, vector<16xi32>
      %add3A_709 = arith.addi %add3A_706, %select_n3A_708 : vector<16xi32>
      %ge3A_710 = arith.cmpf oge, %get3A_676, %get3A_63 : vector<16xf32>
      %select_n3A_711 = arith.select %ge3A_710, %broadcast_in_dim3A_74, %broadcast_in_dim3A_76 : vector<16xi1>, vector<16xi32>
      %add3A_712 = arith.addi %add3A_709, %select_n3A_711 : vector<16xi32>
      %ge3A_713 = arith.cmpf oge, %get3A_676, %get3A_68 : vector<16xf32>
      %select_n3A_714 = arith.select %ge3A_713, %broadcast_in_dim3A_74, %broadcast_in_dim3A_76 : vector<16xi1>, vector<16xi32>
      %add3A_715 = arith.addi %add3A_712, %select_n3A_714 : vector<16xi32>
      %ge3A_716 = arith.cmpf oge, %get3A_676, %get3A_73 : vector<16xf32>
      %select_n3A_717 = arith.select %ge3A_716, %broadcast_in_dim3A_74, %broadcast_in_dim3A_76 : vector<16xi1>, vector<16xi32>
      %add3A_718 = arith.addi %add3A_715, %select_n3A_717 : vector<16xi32>
      %mul3A_719 = arith.constant 8 : i32
      %mul3A_720 = vector.broadcast %mul3A_719 : i32 to vector<16xi32>
      %mul3A_721 = arith.muli %mul3A_720, %add3A_718 : vector<16xi32>
      %add3A_722 = arith.addi %add3A_697, %mul3A_721 : vector<16xi32>
      %swap3A_723 = arith.constant 32 : index
      %swap3A_724 = tpu.vector_load %arg16[%swap3A_723] {strides = array<i32>} : memref<128xi32, #tpu.memory_space<vmem>>, vector<16xi32>,
      %swap3A_725 = vector.shape_cast %swap3A_724 : vector<16xi32> to vector<16xi32>
      %swap3A_726 = vector.shape_cast %add3A_722 : vector<16xi32> to vector<16xi32>
      tpu.vector_store %arg16[%swap3A_723], %swap3A_726 {strides = array<i32>} : memref<128xi32, #tpu.memory_space<vmem>>, vector<16xi32>,
      %add3A_727 = arith.constant 48 : i32
      %add3A_728 = arith.addi %mul3A_546, %add3A_727 : i32
      %get3A_729 = arith.index_cast %add3A_728 : i32 to index
      %get3A_730 = tpu.vector_load %arg11[%get3A_729] {strides = array<i32>} : memref<8192xf32, #tpu.memory_space<vmem>>, vector<16xf32>,
      %get3A_731 = vector.shape_cast %get3A_730 : vector<16xf32> to vector<16xf32>
      %add3A_732 = arith.constant 48 : i32
      %add3A_733 = arith.addi %mul3A_546, %add3A_732 : i32
      %get3A_734 = arith.index_cast %add3A_733 : i32 to index
      %get3A_735 = tpu.vector_load %arg12[%get3A_734] {strides = array<i32>} : memref<8192xf32, #tpu.memory_space<vmem>>, vector<16xf32>,
      %get3A_736 = vector.shape_cast %get3A_735 : vector<16xf32> to vector<16xf32>
      %ge3A_737 = arith.cmpf oge, %get3A_731, %get3A_8 : vector<16xf32>
      %select_n3A_738 = arith.select %ge3A_737, %broadcast_in_dim3A_74, %broadcast_in_dim3A_76 : vector<16xi1>, vector<16xi32>
      %add3A_739 = arith.addi %broadcast_in_dim3A_76, %select_n3A_738 : vector<16xi32>
      %ge3A_740 = arith.cmpf oge, %get3A_731, %get3A_13 : vector<16xf32>
      %select_n3A_741 = arith.select %ge3A_740, %broadcast_in_dim3A_74, %broadcast_in_dim3A_76 : vector<16xi1>, vector<16xi32>
      %add3A_742 = arith.addi %add3A_739, %select_n3A_741 : vector<16xi32>
      %ge3A_743 = arith.cmpf oge, %get3A_731, %get3A_18 : vector<16xf32>
      %select_n3A_744 = arith.select %ge3A_743, %broadcast_in_dim3A_74, %broadcast_in_dim3A_76 : vector<16xi1>, vector<16xi32>
      %add3A_745 = arith.addi %add3A_742, %select_n3A_744 : vector<16xi32>
      %ge3A_746 = arith.cmpf oge, %get3A_731, %get3A_23 : vector<16xf32>
      %select_n3A_747 = arith.select %ge3A_746, %broadcast_in_dim3A_74, %broadcast_in_dim3A_76 : vector<16xi1>, vector<16xi32>
      %add3A_748 = arith.addi %add3A_745, %select_n3A_747 : vector<16xi32>
      %ge3A_749 = arith.cmpf oge, %get3A_731, %get3A_28 : vector<16xf32>
      %select_n3A_750 = arith.select %ge3A_749, %broadcast_in_dim3A_74, %broadcast_in_dim3A_76 : vector<16xi1>, vector<16xi32>
      %add3A_751 = arith.addi %add3A_748, %select_n3A_750 : vector<16xi32>
      %ge3A_752 = arith.cmpf oge, %get3A_731, %get3A_33 : vector<16xf32>
      %select_n3A_753 = arith.select %ge3A_752, %broadcast_in_dim3A_74, %broadcast_in_dim3A_76 : vector<16xi1>, vector<16xi32>
      %add3A_754 = arith.addi %add3A_751, %select_n3A_753 : vector<16xi32>
      %ge3A_755 = arith.cmpf oge, %get3A_731, %get3A_38 : vector<16xf32>
      %select_n3A_756 = arith.select %ge3A_755, %broadcast_in_dim3A_74, %broadcast_in_dim3A_76 : vector<16xi1>, vector<16xi32>
      %add3A_757 = arith.addi %add3A_754, %select_n3A_756 : vector<16xi32>
      %ge3A_758 = arith.cmpf oge, %get3A_736, %get3A_43 : vector<16xf32>
      %select_n3A_759 = arith.select %ge3A_758, %broadcast_in_dim3A_74, %broadcast_in_dim3A_76 : vector<16xi1>, vector<16xi32>
      %add3A_760 = arith.addi %broadcast_in_dim3A_76, %select_n3A_759 : vector<16xi32>
      %ge3A_761 = arith.cmpf oge, %get3A_736, %get3A_48 : vector<16xf32>
      %select_n3A_762 = arith.select %ge3A_761, %broadcast_in_dim3A_74, %broadcast_in_dim3A_76 : vector<16xi1>, vector<16xi32>
      %add3A_763 = arith.addi %add3A_760, %select_n3A_762 : vector<16xi32>
      %ge3A_764 = arith.cmpf oge, %get3A_736, %get3A_53 : vector<16xf32>
      %select_n3A_765 = arith.select %ge3A_764, %broadcast_in_dim3A_74, %broadcast_in_dim3A_76 : vector<16xi1>, vector<16xi32>
      %add3A_766 = arith.addi %add3A_763, %select_n3A_765 : vector<16xi32>
      %ge3A_767 = arith.cmpf oge, %get3A_736, %get3A_58 : vector<16xf32>
      %select_n3A_768 = arith.select %ge3A_767, %broadcast_in_dim3A_74, %broadcast_in_dim3A_76 : vector<16xi1>, vector<16xi32>
      %add3A_769 = arith.addi %add3A_766, %select_n3A_768 : vector<16xi32>
      %ge3A_770 = arith.cmpf oge, %get3A_736, %get3A_63 : vector<16xf32>
      %select_n3A_771 = arith.select %ge3A_770, %broadcast_in_dim3A_74, %broadcast_in_dim3A_76 : vector<16xi1>, vector<16xi32>
      %add3A_772 = arith.addi %add3A_769, %select_n3A_771 : vector<16xi32>
      %ge3A_773 = arith.cmpf oge, %get3A_736, %get3A_68 : vector<16xf32>
      %select_n3A_774 = arith.select %ge3A_773, %broadcast_in_dim3A_74, %broadcast_in_dim3A_76 : vector<16xi1>, vector<16xi32>
      %add3A_775 = arith.addi %add3A_772, %select_n3A_774 : vector<16xi32>
      %ge3A_776 = arith.cmpf oge, %get3A_736, %get3A_73 : vector<16xf32>
      %select_n3A_777 = arith.select %ge3A_776, %broadcast_in_dim3A_74, %broadcast_in_dim3A_76 : vector<16xi1>, vector<16xi32>
      %add3A_778 = arith.addi %add3A_775, %select_n3A_777 : vector<16xi32>
      %mul3A_779 = arith.constant 8 : i32
      %mul3A_780 = vector.broadcast %mul3A_779 : i32 to vector<16xi32>
      %mul3A_781 = arith.muli %mul3A_780, %add3A_778 : vector<16xi32>
      %add3A_782 = arith.addi %add3A_757, %mul3A_781 : vector<16xi32>
      %swap3A_783 = arith.constant 48 : index
      %swap3A_784 = tpu.vector_load %arg16[%swap3A_783] {strides = array<i32>} : memref<128xi32, #tpu.memory_space<vmem>>, vector<16xi32>,
      %swap3A_785 = vector.shape_cast %swap3A_784 : vector<16xi32> to vector<16xi32>
      %swap3A_786 = vector.shape_cast %add3A_782 : vector<16xi32> to vector<16xi32>
      tpu.vector_store %arg16[%swap3A_783], %swap3A_786 {strides = array<i32>} : memref<128xi32, #tpu.memory_space<vmem>>, vector<16xi32>,
      %add3A_787 = arith.constant 64 : i32
      %add3A_788 = arith.addi %mul3A_546, %add3A_787 : i32
      %get3A_789 = arith.index_cast %add3A_788 : i32 to index
      %get3A_790 = tpu.vector_load %arg11[%get3A_789] {strides = array<i32>} : memref<8192xf32, #tpu.memory_space<vmem>>, vector<16xf32>,
      %get3A_791 = vector.shape_cast %get3A_790 : vector<16xf32> to vector<16xf32>
      %add3A_792 = arith.constant 64 : i32
      %add3A_793 = arith.addi %mul3A_546, %add3A_792 : i32
      %get3A_794 = arith.index_cast %add3A_793 : i32 to index
      %get3A_795 = tpu.vector_load %arg12[%get3A_794] {strides = array<i32>} : memref<8192xf32, #tpu.memory_space<vmem>>, vector<16xf32>,
      %get3A_796 = vector.shape_cast %get3A_795 : vector<16xf32> to vector<16xf32>
      %ge3A_797 = arith.cmpf oge, %get3A_791, %get3A_8 : vector<16xf32>
      %select_n3A_798 = arith.select %ge3A_797, %broadcast_in_dim3A_74, %broadcast_in_dim3A_76 : vector<16xi1>, vector<16xi32>
      %add3A_799 = arith.addi %broadcast_in_dim3A_76, %select_n3A_798 : vector<16xi32>
      %ge3A_800 = arith.cmpf oge, %get3A_791, %get3A_13 : vector<16xf32>
      %select_n3A_801 = arith.select %ge3A_800, %broadcast_in_dim3A_74, %broadcast_in_dim3A_76 : vector<16xi1>, vector<16xi32>
      %add3A_802 = arith.addi %add3A_799, %select_n3A_801 : vector<16xi32>
      %ge3A_803 = arith.cmpf oge, %get3A_791, %get3A_18 : vector<16xf32>
      %select_n3A_804 = arith.select %ge3A_803, %broadcast_in_dim3A_74, %broadcast_in_dim3A_76 : vector<16xi1>, vector<16xi32>
      %add3A_805 = arith.addi %add3A_802, %select_n3A_804 : vector<16xi32>
      %ge3A_806 = arith.cmpf oge, %get3A_791, %get3A_23 : vector<16xf32>
      %select_n3A_807 = arith.select %ge3A_806, %broadcast_in_dim3A_74, %broadcast_in_dim3A_76 : vector<16xi1>, vector<16xi32>
      %add3A_808 = arith.addi %add3A_805, %select_n3A_807 : vector<16xi32>
      %ge3A_809 = arith.cmpf oge, %get3A_791, %get3A_28 : vector<16xf32>
      %select_n3A_810 = arith.select %ge3A_809, %broadcast_in_dim3A_74, %broadcast_in_dim3A_76 : vector<16xi1>, vector<16xi32>
      %add3A_811 = arith.addi %add3A_808, %select_n3A_810 : vector<16xi32>
      %ge3A_812 = arith.cmpf oge, %get3A_791, %get3A_33 : vector<16xf32>
      %select_n3A_813 = arith.select %ge3A_812, %broadcast_in_dim3A_74, %broadcast_in_dim3A_76 : vector<16xi1>, vector<16xi32>
      %add3A_814 = arith.addi %add3A_811, %select_n3A_813 : vector<16xi32>
      %ge3A_815 = arith.cmpf oge, %get3A_791, %get3A_38 : vector<16xf32>
      %select_n3A_816 = arith.select %ge3A_815, %broadcast_in_dim3A_74, %broadcast_in_dim3A_76 : vector<16xi1>, vector<16xi32>
      %add3A_817 = arith.addi %add3A_814, %select_n3A_816 : vector<16xi32>
      %ge3A_818 = arith.cmpf oge, %get3A_796, %get3A_43 : vector<16xf32>
      %select_n3A_819 = arith.select %ge3A_818, %broadcast_in_dim3A_74, %broadcast_in_dim3A_76 : vector<16xi1>, vector<16xi32>
      %add3A_820 = arith.addi %broadcast_in_dim3A_76, %select_n3A_819 : vector<16xi32>
      %ge3A_821 = arith.cmpf oge, %get3A_796, %get3A_48 : vector<16xf32>
      %select_n3A_822 = arith.select %ge3A_821, %broadcast_in_dim3A_74, %broadcast_in_dim3A_76 : vector<16xi1>, vector<16xi32>
      %add3A_823 = arith.addi %add3A_820, %select_n3A_822 : vector<16xi32>
      %ge3A_824 = arith.cmpf oge, %get3A_796, %get3A_53 : vector<16xf32>
      %select_n3A_825 = arith.select %ge3A_824, %broadcast_in_dim3A_74, %broadcast_in_dim3A_76 : vector<16xi1>, vector<16xi32>
      %add3A_826 = arith.addi %add3A_823, %select_n3A_825 : vector<16xi32>
      %ge3A_827 = arith.cmpf oge, %get3A_796, %get3A_58 : vector<16xf32>
      %select_n3A_828 = arith.select %ge3A_827, %broadcast_in_dim3A_74, %broadcast_in_dim3A_76 : vector<16xi1>, vector<16xi32>
      %add3A_829 = arith.addi %add3A_826, %select_n3A_828 : vector<16xi32>
      %ge3A_830 = arith.cmpf oge, %get3A_796, %get3A_63 : vector<16xf32>
      %select_n3A_831 = arith.select %ge3A_830, %broadcast_in_dim3A_74, %broadcast_in_dim3A_76 : vector<16xi1>, vector<16xi32>
      %add3A_832 = arith.addi %add3A_829, %select_n3A_831 : vector<16xi32>
      %ge3A_833 = arith.cmpf oge, %get3A_796, %get3A_68 : vector<16xf32>
      %select_n3A_834 = arith.select %ge3A_833, %broadcast_in_dim3A_74, %broadcast_in_dim3A_76 : vector<16xi1>, vector<16xi32>
      %add3A_835 = arith.addi %add3A_832, %select_n3A_834 : vector<16xi32>
      %ge3A_836 = arith.cmpf oge, %get3A_796, %get3A_73 : vector<16xf32>
      %select_n3A_837 = arith.select %ge3A_836, %broadcast_in_dim3A_74, %broadcast_in_dim3A_76 : vector<16xi1>, vector<16xi32>
      %add3A_838 = arith.addi %add3A_835, %select_n3A_837 : vector<16xi32>
      %mul3A_839 = arith.constant 8 : i32
      %mul3A_840 = vector.broadcast %mul3A_839 : i32 to vector<16xi32>
      %mul3A_841 = arith.muli %mul3A_840, %add3A_838 : vector<16xi32>
      %add3A_842 = arith.addi %add3A_817, %mul3A_841 : vector<16xi32>
      %swap3A_843 = arith.constant 64 : index
      %swap3A_844 = tpu.vector_load %arg16[%swap3A_843] {strides = array<i32>} : memref<128xi32, #tpu.memory_space<vmem>>, vector<16xi32>,
      %swap3A_845 = vector.shape_cast %swap3A_844 : vector<16xi32> to vector<16xi32>
      %swap3A_846 = vector.shape_cast %add3A_842 : vector<16xi32> to vector<16xi32>
      tpu.vector_store %arg16[%swap3A_843], %swap3A_846 {strides = array<i32>} : memref<128xi32, #tpu.memory_space<vmem>>, vector<16xi32>,
      %add3A_847 = arith.constant 80 : i32
      %add3A_848 = arith.addi %mul3A_546, %add3A_847 : i32
      %get3A_849 = arith.index_cast %add3A_848 : i32 to index
      %get3A_850 = tpu.vector_load %arg11[%get3A_849] {strides = array<i32>} : memref<8192xf32, #tpu.memory_space<vmem>>, vector<16xf32>,
      %get3A_851 = vector.shape_cast %get3A_850 : vector<16xf32> to vector<16xf32>
      %add3A_852 = arith.constant 80 : i32
      %add3A_853 = arith.addi %mul3A_546, %add3A_852 : i32
      %get3A_854 = arith.index_cast %add3A_853 : i32 to index
      %get3A_855 = tpu.vector_load %arg12[%get3A_854] {strides = array<i32>} : memref<8192xf32, #tpu.memory_space<vmem>>, vector<16xf32>,
      %get3A_856 = vector.shape_cast %get3A_855 : vector<16xf32> to vector<16xf32>
      %ge3A_857 = arith.cmpf oge, %get3A_851, %get3A_8 : vector<16xf32>
      %select_n3A_858 = arith.select %ge3A_857, %broadcast_in_dim3A_74, %broadcast_in_dim3A_76 : vector<16xi1>, vector<16xi32>
      %add3A_859 = arith.addi %broadcast_in_dim3A_76, %select_n3A_858 : vector<16xi32>
      %ge3A_860 = arith.cmpf oge, %get3A_851, %get3A_13 : vector<16xf32>
      %select_n3A_861 = arith.select %ge3A_860, %broadcast_in_dim3A_74, %broadcast_in_dim3A_76 : vector<16xi1>, vector<16xi32>
      %add3A_862 = arith.addi %add3A_859, %select_n3A_861 : vector<16xi32>
      %ge3A_863 = arith.cmpf oge, %get3A_851, %get3A_18 : vector<16xf32>
      %select_n3A_864 = arith.select %ge3A_863, %broadcast_in_dim3A_74, %broadcast_in_dim3A_76 : vector<16xi1>, vector<16xi32>
      %add3A_865 = arith.addi %add3A_862, %select_n3A_864 : vector<16xi32>
      %ge3A_866 = arith.cmpf oge, %get3A_851, %get3A_23 : vector<16xf32>
      %select_n3A_867 = arith.select %ge3A_866, %broadcast_in_dim3A_74, %broadcast_in_dim3A_76 : vector<16xi1>, vector<16xi32>
      %add3A_868 = arith.addi %add3A_865, %select_n3A_867 : vector<16xi32>
      %ge3A_869 = arith.cmpf oge, %get3A_851, %get3A_28 : vector<16xf32>
      %select_n3A_870 = arith.select %ge3A_869, %broadcast_in_dim3A_74, %broadcast_in_dim3A_76 : vector<16xi1>, vector<16xi32>
      %add3A_871 = arith.addi %add3A_868, %select_n3A_870 : vector<16xi32>
      %ge3A_872 = arith.cmpf oge, %get3A_851, %get3A_33 : vector<16xf32>
      %select_n3A_873 = arith.select %ge3A_872, %broadcast_in_dim3A_74, %broadcast_in_dim3A_76 : vector<16xi1>, vector<16xi32>
      %add3A_874 = arith.addi %add3A_871, %select_n3A_873 : vector<16xi32>
      %ge3A_875 = arith.cmpf oge, %get3A_851, %get3A_38 : vector<16xf32>
      %select_n3A_876 = arith.select %ge3A_875, %broadcast_in_dim3A_74, %broadcast_in_dim3A_76 : vector<16xi1>, vector<16xi32>
      %add3A_877 = arith.addi %add3A_874, %select_n3A_876 : vector<16xi32>
      %ge3A_878 = arith.cmpf oge, %get3A_856, %get3A_43 : vector<16xf32>
      %select_n3A_879 = arith.select %ge3A_878, %broadcast_in_dim3A_74, %broadcast_in_dim3A_76 : vector<16xi1>, vector<16xi32>
      %add3A_880 = arith.addi %broadcast_in_dim3A_76, %select_n3A_879 : vector<16xi32>
      %ge3A_881 = arith.cmpf oge, %get3A_856, %get3A_48 : vector<16xf32>
      %select_n3A_882 = arith.select %ge3A_881, %broadcast_in_dim3A_74, %broadcast_in_dim3A_76 : vector<16xi1>, vector<16xi32>
      %add3A_883 = arith.addi %add3A_880, %select_n3A_882 : vector<16xi32>
      %ge3A_884 = arith.cmpf oge, %get3A_856, %get3A_53 : vector<16xf32>
      %select_n3A_885 = arith.select %ge3A_884, %broadcast_in_dim3A_74, %broadcast_in_dim3A_76 : vector<16xi1>, vector<16xi32>
      %add3A_886 = arith.addi %add3A_883, %select_n3A_885 : vector<16xi32>
      %ge3A_887 = arith.cmpf oge, %get3A_856, %get3A_58 : vector<16xf32>
      %select_n3A_888 = arith.select %ge3A_887, %broadcast_in_dim3A_74, %broadcast_in_dim3A_76 : vector<16xi1>, vector<16xi32>
      %add3A_889 = arith.addi %add3A_886, %select_n3A_888 : vector<16xi32>
      %ge3A_890 = arith.cmpf oge, %get3A_856, %get3A_63 : vector<16xf32>
      %select_n3A_891 = arith.select %ge3A_890, %broadcast_in_dim3A_74, %broadcast_in_dim3A_76 : vector<16xi1>, vector<16xi32>
      %add3A_892 = arith.addi %add3A_889, %select_n3A_891 : vector<16xi32>
      %ge3A_893 = arith.cmpf oge, %get3A_856, %get3A_68 : vector<16xf32>
      %select_n3A_894 = arith.select %ge3A_893, %broadcast_in_dim3A_74, %broadcast_in_dim3A_76 : vector<16xi1>, vector<16xi32>
      %add3A_895 = arith.addi %add3A_892, %select_n3A_894 : vector<16xi32>
      %ge3A_896 = arith.cmpf oge, %get3A_856, %get3A_73 : vector<16xf32>
      %select_n3A_897 = arith.select %ge3A_896, %broadcast_in_dim3A_74, %broadcast_in_dim3A_76 : vector<16xi1>, vector<16xi32>
      %add3A_898 = arith.addi %add3A_895, %select_n3A_897 : vector<16xi32>
      %mul3A_899 = arith.constant 8 : i32
      %mul3A_900 = vector.broadcast %mul3A_899 : i32 to vector<16xi32>
      %mul3A_901 = arith.muli %mul3A_900, %add3A_898 : vector<16xi32>
      %add3A_902 = arith.addi %add3A_877, %mul3A_901 : vector<16xi32>
      %swap3A_903 = arith.constant 80 : index
      %swap3A_904 = tpu.vector_load %arg16[%swap3A_903] {strides = array<i32>} : memref<128xi32, #tpu.memory_space<vmem>>, vector<16xi32>,
      %swap3A_905 = vector.shape_cast %swap3A_904 : vector<16xi32> to vector<16xi32>
      %swap3A_906 = vector.shape_cast %add3A_902 : vector<16xi32> to vector<16xi32>
      tpu.vector_store %arg16[%swap3A_903], %swap3A_906 {strides = array<i32>} : memref<128xi32, #tpu.memory_space<vmem>>, vector<16xi32>,
      %add3A_907 = arith.constant 96 : i32
      %add3A_908 = arith.addi %mul3A_546, %add3A_907 : i32
      %get3A_909 = arith.index_cast %add3A_908 : i32 to index
      %get3A_910 = tpu.vector_load %arg11[%get3A_909] {strides = array<i32>} : memref<8192xf32, #tpu.memory_space<vmem>>, vector<16xf32>,
      %get3A_911 = vector.shape_cast %get3A_910 : vector<16xf32> to vector<16xf32>
      %add3A_912 = arith.constant 96 : i32
      %add3A_913 = arith.addi %mul3A_546, %add3A_912 : i32
      %get3A_914 = arith.index_cast %add3A_913 : i32 to index
      %get3A_915 = tpu.vector_load %arg12[%get3A_914] {strides = array<i32>} : memref<8192xf32, #tpu.memory_space<vmem>>, vector<16xf32>,
      %get3A_916 = vector.shape_cast %get3A_915 : vector<16xf32> to vector<16xf32>
      %ge3A_917 = arith.cmpf oge, %get3A_911, %get3A_8 : vector<16xf32>
      %select_n3A_918 = arith.select %ge3A_917, %broadcast_in_dim3A_74, %broadcast_in_dim3A_76 : vector<16xi1>, vector<16xi32>
      %add3A_919 = arith.addi %broadcast_in_dim3A_76, %select_n3A_918 : vector<16xi32>
      %ge3A_920 = arith.cmpf oge, %get3A_911, %get3A_13 : vector<16xf32>
      %select_n3A_921 = arith.select %ge3A_920, %broadcast_in_dim3A_74, %broadcast_in_dim3A_76 : vector<16xi1>, vector<16xi32>
      %add3A_922 = arith.addi %add3A_919, %select_n3A_921 : vector<16xi32>
      %ge3A_923 = arith.cmpf oge, %get3A_911, %get3A_18 : vector<16xf32>
      %select_n3A_924 = arith.select %ge3A_923, %broadcast_in_dim3A_74, %broadcast_in_dim3A_76 : vector<16xi1>, vector<16xi32>
      %add3A_925 = arith.addi %add3A_922, %select_n3A_924 : vector<16xi32>
      %ge3A_926 = arith.cmpf oge, %get3A_911, %get3A_23 : vector<16xf32>
      %select_n3A_927 = arith.select %ge3A_926, %broadcast_in_dim3A_74, %broadcast_in_dim3A_76 : vector<16xi1>, vector<16xi32>
      %add3A_928 = arith.addi %add3A_925, %select_n3A_927 : vector<16xi32>
      %ge3A_929 = arith.cmpf oge, %get3A_911, %get3A_28 : vector<16xf32>
      %select_n3A_930 = arith.select %ge3A_929, %broadcast_in_dim3A_74, %broadcast_in_dim3A_76 : vector<16xi1>, vector<16xi32>
      %add3A_931 = arith.addi %add3A_928, %select_n3A_930 : vector<16xi32>
      %ge3A_932 = arith.cmpf oge, %get3A_911, %get3A_33 : vector<16xf32>
      %select_n3A_933 = arith.select %ge3A_932, %broadcast_in_dim3A_74, %broadcast_in_dim3A_76 : vector<16xi1>, vector<16xi32>
      %add3A_934 = arith.addi %add3A_931, %select_n3A_933 : vector<16xi32>
      %ge3A_935 = arith.cmpf oge, %get3A_911, %get3A_38 : vector<16xf32>
      %select_n3A_936 = arith.select %ge3A_935, %broadcast_in_dim3A_74, %broadcast_in_dim3A_76 : vector<16xi1>, vector<16xi32>
      %add3A_937 = arith.addi %add3A_934, %select_n3A_936 : vector<16xi32>
      %ge3A_938 = arith.cmpf oge, %get3A_916, %get3A_43 : vector<16xf32>
      %select_n3A_939 = arith.select %ge3A_938, %broadcast_in_dim3A_74, %broadcast_in_dim3A_76 : vector<16xi1>, vector<16xi32>
      %add3A_940 = arith.addi %broadcast_in_dim3A_76, %select_n3A_939 : vector<16xi32>
      %ge3A_941 = arith.cmpf oge, %get3A_916, %get3A_48 : vector<16xf32>
      %select_n3A_942 = arith.select %ge3A_941, %broadcast_in_dim3A_74, %broadcast_in_dim3A_76 : vector<16xi1>, vector<16xi32>
      %add3A_943 = arith.addi %add3A_940, %select_n3A_942 : vector<16xi32>
      %ge3A_944 = arith.cmpf oge, %get3A_916, %get3A_53 : vector<16xf32>
      %select_n3A_945 = arith.select %ge3A_944, %broadcast_in_dim3A_74, %broadcast_in_dim3A_76 : vector<16xi1>, vector<16xi32>
      %add3A_946 = arith.addi %add3A_943, %select_n3A_945 : vector<16xi32>
      %ge3A_947 = arith.cmpf oge, %get3A_916, %get3A_58 : vector<16xf32>
      %select_n3A_948 = arith.select %ge3A_947, %broadcast_in_dim3A_74, %broadcast_in_dim3A_76 : vector<16xi1>, vector<16xi32>
      %add3A_949 = arith.addi %add3A_946, %select_n3A_948 : vector<16xi32>
      %ge3A_950 = arith.cmpf oge, %get3A_916, %get3A_63 : vector<16xf32>
      %select_n3A_951 = arith.select %ge3A_950, %broadcast_in_dim3A_74, %broadcast_in_dim3A_76 : vector<16xi1>, vector<16xi32>
      %add3A_952 = arith.addi %add3A_949, %select_n3A_951 : vector<16xi32>
      %ge3A_953 = arith.cmpf oge, %get3A_916, %get3A_68 : vector<16xf32>
      %select_n3A_954 = arith.select %ge3A_953, %broadcast_in_dim3A_74, %broadcast_in_dim3A_76 : vector<16xi1>, vector<16xi32>
      %add3A_955 = arith.addi %add3A_952, %select_n3A_954 : vector<16xi32>
      %ge3A_956 = arith.cmpf oge, %get3A_916, %get3A_73 : vector<16xf32>
      %select_n3A_957 = arith.select %ge3A_956, %broadcast_in_dim3A_74, %broadcast_in_dim3A_76 : vector<16xi1>, vector<16xi32>
      %add3A_958 = arith.addi %add3A_955, %select_n3A_957 : vector<16xi32>
      %mul3A_959 = arith.constant 8 : i32
      %mul3A_960 = vector.broadcast %mul3A_959 : i32 to vector<16xi32>
      %mul3A_961 = arith.muli %mul3A_960, %add3A_958 : vector<16xi32>
      %add3A_962 = arith.addi %add3A_937, %mul3A_961 : vector<16xi32>
      %swap3A_963 = arith.constant 96 : index
      %swap3A_964 = tpu.vector_load %arg16[%swap3A_963] {strides = array<i32>} : memref<128xi32, #tpu.memory_space<vmem>>, vector<16xi32>,
      %swap3A_965 = vector.shape_cast %swap3A_964 : vector<16xi32> to vector<16xi32>
      %swap3A_966 = vector.shape_cast %add3A_962 : vector<16xi32> to vector<16xi32>
      tpu.vector_store %arg16[%swap3A_963], %swap3A_966 {strides = array<i32>} : memref<128xi32, #tpu.memory_space<vmem>>, vector<16xi32>,
      %add3A_967 = arith.constant 112 : i32
      %add3A_968 = arith.addi %mul3A_546, %add3A_967 : i32
      %get3A_969 = arith.index_cast %add3A_968 : i32 to index
      %get3A_970 = tpu.vector_load %arg11[%get3A_969] {strides = array<i32>} : memref<8192xf32, #tpu.memory_space<vmem>>, vector<16xf32>,
      %get3A_971 = vector.shape_cast %get3A_970 : vector<16xf32> to vector<16xf32>
      %add3A_972 = arith.constant 112 : i32
      %add3A_973 = arith.addi %mul3A_546, %add3A_972 : i32
      %get3A_974 = arith.index_cast %add3A_973 : i32 to index
      %get3A_975 = tpu.vector_load %arg12[%get3A_974] {strides = array<i32>} : memref<8192xf32, #tpu.memory_space<vmem>>, vector<16xf32>,
      %get3A_976 = vector.shape_cast %get3A_975 : vector<16xf32> to vector<16xf32>
      %ge3A_977 = arith.cmpf oge, %get3A_971, %get3A_8 : vector<16xf32>
      %select_n3A_978 = arith.select %ge3A_977, %broadcast_in_dim3A_74, %broadcast_in_dim3A_76 : vector<16xi1>, vector<16xi32>
      %add3A_979 = arith.addi %broadcast_in_dim3A_76, %select_n3A_978 : vector<16xi32>
      %ge3A_980 = arith.cmpf oge, %get3A_971, %get3A_13 : vector<16xf32>
      %select_n3A_981 = arith.select %ge3A_980, %broadcast_in_dim3A_74, %broadcast_in_dim3A_76 : vector<16xi1>, vector<16xi32>
      %add3A_982 = arith.addi %add3A_979, %select_n3A_981 : vector<16xi32>
      %ge3A_983 = arith.cmpf oge, %get3A_971, %get3A_18 : vector<16xf32>
      %select_n3A_984 = arith.select %ge3A_983, %broadcast_in_dim3A_74, %broadcast_in_dim3A_76 : vector<16xi1>, vector<16xi32>
      %add3A_985 = arith.addi %add3A_982, %select_n3A_984 : vector<16xi32>
      %ge3A_986 = arith.cmpf oge, %get3A_971, %get3A_23 : vector<16xf32>
      %select_n3A_987 = arith.select %ge3A_986, %broadcast_in_dim3A_74, %broadcast_in_dim3A_76 : vector<16xi1>, vector<16xi32>
      %add3A_988 = arith.addi %add3A_985, %select_n3A_987 : vector<16xi32>
      %ge3A_989 = arith.cmpf oge, %get3A_971, %get3A_28 : vector<16xf32>
      %select_n3A_990 = arith.select %ge3A_989, %broadcast_in_dim3A_74, %broadcast_in_dim3A_76 : vector<16xi1>, vector<16xi32>
      %add3A_991 = arith.addi %add3A_988, %select_n3A_990 : vector<16xi32>
      %ge3A_992 = arith.cmpf oge, %get3A_971, %get3A_33 : vector<16xf32>
      %select_n3A_993 = arith.select %ge3A_992, %broadcast_in_dim3A_74, %broadcast_in_dim3A_76 : vector<16xi1>, vector<16xi32>
      %add3A_994 = arith.addi %add3A_991, %select_n3A_993 : vector<16xi32>
      %ge3A_995 = arith.cmpf oge, %get3A_971, %get3A_38 : vector<16xf32>
      %select_n3A_996 = arith.select %ge3A_995, %broadcast_in_dim3A_74, %broadcast_in_dim3A_76 : vector<16xi1>, vector<16xi32>
      %add3A_997 = arith.addi %add3A_994, %select_n3A_996 : vector<16xi32>
      %ge3A_998 = arith.cmpf oge, %get3A_976, %get3A_43 : vector<16xf32>
      %select_n3A_999 = arith.select %ge3A_998, %broadcast_in_dim3A_74, %broadcast_in_dim3A_76 : vector<16xi1>, vector<16xi32>
      %add3A_1000 = arith.addi %broadcast_in_dim3A_76, %select_n3A_999 : vector<16xi32>
      %ge3A_1001 = arith.cmpf oge, %get3A_976, %get3A_48 : vector<16xf32>
      %select_n3A_1002 = arith.select %ge3A_1001, %broadcast_in_dim3A_74, %broadcast_in_dim3A_76 : vector<16xi1>, vector<16xi32>
      %add3A_1003 = arith.addi %add3A_1000, %select_n3A_1002 : vector<16xi32>
      %ge3A_1004 = arith.cmpf oge, %get3A_976, %get3A_53 : vector<16xf32>
      %select_n3A_1005 = arith.select %ge3A_1004, %broadcast_in_dim3A_74, %broadcast_in_dim3A_76 : vector<16xi1>, vector<16xi32>
      %add3A_1006 = arith.addi %add3A_1003, %select_n3A_1005 : vector<16xi32>
      %ge3A_1007 = arith.cmpf oge, %get3A_976, %get3A_58 : vector<16xf32>
      %select_n3A_1008 = arith.select %ge3A_1007, %broadcast_in_dim3A_74, %broadcast_in_dim3A_76 : vector<16xi1>, vector<16xi32>
      %add3A_1009 = arith.addi %add3A_1006, %select_n3A_1008 : vector<16xi32>
      %ge3A_1010 = arith.cmpf oge, %get3A_976, %get3A_63 : vector<16xf32>
      %select_n3A_1011 = arith.select %ge3A_1010, %broadcast_in_dim3A_74, %broadcast_in_dim3A_76 : vector<16xi1>, vector<16xi32>
      %add3A_1012 = arith.addi %add3A_1009, %select_n3A_1011 : vector<16xi32>
      %ge3A_1013 = arith.cmpf oge, %get3A_976, %get3A_68 : vector<16xf32>
      %select_n3A_1014 = arith.select %ge3A_1013, %broadcast_in_dim3A_74, %broadcast_in_dim3A_76 : vector<16xi1>, vector<16xi32>
      %add3A_1015 = arith.addi %add3A_1012, %select_n3A_1014 : vector<16xi32>
      %ge3A_1016 = arith.cmpf oge, %get3A_976, %get3A_73 : vector<16xf32>
      %select_n3A_1017 = arith.select %ge3A_1016, %broadcast_in_dim3A_74, %broadcast_in_dim3A_76 : vector<16xi1>, vector<16xi32>
      %add3A_1018 = arith.addi %add3A_1015, %select_n3A_1017 : vector<16xi32>
      %mul3A_1019 = arith.constant 8 : i32
      %mul3A_1020 = vector.broadcast %mul3A_1019 : i32 to vector<16xi32>
      %mul3A_1021 = arith.muli %mul3A_1020, %add3A_1018 : vector<16xi32>
      %add3A_1022 = arith.addi %add3A_997, %mul3A_1021 : vector<16xi32>
      %swap3A_1023 = arith.constant 112 : index
      %swap3A_1024 = tpu.vector_load %arg16[%swap3A_1023] {strides = array<i32>} : memref<128xi32, #tpu.memory_space<vmem>>, vector<16xi32>,
      %swap3A_1025 = vector.shape_cast %swap3A_1024 : vector<16xi32> to vector<16xi32>
      %swap3A_1026 = vector.shape_cast %add3A_1022 : vector<16xi32> to vector<16xi32>
      tpu.vector_store %arg16[%swap3A_1023], %swap3A_1026 {strides = array<i32>} : memref<128xi32, #tpu.memory_space<vmem>>, vector<16xi32>,
      %add3A_1027 = arith.constant 1 : i32
      %add3A_1028 = arith.addi %mul3A_542, %add3A_1027 : i32
      %add3A_1029 = arith.constant 1 : i32
      %add3A_1030 = arith.addi %mul3A_542, %add3A_1029 : i32
      %add3A_1031 = arith.constant 1 : i32
      %add3A_1032 = arith.addi %mul3A_542, %add3A_1031 : i32
      %add3A_1033 = arith.constant 1 : i32
      %add3A_1034 = arith.addi %mul3A_542, %add3A_1033 : i32
      %add3A_1035 = arith.constant 262144 : i32
      %add3A_1036 = arith.addi %add3A_1035, %mul3A_2 : i32
      %mul3A_1037 = arith.constant 128 : i32
      %mul3A_1038 = arith.muli %mul3A_542, %mul3A_1037 : i32
      %add3A_1039 = arith.addi %add3A_1036, %mul3A_1038 : i32
      %dma_start3A_1040 = arith.constant 0 : i32
      %dma_start3A_1041 = tpu.memref_slice %arg2[%add3A_1039, %dma_start3A_1040] : memref<1048576x64xf32, #tpu.memory_space<hbm>> -> memref<128x64xf32, #tpu.memory_space<hbm>>
      %dma_start3A_1042 = arith.constant 0 : i32
      %dma_start3A_1043 = tpu.memref_slice %arg2[%add3A_1039, %dma_start3A_1042] : memref<1048576x64xf32, #tpu.memory_space<hbm>> -> memref<128x64xf32, #tpu.memory_space<hbm>>
      tpu.enqueue_dma source(%dma_start3A_1043 : memref<128x64xf32, #tpu.memory_space<hbm>>) target(%arg14 : memref<128x64xf32, #tpu.memory_space<vmem>>) target_semaphore(%arg25 : memref<!tpu.dma_semaphore, #tpu.memory_space<semaphore_mem>>)
      %add3A_1044 = arith.constant 0 : i32
      %add3A_1045 = arith.addi %add3A_1044, %mul3A_2 : i32
      %mul3A_1046 = arith.constant 128 : i32
      %mul3A_1047 = arith.muli %mul3A_542, %mul3A_1046 : i32
      %add3A_1048 = arith.addi %add3A_1045, %mul3A_1047 : i32
      %dma_wait3A = arith.constant 0 : i32
      %dma_wait3A_1049 = tpu.memref_slice %arg2[%add3A_1048, %dma_wait3A] : memref<1048576x64xf32, #tpu.memory_space<hbm>> -> memref<128x64xf32, #tpu.memory_space<hbm>>
      %dma_wait3A_1050 = arith.constant 0 : i32
      %dma_wait3A_1051 = tpu.memref_slice %arg2[%add3A_1048, %dma_wait3A_1050] : memref<1048576x64xf32, #tpu.memory_space<hbm>> -> memref<128x64xf32, #tpu.memory_space<hbm>>
      tpu.wait_dma2 semaphore(%arg24 : memref<!tpu.dma_semaphore, #tpu.memory_space<semaphore_mem>>) src(%dma_wait3A_1051 : memref<128x64xf32, #tpu.memory_space<hbm>>) dst(%arg13 : memref<128x64xf32, #tpu.memory_space<vmem>>)
      "tpu.region"() ({
        %run_scoped3A = tpu.sem_alloc : memref<!tpu.dma_semaphore, #tpu.memory_space<semaphore_mem>>
        %dma_start3A_1173 = arith.constant 0 : i32
        %dma_start3A_1174 = arith.constant 0 : i32
        %dma_start3A_1175 = tpu.memref_slice %arg19[%dma_start3A_1173, %dma_start3A_1174] : memref<64x64xf32, #tpu.memory_space<vmem_shared>> -> memref<64x64xf32, #tpu.memory_space<vmem_shared>>
        tpu.enqueue_indirect_dma source(%arg13 : memref<128x64xf32, #tpu.memory_space<vmem>>) target(%dma_start3A_1175 : memref<64x64xf32, #tpu.memory_space<vmem_shared>>) offsets(%arg15 : memref<128xi32, #tpu.memory_space<vmem>>) semaphore(%run_scoped3A : memref<!tpu.dma_semaphore, #tpu.memory_space<semaphore_mem>>) {add = true}
        %dma_wait3A_1176 = arith.constant 0 : i32
        %dma_wait3A_1177 = arith.constant 0 : i32
        %dma_wait3A_1178 = tpu.memref_slice %arg19[%dma_wait3A_1176, %dma_wait3A_1177] : memref<64x64xf32, #tpu.memory_space<vmem_shared>> -> memref<64x64xf32, #tpu.memory_space<vmem_shared>>
        tpu.wait_indirect_dma semaphore(%run_scoped3A : memref<!tpu.dma_semaphore, #tpu.memory_space<semaphore_mem>>) src(%arg13 : memref<128x64xf32, #tpu.memory_space<vmem>>) dst(%dma_wait3A_1178 : memref<64x64xf32, #tpu.memory_space<vmem_shared>>)
        tpu.yield
      }) : () -> ()
      %add3A_1052 = arith.constant 524288 : i32
      %add3A_1053 = arith.addi %add3A_1052, %mul3A_2 : i32
      %mul3A_1054 = arith.constant 128 : i32
      %mul3A_1055 = arith.muli %mul3A_542, %mul3A_1054 : i32
      %add3A_1056 = arith.addi %add3A_1053, %mul3A_1055 : i32
      %dma_start3A_1057 = arith.constant 0 : i32
      %dma_start3A_1058 = tpu.memref_slice %arg2[%add3A_1056, %dma_start3A_1057] : memref<1048576x64xf32, #tpu.memory_space<hbm>> -> memref<128x64xf32, #tpu.memory_space<hbm>>
      %dma_start3A_1059 = arith.constant 0 : i32
      %dma_start3A_1060 = tpu.memref_slice %arg2[%add3A_1056, %dma_start3A_1059] : memref<1048576x64xf32, #tpu.memory_space<hbm>> -> memref<128x64xf32, #tpu.memory_space<hbm>>
      tpu.enqueue_dma source(%dma_start3A_1060 : memref<128x64xf32, #tpu.memory_space<hbm>>) target(%arg13 : memref<128x64xf32, #tpu.memory_space<vmem>>) target_semaphore(%arg24 : memref<!tpu.dma_semaphore, #tpu.memory_space<semaphore_mem>>)
      %add3A_1061 = arith.constant 262144 : i32
      %add3A_1062 = arith.addi %add3A_1061, %mul3A_2 : i32
      %mul3A_1063 = arith.constant 128 : i32
      %mul3A_1064 = arith.muli %mul3A_542, %mul3A_1063 : i32
      %add3A_1065 = arith.addi %add3A_1062, %mul3A_1064 : i32
      %dma_wait3A_1066 = arith.constant 0 : i32
      %dma_wait3A_1067 = tpu.memref_slice %arg2[%add3A_1065, %dma_wait3A_1066] : memref<1048576x64xf32, #tpu.memory_space<hbm>> -> memref<128x64xf32, #tpu.memory_space<hbm>>
      %dma_wait3A_1068 = arith.constant 0 : i32
      %dma_wait3A_1069 = tpu.memref_slice %arg2[%add3A_1065, %dma_wait3A_1068] : memref<1048576x64xf32, #tpu.memory_space<hbm>> -> memref<128x64xf32, #tpu.memory_space<hbm>>
      tpu.wait_dma2 semaphore(%arg25 : memref<!tpu.dma_semaphore, #tpu.memory_space<semaphore_mem>>) src(%dma_wait3A_1069 : memref<128x64xf32, #tpu.memory_space<hbm>>) dst(%arg14 : memref<128x64xf32, #tpu.memory_space<vmem>>)
      "tpu.region"() ({
        %run_scoped3A = tpu.sem_alloc : memref<!tpu.dma_semaphore, #tpu.memory_space<semaphore_mem>>
        %dma_start3A_1173 = arith.constant 0 : i32
        %dma_start3A_1174 = arith.constant 0 : i32
        %dma_start3A_1175 = tpu.memref_slice %arg20[%dma_start3A_1173, %dma_start3A_1174] : memref<64x64xf32, #tpu.memory_space<vmem_shared>> -> memref<64x64xf32, #tpu.memory_space<vmem_shared>>
        tpu.enqueue_indirect_dma source(%arg14 : memref<128x64xf32, #tpu.memory_space<vmem>>) target(%dma_start3A_1175 : memref<64x64xf32, #tpu.memory_space<vmem_shared>>) offsets(%arg15 : memref<128xi32, #tpu.memory_space<vmem>>) semaphore(%run_scoped3A : memref<!tpu.dma_semaphore, #tpu.memory_space<semaphore_mem>>) {add = true}
        %dma_wait3A_1176 = arith.constant 0 : i32
        %dma_wait3A_1177 = arith.constant 0 : i32
        %dma_wait3A_1178 = tpu.memref_slice %arg20[%dma_wait3A_1176, %dma_wait3A_1177] : memref<64x64xf32, #tpu.memory_space<vmem_shared>> -> memref<64x64xf32, #tpu.memory_space<vmem_shared>>
        tpu.wait_indirect_dma semaphore(%run_scoped3A : memref<!tpu.dma_semaphore, #tpu.memory_space<semaphore_mem>>) src(%arg14 : memref<128x64xf32, #tpu.memory_space<vmem>>) dst(%dma_wait3A_1178 : memref<64x64xf32, #tpu.memory_space<vmem_shared>>)
        tpu.yield
      }) : () -> ()
      %add3A_1070 = arith.constant 786432 : i32
      %add3A_1071 = arith.addi %add3A_1070, %mul3A_2 : i32
      %mul3A_1072 = arith.constant 128 : i32
      %mul3A_1073 = arith.muli %mul3A_542, %mul3A_1072 : i32
      %add3A_1074 = arith.addi %add3A_1071, %mul3A_1073 : i32
      %dma_start3A_1075 = arith.constant 0 : i32
      %dma_start3A_1076 = tpu.memref_slice %arg2[%add3A_1074, %dma_start3A_1075] : memref<1048576x64xf32, #tpu.memory_space<hbm>> -> memref<128x64xf32, #tpu.memory_space<hbm>>
      %dma_start3A_1077 = arith.constant 0 : i32
      %dma_start3A_1078 = tpu.memref_slice %arg2[%add3A_1074, %dma_start3A_1077] : memref<1048576x64xf32, #tpu.memory_space<hbm>> -> memref<128x64xf32, #tpu.memory_space<hbm>>
      tpu.enqueue_dma source(%dma_start3A_1078 : memref<128x64xf32, #tpu.memory_space<hbm>>) target(%arg14 : memref<128x64xf32, #tpu.memory_space<vmem>>) target_semaphore(%arg25 : memref<!tpu.dma_semaphore, #tpu.memory_space<semaphore_mem>>)
      %add3A_1079 = arith.constant 524288 : i32
      %add3A_1080 = arith.addi %add3A_1079, %mul3A_2 : i32
      %mul3A_1081 = arith.constant 128 : i32
      %mul3A_1082 = arith.muli %mul3A_542, %mul3A_1081 : i32
      %add3A_1083 = arith.addi %add3A_1080, %mul3A_1082 : i32
      %dma_wait3A_1084 = arith.constant 0 : i32
      %dma_wait3A_1085 = tpu.memref_slice %arg2[%add3A_1083, %dma_wait3A_1084] : memref<1048576x64xf32, #tpu.memory_space<hbm>> -> memref<128x64xf32, #tpu.memory_space<hbm>>
      %dma_wait3A_1086 = arith.constant 0 : i32
      %dma_wait3A_1087 = tpu.memref_slice %arg2[%add3A_1083, %dma_wait3A_1086] : memref<1048576x64xf32, #tpu.memory_space<hbm>> -> memref<128x64xf32, #tpu.memory_space<hbm>>
      tpu.wait_dma2 semaphore(%arg24 : memref<!tpu.dma_semaphore, #tpu.memory_space<semaphore_mem>>) src(%dma_wait3A_1087 : memref<128x64xf32, #tpu.memory_space<hbm>>) dst(%arg13 : memref<128x64xf32, #tpu.memory_space<vmem>>)
      "tpu.region"() ({
        %run_scoped3A = tpu.sem_alloc : memref<!tpu.dma_semaphore, #tpu.memory_space<semaphore_mem>>
        %dma_start3A_1173 = arith.constant 0 : i32
        %dma_start3A_1174 = arith.constant 0 : i32
        %dma_start3A_1175 = tpu.memref_slice %arg21[%dma_start3A_1173, %dma_start3A_1174] : memref<64x64xf32, #tpu.memory_space<vmem_shared>> -> memref<64x64xf32, #tpu.memory_space<vmem_shared>>
        tpu.enqueue_indirect_dma source(%arg13 : memref<128x64xf32, #tpu.memory_space<vmem>>) target(%dma_start3A_1175 : memref<64x64xf32, #tpu.memory_space<vmem_shared>>) offsets(%arg15 : memref<128xi32, #tpu.memory_space<vmem>>) semaphore(%run_scoped3A : memref<!tpu.dma_semaphore, #tpu.memory_space<semaphore_mem>>) {add = true}
        %dma_wait3A_1176 = arith.constant 0 : i32
        %dma_wait3A_1177 = arith.constant 0 : i32
        %dma_wait3A_1178 = tpu.memref_slice %arg21[%dma_wait3A_1176, %dma_wait3A_1177] : memref<64x64xf32, #tpu.memory_space<vmem_shared>> -> memref<64x64xf32, #tpu.memory_space<vmem_shared>>
        tpu.wait_indirect_dma semaphore(%run_scoped3A : memref<!tpu.dma_semaphore, #tpu.memory_space<semaphore_mem>>) src(%arg13 : memref<128x64xf32, #tpu.memory_space<vmem>>) dst(%dma_wait3A_1178 : memref<64x64xf32, #tpu.memory_space<vmem_shared>>)
        tpu.yield
      }) : () -> ()
      %add3A_1088 = arith.constant 0 : i32
      %add3A_1089 = arith.addi %add3A_1088, %mul3A_2 : i32
      %mul3A_1090 = arith.constant 128 : i32
      %mul3A_1091 = arith.muli %add3A_1028, %mul3A_1090 : i32
      %add3A_1092 = arith.addi %add3A_1089, %mul3A_1091 : i32
      %dma_start3A_1093 = arith.constant 0 : i32
      %dma_start3A_1094 = tpu.memref_slice %arg2[%add3A_1092, %dma_start3A_1093] : memref<1048576x64xf32, #tpu.memory_space<hbm>> -> memref<128x64xf32, #tpu.memory_space<hbm>>
      %dma_start3A_1095 = arith.constant 0 : i32
      %dma_start3A_1096 = tpu.memref_slice %arg2[%add3A_1092, %dma_start3A_1095] : memref<1048576x64xf32, #tpu.memory_space<hbm>> -> memref<128x64xf32, #tpu.memory_space<hbm>>
      tpu.enqueue_dma source(%dma_start3A_1096 : memref<128x64xf32, #tpu.memory_space<hbm>>) target(%arg13 : memref<128x64xf32, #tpu.memory_space<vmem>>) target_semaphore(%arg24 : memref<!tpu.dma_semaphore, #tpu.memory_space<semaphore_mem>>)
      %add3A_1097 = arith.constant 786432 : i32
      %add3A_1098 = arith.addi %add3A_1097, %mul3A_2 : i32
      %mul3A_1099 = arith.constant 128 : i32
      %mul3A_1100 = arith.muli %mul3A_542, %mul3A_1099 : i32
      %add3A_1101 = arith.addi %add3A_1098, %mul3A_1100 : i32
      %dma_wait3A_1102 = arith.constant 0 : i32
      %dma_wait3A_1103 = tpu.memref_slice %arg2[%add3A_1101, %dma_wait3A_1102] : memref<1048576x64xf32, #tpu.memory_space<hbm>> -> memref<128x64xf32, #tpu.memory_space<hbm>>
      %dma_wait3A_1104 = arith.constant 0 : i32
      %dma_wait3A_1105 = tpu.memref_slice %arg2[%add3A_1101, %dma_wait3A_1104] : memref<1048576x64xf32, #tpu.memory_space<hbm>> -> memref<128x64xf32, #tpu.memory_space<hbm>>
      tpu.wait_dma2 semaphore(%arg25 : memref<!tpu.dma_semaphore, #tpu.memory_space<semaphore_mem>>) src(%dma_wait3A_1105 : memref<128x64xf32, #tpu.memory_space<hbm>>) dst(%arg14 : memref<128x64xf32, #tpu.memory_space<vmem>>)
      "tpu.region"() ({
        %run_scoped3A = tpu.sem_alloc : memref<!tpu.dma_semaphore, #tpu.memory_space<semaphore_mem>>
        %dma_start3A_1173 = arith.constant 0 : i32
        %dma_start3A_1174 = arith.constant 0 : i32
        %dma_start3A_1175 = tpu.memref_slice %arg22[%dma_start3A_1173, %dma_start3A_1174] : memref<64x64xf32, #tpu.memory_space<vmem_shared>> -> memref<64x64xf32, #tpu.memory_space<vmem_shared>>
        tpu.enqueue_indirect_dma source(%arg14 : memref<128x64xf32, #tpu.memory_space<vmem>>) target(%dma_start3A_1175 : memref<64x64xf32, #tpu.memory_space<vmem_shared>>) offsets(%arg15 : memref<128xi32, #tpu.memory_space<vmem>>) semaphore(%run_scoped3A : memref<!tpu.dma_semaphore, #tpu.memory_space<semaphore_mem>>) {add = true}
        %dma_wait3A_1176 = arith.constant 0 : i32
        %dma_wait3A_1177 = arith.constant 0 : i32
        %dma_wait3A_1178 = tpu.memref_slice %arg22[%dma_wait3A_1176, %dma_wait3A_1177] : memref<64x64xf32, #tpu.memory_space<vmem_shared>> -> memref<64x64xf32, #tpu.memory_space<vmem_shared>>
        tpu.wait_indirect_dma semaphore(%run_scoped3A : memref<!tpu.dma_semaphore, #tpu.memory_space<semaphore_mem>>) src(%arg14 : memref<128x64xf32, #tpu.memory_space<vmem>>) dst(%dma_wait3A_1178 : memref<64x64xf32, #tpu.memory_space<vmem_shared>>)
        tpu.yield
      }) : () -> ()
      "tpu.region"() ({
        %run_scoped3A = tpu.sem_alloc : memref<!tpu.dma_semaphore, #tpu.memory_space<semaphore_mem>>
        %dma_start3A_1173 = arith.constant 0 : i32
        %dma_start3A_1174 = arith.constant 0 : i32
        %dma_start3A_1175 = tpu.memref_slice %arg23[%dma_start3A_1173, %dma_start3A_1174] : memref<64x16xf32, #tpu.memory_space<vmem_shared>> -> memref<64x16xf32, #tpu.memory_space<vmem_shared>>
        tpu.enqueue_indirect_dma source(%arg17 : memref<128x16xf32, #tpu.memory_space<vmem>>) target(%dma_start3A_1175 : memref<64x16xf32, #tpu.memory_space<vmem_shared>>) offsets(%arg15 : memref<128xi32, #tpu.memory_space<vmem>>) semaphore(%run_scoped3A : memref<!tpu.dma_semaphore, #tpu.memory_space<semaphore_mem>>) {add = true}
        %dma_wait3A_1176 = arith.constant 0 : i32
        %dma_wait3A_1177 = arith.constant 0 : i32
        %dma_wait3A_1178 = tpu.memref_slice %arg23[%dma_wait3A_1176, %dma_wait3A_1177] : memref<64x16xf32, #tpu.memory_space<vmem_shared>> -> memref<64x16xf32, #tpu.memory_space<vmem_shared>>
        tpu.wait_indirect_dma semaphore(%run_scoped3A : memref<!tpu.dma_semaphore, #tpu.memory_space<semaphore_mem>>) src(%arg17 : memref<128x16xf32, #tpu.memory_space<vmem>>) dst(%dma_wait3A_1178 : memref<64x16xf32, #tpu.memory_space<vmem_shared>>)
        tpu.yield
      }) : () -> ()
      %add3A_1106 = arith.constant 262144 : i32
      %add3A_1107 = arith.addi %add3A_1106, %mul3A_2 : i32
      %mul3A_1108 = arith.constant 128 : i32
      %mul3A_1109 = arith.muli %add3A_1030, %mul3A_1108 : i32
      %add3A_1110 = arith.addi %add3A_1107, %mul3A_1109 : i32
      %dma_start3A_1111 = arith.constant 0 : i32
      %dma_start3A_1112 = tpu.memref_slice %arg2[%add3A_1110, %dma_start3A_1111] : memref<1048576x64xf32, #tpu.memory_space<hbm>> -> memref<128x64xf32, #tpu.memory_space<hbm>>
      %dma_start3A_1113 = arith.constant 0 : i32
      %dma_start3A_1114 = tpu.memref_slice %arg2[%add3A_1110, %dma_start3A_1113] : memref<1048576x64xf32, #tpu.memory_space<hbm>> -> memref<128x64xf32, #tpu.memory_space<hbm>>
      tpu.enqueue_dma source(%dma_start3A_1114 : memref<128x64xf32, #tpu.memory_space<hbm>>) target(%arg14 : memref<128x64xf32, #tpu.memory_space<vmem>>) target_semaphore(%arg25 : memref<!tpu.dma_semaphore, #tpu.memory_space<semaphore_mem>>)
      %add3A_1115 = arith.constant 0 : i32
      %add3A_1116 = arith.addi %add3A_1115, %mul3A_2 : i32
      %mul3A_1117 = arith.constant 128 : i32
      %mul3A_1118 = arith.muli %add3A_1028, %mul3A_1117 : i32
      %add3A_1119 = arith.addi %add3A_1116, %mul3A_1118 : i32
      %dma_wait3A_1120 = arith.constant 0 : i32
      %dma_wait3A_1121 = tpu.memref_slice %arg2[%add3A_1119, %dma_wait3A_1120] : memref<1048576x64xf32, #tpu.memory_space<hbm>> -> memref<128x64xf32, #tpu.memory_space<hbm>>
      %dma_wait3A_1122 = arith.constant 0 : i32
      %dma_wait3A_1123 = tpu.memref_slice %arg2[%add3A_1119, %dma_wait3A_1122] : memref<1048576x64xf32, #tpu.memory_space<hbm>> -> memref<128x64xf32, #tpu.memory_space<hbm>>
      tpu.wait_dma2 semaphore(%arg24 : memref<!tpu.dma_semaphore, #tpu.memory_space<semaphore_mem>>) src(%dma_wait3A_1123 : memref<128x64xf32, #tpu.memory_space<hbm>>) dst(%arg13 : memref<128x64xf32, #tpu.memory_space<vmem>>)
      "tpu.region"() ({
        %run_scoped3A = tpu.sem_alloc : memref<!tpu.dma_semaphore, #tpu.memory_space<semaphore_mem>>
        %dma_start3A_1173 = arith.constant 0 : i32
        %dma_start3A_1174 = arith.constant 0 : i32
        %dma_start3A_1175 = tpu.memref_slice %arg19[%dma_start3A_1173, %dma_start3A_1174] : memref<64x64xf32, #tpu.memory_space<vmem_shared>> -> memref<64x64xf32, #tpu.memory_space<vmem_shared>>
        tpu.enqueue_indirect_dma source(%arg13 : memref<128x64xf32, #tpu.memory_space<vmem>>) target(%dma_start3A_1175 : memref<64x64xf32, #tpu.memory_space<vmem_shared>>) offsets(%arg16 : memref<128xi32, #tpu.memory_space<vmem>>) semaphore(%run_scoped3A : memref<!tpu.dma_semaphore, #tpu.memory_space<semaphore_mem>>) {add = true}
        %dma_wait3A_1176 = arith.constant 0 : i32
        %dma_wait3A_1177 = arith.constant 0 : i32
        %dma_wait3A_1178 = tpu.memref_slice %arg19[%dma_wait3A_1176, %dma_wait3A_1177] : memref<64x64xf32, #tpu.memory_space<vmem_shared>> -> memref<64x64xf32, #tpu.memory_space<vmem_shared>>
        tpu.wait_indirect_dma semaphore(%run_scoped3A : memref<!tpu.dma_semaphore, #tpu.memory_space<semaphore_mem>>) src(%arg13 : memref<128x64xf32, #tpu.memory_space<vmem>>) dst(%dma_wait3A_1178 : memref<64x64xf32, #tpu.memory_space<vmem_shared>>)
        tpu.yield
      }) : () -> ()
      %add3A_1124 = arith.constant 524288 : i32
      %add3A_1125 = arith.addi %add3A_1124, %mul3A_2 : i32
      %mul3A_1126 = arith.constant 128 : i32
      %mul3A_1127 = arith.muli %add3A_1032, %mul3A_1126 : i32
      %add3A_1128 = arith.addi %add3A_1125, %mul3A_1127 : i32
      %dma_start3A_1129 = arith.constant 0 : i32
      %dma_start3A_1130 = tpu.memref_slice %arg2[%add3A_1128, %dma_start3A_1129] : memref<1048576x64xf32, #tpu.memory_space<hbm>> -> memref<128x64xf32, #tpu.memory_space<hbm>>
      %dma_start3A_1131 = arith.constant 0 : i32
      %dma_start3A_1132 = tpu.memref_slice %arg2[%add3A_1128, %dma_start3A_1131] : memref<1048576x64xf32, #tpu.memory_space<hbm>> -> memref<128x64xf32, #tpu.memory_space<hbm>>
      tpu.enqueue_dma source(%dma_start3A_1132 : memref<128x64xf32, #tpu.memory_space<hbm>>) target(%arg13 : memref<128x64xf32, #tpu.memory_space<vmem>>) target_semaphore(%arg24 : memref<!tpu.dma_semaphore, #tpu.memory_space<semaphore_mem>>)
      %add3A_1133 = arith.constant 262144 : i32
      %add3A_1134 = arith.addi %add3A_1133, %mul3A_2 : i32
      %mul3A_1135 = arith.constant 128 : i32
      %mul3A_1136 = arith.muli %add3A_1030, %mul3A_1135 : i32
      %add3A_1137 = arith.addi %add3A_1134, %mul3A_1136 : i32
      %dma_wait3A_1138 = arith.constant 0 : i32
      %dma_wait3A_1139 = tpu.memref_slice %arg2[%add3A_1137, %dma_wait3A_1138] : memref<1048576x64xf32, #tpu.memory_space<hbm>> -> memref<128x64xf32, #tpu.memory_space<hbm>>
      %dma_wait3A_1140 = arith.constant 0 : i32
      %dma_wait3A_1141 = tpu.memref_slice %arg2[%add3A_1137, %dma_wait3A_1140] : memref<1048576x64xf32, #tpu.memory_space<hbm>> -> memref<128x64xf32, #tpu.memory_space<hbm>>
      tpu.wait_dma2 semaphore(%arg25 : memref<!tpu.dma_semaphore, #tpu.memory_space<semaphore_mem>>) src(%dma_wait3A_1141 : memref<128x64xf32, #tpu.memory_space<hbm>>) dst(%arg14 : memref<128x64xf32, #tpu.memory_space<vmem>>)
      "tpu.region"() ({
        %run_scoped3A = tpu.sem_alloc : memref<!tpu.dma_semaphore, #tpu.memory_space<semaphore_mem>>
        %dma_start3A_1173 = arith.constant 0 : i32
        %dma_start3A_1174 = arith.constant 0 : i32
        %dma_start3A_1175 = tpu.memref_slice %arg20[%dma_start3A_1173, %dma_start3A_1174] : memref<64x64xf32, #tpu.memory_space<vmem_shared>> -> memref<64x64xf32, #tpu.memory_space<vmem_shared>>
        tpu.enqueue_indirect_dma source(%arg14 : memref<128x64xf32, #tpu.memory_space<vmem>>) target(%dma_start3A_1175 : memref<64x64xf32, #tpu.memory_space<vmem_shared>>) offsets(%arg16 : memref<128xi32, #tpu.memory_space<vmem>>) semaphore(%run_scoped3A : memref<!tpu.dma_semaphore, #tpu.memory_space<semaphore_mem>>) {add = true}
        %dma_wait3A_1176 = arith.constant 0 : i32
        %dma_wait3A_1177 = arith.constant 0 : i32
        %dma_wait3A_1178 = tpu.memref_slice %arg20[%dma_wait3A_1176, %dma_wait3A_1177] : memref<64x64xf32, #tpu.memory_space<vmem_shared>> -> memref<64x64xf32, #tpu.memory_space<vmem_shared>>
        tpu.wait_indirect_dma semaphore(%run_scoped3A : memref<!tpu.dma_semaphore, #tpu.memory_space<semaphore_mem>>) src(%arg14 : memref<128x64xf32, #tpu.memory_space<vmem>>) dst(%dma_wait3A_1178 : memref<64x64xf32, #tpu.memory_space<vmem_shared>>)
        tpu.yield
      }) : () -> ()
      %add3A_1142 = arith.constant 786432 : i32
      %add3A_1143 = arith.addi %add3A_1142, %mul3A_2 : i32
      %mul3A_1144 = arith.constant 128 : i32
      %mul3A_1145 = arith.muli %add3A_1034, %mul3A_1144 : i32
      %add3A_1146 = arith.addi %add3A_1143, %mul3A_1145 : i32
      %dma_start3A_1147 = arith.constant 0 : i32
      %dma_start3A_1148 = tpu.memref_slice %arg2[%add3A_1146, %dma_start3A_1147] : memref<1048576x64xf32, #tpu.memory_space<hbm>> -> memref<128x64xf32, #tpu.memory_space<hbm>>
      %dma_start3A_1149 = arith.constant 0 : i32
      %dma_start3A_1150 = tpu.memref_slice %arg2[%add3A_1146, %dma_start3A_1149] : memref<1048576x64xf32, #tpu.memory_space<hbm>> -> memref<128x64xf32, #tpu.memory_space<hbm>>
      tpu.enqueue_dma source(%dma_start3A_1150 : memref<128x64xf32, #tpu.memory_space<hbm>>) target(%arg14 : memref<128x64xf32, #tpu.memory_space<vmem>>) target_semaphore(%arg25 : memref<!tpu.dma_semaphore, #tpu.memory_space<semaphore_mem>>)
      %add3A_1151 = arith.constant 524288 : i32
      %add3A_1152 = arith.addi %add3A_1151, %mul3A_2 : i32
      %mul3A_1153 = arith.constant 128 : i32
      %mul3A_1154 = arith.muli %add3A_1032, %mul3A_1153 : i32
      %add3A_1155 = arith.addi %add3A_1152, %mul3A_1154 : i32
      %dma_wait3A_1156 = arith.constant 0 : i32
      %dma_wait3A_1157 = tpu.memref_slice %arg2[%add3A_1155, %dma_wait3A_1156] : memref<1048576x64xf32, #tpu.memory_space<hbm>> -> memref<128x64xf32, #tpu.memory_space<hbm>>
      %dma_wait3A_1158 = arith.constant 0 : i32
      %dma_wait3A_1159 = tpu.memref_slice %arg2[%add3A_1155, %dma_wait3A_1158] : memref<1048576x64xf32, #tpu.memory_space<hbm>> -> memref<128x64xf32, #tpu.memory_space<hbm>>
      tpu.wait_dma2 semaphore(%arg24 : memref<!tpu.dma_semaphore, #tpu.memory_space<semaphore_mem>>) src(%dma_wait3A_1159 : memref<128x64xf32, #tpu.memory_space<hbm>>) dst(%arg13 : memref<128x64xf32, #tpu.memory_space<vmem>>)
      "tpu.region"() ({
        %run_scoped3A = tpu.sem_alloc : memref<!tpu.dma_semaphore, #tpu.memory_space<semaphore_mem>>
        %dma_start3A_1173 = arith.constant 0 : i32
        %dma_start3A_1174 = arith.constant 0 : i32
        %dma_start3A_1175 = tpu.memref_slice %arg21[%dma_start3A_1173, %dma_start3A_1174] : memref<64x64xf32, #tpu.memory_space<vmem_shared>> -> memref<64x64xf32, #tpu.memory_space<vmem_shared>>
        tpu.enqueue_indirect_dma source(%arg13 : memref<128x64xf32, #tpu.memory_space<vmem>>) target(%dma_start3A_1175 : memref<64x64xf32, #tpu.memory_space<vmem_shared>>) offsets(%arg16 : memref<128xi32, #tpu.memory_space<vmem>>) semaphore(%run_scoped3A : memref<!tpu.dma_semaphore, #tpu.memory_space<semaphore_mem>>) {add = true}
        %dma_wait3A_1176 = arith.constant 0 : i32
        %dma_wait3A_1177 = arith.constant 0 : i32
        %dma_wait3A_1178 = tpu.memref_slice %arg21[%dma_wait3A_1176, %dma_wait3A_1177] : memref<64x64xf32, #tpu.memory_space<vmem_shared>> -> memref<64x64xf32, #tpu.memory_space<vmem_shared>>
        tpu.wait_indirect_dma semaphore(%run_scoped3A : memref<!tpu.dma_semaphore, #tpu.memory_space<semaphore_mem>>) src(%arg13 : memref<128x64xf32, #tpu.memory_space<vmem>>) dst(%dma_wait3A_1178 : memref<64x64xf32, #tpu.memory_space<vmem_shared>>)
        tpu.yield
      }) : () -> ()
      %lt3A = arith.constant 31 : i32
      %lt3A_1160 = arith.cmpi slt, %scan3A_540, %lt3A : i32
      %convert_element_type3A_1161 = arith.extui %lt3A_1160 : i1 to i32
      %cond3A_1162 = arith.constant 0 : i32
      %cond3A_1163 = arith.cmpi ne, %convert_element_type3A_1161, %cond3A_1162 : i32
      scf.if %cond3A_1163 {
        %add3A_1173 = arith.constant 2 : i32
        %add3A_1174 = arith.addi %mul3A_542, %add3A_1173 : i32
        %mul3A_1175 = arith.constant 128 : i32
        %mul3A_1176 = arith.muli %add3A_1174, %mul3A_1175 : i32
        %add3A_1177 = arith.constant 0 : i32
        %add3A_1178 = arith.addi %mul3A_1176, %add3A_1177 : i32
        %get3A_1179 = arith.index_cast %add3A_1178 : i32 to index
        %get3A_1180 = tpu.vector_load %arg11[%get3A_1179] {strides = array<i32>} : memref<8192xf32, #tpu.memory_space<vmem>>, vector<16xf32>,
        %get3A_1181 = vector.shape_cast %get3A_1180 : vector<16xf32> to vector<16xf32>
        %add3A_1182 = arith.constant 0 : i32
        %add3A_1183 = arith.addi %mul3A_1176, %add3A_1182 : i32
        %get3A_1184 = arith.index_cast %add3A_1183 : i32 to index
        %get3A_1185 = tpu.vector_load %arg12[%get3A_1184] {strides = array<i32>} : memref<8192xf32, #tpu.memory_space<vmem>>, vector<16xf32>,
        %get3A_1186 = vector.shape_cast %get3A_1185 : vector<16xf32> to vector<16xf32>
        %ge3A_1187 = arith.cmpf oge, %get3A_1181, %get3A_8 : vector<16xf32>
        %select_n3A_1188 = arith.select %ge3A_1187, %broadcast_in_dim3A_74, %broadcast_in_dim3A_76 : vector<16xi1>, vector<16xi32>
        %add3A_1189 = arith.addi %broadcast_in_dim3A_76, %select_n3A_1188 : vector<16xi32>
        %ge3A_1190 = arith.cmpf oge, %get3A_1181, %get3A_13 : vector<16xf32>
        %select_n3A_1191 = arith.select %ge3A_1190, %broadcast_in_dim3A_74, %broadcast_in_dim3A_76 : vector<16xi1>, vector<16xi32>
        %add3A_1192 = arith.addi %add3A_1189, %select_n3A_1191 : vector<16xi32>
        %ge3A_1193 = arith.cmpf oge, %get3A_1181, %get3A_18 : vector<16xf32>
        %select_n3A_1194 = arith.select %ge3A_1193, %broadcast_in_dim3A_74, %broadcast_in_dim3A_76 : vector<16xi1>, vector<16xi32>
        %add3A_1195 = arith.addi %add3A_1192, %select_n3A_1194 : vector<16xi32>
        %ge3A_1196 = arith.cmpf oge, %get3A_1181, %get3A_23 : vector<16xf32>
        %select_n3A_1197 = arith.select %ge3A_1196, %broadcast_in_dim3A_74, %broadcast_in_dim3A_76 : vector<16xi1>, vector<16xi32>
        %add3A_1198 = arith.addi %add3A_1195, %select_n3A_1197 : vector<16xi32>
        %ge3A_1199 = arith.cmpf oge, %get3A_1181, %get3A_28 : vector<16xf32>
        %select_n3A_1200 = arith.select %ge3A_1199, %broadcast_in_dim3A_74, %broadcast_in_dim3A_76 : vector<16xi1>, vector<16xi32>
        %add3A_1201 = arith.addi %add3A_1198, %select_n3A_1200 : vector<16xi32>
        %ge3A_1202 = arith.cmpf oge, %get3A_1181, %get3A_33 : vector<16xf32>
        %select_n3A_1203 = arith.select %ge3A_1202, %broadcast_in_dim3A_74, %broadcast_in_dim3A_76 : vector<16xi1>, vector<16xi32>
        %add3A_1204 = arith.addi %add3A_1201, %select_n3A_1203 : vector<16xi32>
        %ge3A_1205 = arith.cmpf oge, %get3A_1181, %get3A_38 : vector<16xf32>
        %select_n3A_1206 = arith.select %ge3A_1205, %broadcast_in_dim3A_74, %broadcast_in_dim3A_76 : vector<16xi1>, vector<16xi32>
        %add3A_1207 = arith.addi %add3A_1204, %select_n3A_1206 : vector<16xi32>
        %ge3A_1208 = arith.cmpf oge, %get3A_1186, %get3A_43 : vector<16xf32>
        %select_n3A_1209 = arith.select %ge3A_1208, %broadcast_in_dim3A_74, %broadcast_in_dim3A_76 : vector<16xi1>, vector<16xi32>
        %add3A_1210 = arith.addi %broadcast_in_dim3A_76, %select_n3A_1209 : vector<16xi32>
        %ge3A_1211 = arith.cmpf oge, %get3A_1186, %get3A_48 : vector<16xf32>
        %select_n3A_1212 = arith.select %ge3A_1211, %broadcast_in_dim3A_74, %broadcast_in_dim3A_76 : vector<16xi1>, vector<16xi32>
        %add3A_1213 = arith.addi %add3A_1210, %select_n3A_1212 : vector<16xi32>
        %ge3A_1214 = arith.cmpf oge, %get3A_1186, %get3A_53 : vector<16xf32>
        %select_n3A_1215 = arith.select %ge3A_1214, %broadcast_in_dim3A_74, %broadcast_in_dim3A_76 : vector<16xi1>, vector<16xi32>
        %add3A_1216 = arith.addi %add3A_1213, %select_n3A_1215 : vector<16xi32>
        %ge3A_1217 = arith.cmpf oge, %get3A_1186, %get3A_58 : vector<16xf32>
        %select_n3A_1218 = arith.select %ge3A_1217, %broadcast_in_dim3A_74, %broadcast_in_dim3A_76 : vector<16xi1>, vector<16xi32>
        %add3A_1219 = arith.addi %add3A_1216, %select_n3A_1218 : vector<16xi32>
        %ge3A_1220 = arith.cmpf oge, %get3A_1186, %get3A_63 : vector<16xf32>
        %select_n3A_1221 = arith.select %ge3A_1220, %broadcast_in_dim3A_74, %broadcast_in_dim3A_76 : vector<16xi1>, vector<16xi32>
        %add3A_1222 = arith.addi %add3A_1219, %select_n3A_1221 : vector<16xi32>
        %ge3A_1223 = arith.cmpf oge, %get3A_1186, %get3A_68 : vector<16xf32>
        %select_n3A_1224 = arith.select %ge3A_1223, %broadcast_in_dim3A_74, %broadcast_in_dim3A_76 : vector<16xi1>, vector<16xi32>
        %add3A_1225 = arith.addi %add3A_1222, %select_n3A_1224 : vector<16xi32>
        %ge3A_1226 = arith.cmpf oge, %get3A_1186, %get3A_73 : vector<16xf32>
        %select_n3A_1227 = arith.select %ge3A_1226, %broadcast_in_dim3A_74, %broadcast_in_dim3A_76 : vector<16xi1>, vector<16xi32>
        %add3A_1228 = arith.addi %add3A_1225, %select_n3A_1227 : vector<16xi32>
        %mul3A_1229 = arith.constant 8 : i32
        %mul3A_1230 = vector.broadcast %mul3A_1229 : i32 to vector<16xi32>
        %mul3A_1231 = arith.muli %mul3A_1230, %add3A_1228 : vector<16xi32>
        %add3A_1232 = arith.addi %add3A_1207, %mul3A_1231 : vector<16xi32>
        %swap3A_1233 = arith.constant 0 : index
        %swap3A_1234 = tpu.vector_load %arg15[%swap3A_1233] {strides = array<i32>} : memref<128xi32, #tpu.memory_space<vmem>>, vector<16xi32>,
        %swap3A_1235 = vector.shape_cast %swap3A_1234 : vector<16xi32> to vector<16xi32>
        %swap3A_1236 = vector.shape_cast %add3A_1232 : vector<16xi32> to vector<16xi32>
        tpu.vector_store %arg15[%swap3A_1233], %swap3A_1236 {strides = array<i32>} : memref<128xi32, #tpu.memory_space<vmem>>, vector<16xi32>,
        %add3A_1237 = arith.constant 16 : i32
        %add3A_1238 = arith.addi %mul3A_1176, %add3A_1237 : i32
        %get3A_1239 = arith.index_cast %add3A_1238 : i32 to index
        %get3A_1240 = tpu.vector_load %arg11[%get3A_1239] {strides = array<i32>} : memref<8192xf32, #tpu.memory_space<vmem>>, vector<16xf32>,
        %get3A_1241 = vector.shape_cast %get3A_1240 : vector<16xf32> to vector<16xf32>
        %add3A_1242 = arith.constant 16 : i32
        %add3A_1243 = arith.addi %mul3A_1176, %add3A_1242 : i32
        %get3A_1244 = arith.index_cast %add3A_1243 : i32 to index
        %get3A_1245 = tpu.vector_load %arg12[%get3A_1244] {strides = array<i32>} : memref<8192xf32, #tpu.memory_space<vmem>>, vector<16xf32>,
        %get3A_1246 = vector.shape_cast %get3A_1245 : vector<16xf32> to vector<16xf32>
        %ge3A_1247 = arith.cmpf oge, %get3A_1241, %get3A_8 : vector<16xf32>
        %select_n3A_1248 = arith.select %ge3A_1247, %broadcast_in_dim3A_74, %broadcast_in_dim3A_76 : vector<16xi1>, vector<16xi32>
        %add3A_1249 = arith.addi %broadcast_in_dim3A_76, %select_n3A_1248 : vector<16xi32>
        %ge3A_1250 = arith.cmpf oge, %get3A_1241, %get3A_13 : vector<16xf32>
        %select_n3A_1251 = arith.select %ge3A_1250, %broadcast_in_dim3A_74, %broadcast_in_dim3A_76 : vector<16xi1>, vector<16xi32>
        %add3A_1252 = arith.addi %add3A_1249, %select_n3A_1251 : vector<16xi32>
        %ge3A_1253 = arith.cmpf oge, %get3A_1241, %get3A_18 : vector<16xf32>
        %select_n3A_1254 = arith.select %ge3A_1253, %broadcast_in_dim3A_74, %broadcast_in_dim3A_76 : vector<16xi1>, vector<16xi32>
        %add3A_1255 = arith.addi %add3A_1252, %select_n3A_1254 : vector<16xi32>
        %ge3A_1256 = arith.cmpf oge, %get3A_1241, %get3A_23 : vector<16xf32>
        %select_n3A_1257 = arith.select %ge3A_1256, %broadcast_in_dim3A_74, %broadcast_in_dim3A_76 : vector<16xi1>, vector<16xi32>
        %add3A_1258 = arith.addi %add3A_1255, %select_n3A_1257 : vector<16xi32>
        %ge3A_1259 = arith.cmpf oge, %get3A_1241, %get3A_28 : vector<16xf32>
        %select_n3A_1260 = arith.select %ge3A_1259, %broadcast_in_dim3A_74, %broadcast_in_dim3A_76 : vector<16xi1>, vector<16xi32>
        %add3A_1261 = arith.addi %add3A_1258, %select_n3A_1260 : vector<16xi32>
        %ge3A_1262 = arith.cmpf oge, %get3A_1241, %get3A_33 : vector<16xf32>
        %select_n3A_1263 = arith.select %ge3A_1262, %broadcast_in_dim3A_74, %broadcast_in_dim3A_76 : vector<16xi1>, vector<16xi32>
        %add3A_1264 = arith.addi %add3A_1261, %select_n3A_1263 : vector<16xi32>
        %ge3A_1265 = arith.cmpf oge, %get3A_1241, %get3A_38 : vector<16xf32>
        %select_n3A_1266 = arith.select %ge3A_1265, %broadcast_in_dim3A_74, %broadcast_in_dim3A_76 : vector<16xi1>, vector<16xi32>
        %add3A_1267 = arith.addi %add3A_1264, %select_n3A_1266 : vector<16xi32>
        %ge3A_1268 = arith.cmpf oge, %get3A_1246, %get3A_43 : vector<16xf32>
        %select_n3A_1269 = arith.select %ge3A_1268, %broadcast_in_dim3A_74, %broadcast_in_dim3A_76 : vector<16xi1>, vector<16xi32>
        %add3A_1270 = arith.addi %broadcast_in_dim3A_76, %select_n3A_1269 : vector<16xi32>
        %ge3A_1271 = arith.cmpf oge, %get3A_1246, %get3A_48 : vector<16xf32>
        %select_n3A_1272 = arith.select %ge3A_1271, %broadcast_in_dim3A_74, %broadcast_in_dim3A_76 : vector<16xi1>, vector<16xi32>
        %add3A_1273 = arith.addi %add3A_1270, %select_n3A_1272 : vector<16xi32>
        %ge3A_1274 = arith.cmpf oge, %get3A_1246, %get3A_53 : vector<16xf32>
        %select_n3A_1275 = arith.select %ge3A_1274, %broadcast_in_dim3A_74, %broadcast_in_dim3A_76 : vector<16xi1>, vector<16xi32>
        %add3A_1276 = arith.addi %add3A_1273, %select_n3A_1275 : vector<16xi32>
        %ge3A_1277 = arith.cmpf oge, %get3A_1246, %get3A_58 : vector<16xf32>
        %select_n3A_1278 = arith.select %ge3A_1277, %broadcast_in_dim3A_74, %broadcast_in_dim3A_76 : vector<16xi1>, vector<16xi32>
        %add3A_1279 = arith.addi %add3A_1276, %select_n3A_1278 : vector<16xi32>
        %ge3A_1280 = arith.cmpf oge, %get3A_1246, %get3A_63 : vector<16xf32>
        %select_n3A_1281 = arith.select %ge3A_1280, %broadcast_in_dim3A_74, %broadcast_in_dim3A_76 : vector<16xi1>, vector<16xi32>
        %add3A_1282 = arith.addi %add3A_1279, %select_n3A_1281 : vector<16xi32>
        %ge3A_1283 = arith.cmpf oge, %get3A_1246, %get3A_68 : vector<16xf32>
        %select_n3A_1284 = arith.select %ge3A_1283, %broadcast_in_dim3A_74, %broadcast_in_dim3A_76 : vector<16xi1>, vector<16xi32>
        %add3A_1285 = arith.addi %add3A_1282, %select_n3A_1284 : vector<16xi32>
        %ge3A_1286 = arith.cmpf oge, %get3A_1246, %get3A_73 : vector<16xf32>
        %select_n3A_1287 = arith.select %ge3A_1286, %broadcast_in_dim3A_74, %broadcast_in_dim3A_76 : vector<16xi1>, vector<16xi32>
        %add3A_1288 = arith.addi %add3A_1285, %select_n3A_1287 : vector<16xi32>
        %mul3A_1289 = arith.constant 8 : i32
        %mul3A_1290 = vector.broadcast %mul3A_1289 : i32 to vector<16xi32>
        %mul3A_1291 = arith.muli %mul3A_1290, %add3A_1288 : vector<16xi32>
        %add3A_1292 = arith.addi %add3A_1267, %mul3A_1291 : vector<16xi32>
        %swap3A_1293 = arith.constant 16 : index
        %swap3A_1294 = tpu.vector_load %arg15[%swap3A_1293] {strides = array<i32>} : memref<128xi32, #tpu.memory_space<vmem>>, vector<16xi32>,
        %swap3A_1295 = vector.shape_cast %swap3A_1294 : vector<16xi32> to vector<16xi32>
        %swap3A_1296 = vector.shape_cast %add3A_1292 : vector<16xi32> to vector<16xi32>
        tpu.vector_store %arg15[%swap3A_1293], %swap3A_1296 {strides = array<i32>} : memref<128xi32, #tpu.memory_space<vmem>>, vector<16xi32>,
        %add3A_1297 = arith.constant 32 : i32
        %add3A_1298 = arith.addi %mul3A_1176, %add3A_1297 : i32
        %get3A_1299 = arith.index_cast %add3A_1298 : i32 to index
        %get3A_1300 = tpu.vector_load %arg11[%get3A_1299] {strides = array<i32>} : memref<8192xf32, #tpu.memory_space<vmem>>, vector<16xf32>,
        %get3A_1301 = vector.shape_cast %get3A_1300 : vector<16xf32> to vector<16xf32>
        %add3A_1302 = arith.constant 32 : i32
        %add3A_1303 = arith.addi %mul3A_1176, %add3A_1302 : i32
        %get3A_1304 = arith.index_cast %add3A_1303 : i32 to index
        %get3A_1305 = tpu.vector_load %arg12[%get3A_1304] {strides = array<i32>} : memref<8192xf32, #tpu.memory_space<vmem>>, vector<16xf32>,
        %get3A_1306 = vector.shape_cast %get3A_1305 : vector<16xf32> to vector<16xf32>
        %ge3A_1307 = arith.cmpf oge, %get3A_1301, %get3A_8 : vector<16xf32>
        %select_n3A_1308 = arith.select %ge3A_1307, %broadcast_in_dim3A_74, %broadcast_in_dim3A_76 : vector<16xi1>, vector<16xi32>
        %add3A_1309 = arith.addi %broadcast_in_dim3A_76, %select_n3A_1308 : vector<16xi32>
        %ge3A_1310 = arith.cmpf oge, %get3A_1301, %get3A_13 : vector<16xf32>
        %select_n3A_1311 = arith.select %ge3A_1310, %broadcast_in_dim3A_74, %broadcast_in_dim3A_76 : vector<16xi1>, vector<16xi32>
        %add3A_1312 = arith.addi %add3A_1309, %select_n3A_1311 : vector<16xi32>
        %ge3A_1313 = arith.cmpf oge, %get3A_1301, %get3A_18 : vector<16xf32>
        %select_n3A_1314 = arith.select %ge3A_1313, %broadcast_in_dim3A_74, %broadcast_in_dim3A_76 : vector<16xi1>, vector<16xi32>
        %add3A_1315 = arith.addi %add3A_1312, %select_n3A_1314 : vector<16xi32>
        %ge3A_1316 = arith.cmpf oge, %get3A_1301, %get3A_23 : vector<16xf32>
        %select_n3A_1317 = arith.select %ge3A_1316, %broadcast_in_dim3A_74, %broadcast_in_dim3A_76 : vector<16xi1>, vector<16xi32>
        %add3A_1318 = arith.addi %add3A_1315, %select_n3A_1317 : vector<16xi32>
        %ge3A_1319 = arith.cmpf oge, %get3A_1301, %get3A_28 : vector<16xf32>
        %select_n3A_1320 = arith.select %ge3A_1319, %broadcast_in_dim3A_74, %broadcast_in_dim3A_76 : vector<16xi1>, vector<16xi32>
        %add3A_1321 = arith.addi %add3A_1318, %select_n3A_1320 : vector<16xi32>
        %ge3A_1322 = arith.cmpf oge, %get3A_1301, %get3A_33 : vector<16xf32>
        %select_n3A_1323 = arith.select %ge3A_1322, %broadcast_in_dim3A_74, %broadcast_in_dim3A_76 : vector<16xi1>, vector<16xi32>
        %add3A_1324 = arith.addi %add3A_1321, %select_n3A_1323 : vector<16xi32>
        %ge3A_1325 = arith.cmpf oge, %get3A_1301, %get3A_38 : vector<16xf32>
        %select_n3A_1326 = arith.select %ge3A_1325, %broadcast_in_dim3A_74, %broadcast_in_dim3A_76 : vector<16xi1>, vector<16xi32>
        %add3A_1327 = arith.addi %add3A_1324, %select_n3A_1326 : vector<16xi32>
        %ge3A_1328 = arith.cmpf oge, %get3A_1306, %get3A_43 : vector<16xf32>
        %select_n3A_1329 = arith.select %ge3A_1328, %broadcast_in_dim3A_74, %broadcast_in_dim3A_76 : vector<16xi1>, vector<16xi32>
        %add3A_1330 = arith.addi %broadcast_in_dim3A_76, %select_n3A_1329 : vector<16xi32>
        %ge3A_1331 = arith.cmpf oge, %get3A_1306, %get3A_48 : vector<16xf32>
        %select_n3A_1332 = arith.select %ge3A_1331, %broadcast_in_dim3A_74, %broadcast_in_dim3A_76 : vector<16xi1>, vector<16xi32>
        %add3A_1333 = arith.addi %add3A_1330, %select_n3A_1332 : vector<16xi32>
        %ge3A_1334 = arith.cmpf oge, %get3A_1306, %get3A_53 : vector<16xf32>
        %select_n3A_1335 = arith.select %ge3A_1334, %broadcast_in_dim3A_74, %broadcast_in_dim3A_76 : vector<16xi1>, vector<16xi32>
        %add3A_1336 = arith.addi %add3A_1333, %select_n3A_1335 : vector<16xi32>
        %ge3A_1337 = arith.cmpf oge, %get3A_1306, %get3A_58 : vector<16xf32>
        %select_n3A_1338 = arith.select %ge3A_1337, %broadcast_in_dim3A_74, %broadcast_in_dim3A_76 : vector<16xi1>, vector<16xi32>
        %add3A_1339 = arith.addi %add3A_1336, %select_n3A_1338 : vector<16xi32>
        %ge3A_1340 = arith.cmpf oge, %get3A_1306, %get3A_63 : vector<16xf32>
        %select_n3A_1341 = arith.select %ge3A_1340, %broadcast_in_dim3A_74, %broadcast_in_dim3A_76 : vector<16xi1>, vector<16xi32>
        %add3A_1342 = arith.addi %add3A_1339, %select_n3A_1341 : vector<16xi32>
        %ge3A_1343 = arith.cmpf oge, %get3A_1306, %get3A_68 : vector<16xf32>
        %select_n3A_1344 = arith.select %ge3A_1343, %broadcast_in_dim3A_74, %broadcast_in_dim3A_76 : vector<16xi1>, vector<16xi32>
        %add3A_1345 = arith.addi %add3A_1342, %select_n3A_1344 : vector<16xi32>
        %ge3A_1346 = arith.cmpf oge, %get3A_1306, %get3A_73 : vector<16xf32>
        %select_n3A_1347 = arith.select %ge3A_1346, %broadcast_in_dim3A_74, %broadcast_in_dim3A_76 : vector<16xi1>, vector<16xi32>
        %add3A_1348 = arith.addi %add3A_1345, %select_n3A_1347 : vector<16xi32>
        %mul3A_1349 = arith.constant 8 : i32
        %mul3A_1350 = vector.broadcast %mul3A_1349 : i32 to vector<16xi32>
        %mul3A_1351 = arith.muli %mul3A_1350, %add3A_1348 : vector<16xi32>
        %add3A_1352 = arith.addi %add3A_1327, %mul3A_1351 : vector<16xi32>
        %swap3A_1353 = arith.constant 32 : index
        %swap3A_1354 = tpu.vector_load %arg15[%swap3A_1353] {strides = array<i32>} : memref<128xi32, #tpu.memory_space<vmem>>, vector<16xi32>,
        %swap3A_1355 = vector.shape_cast %swap3A_1354 : vector<16xi32> to vector<16xi32>
        %swap3A_1356 = vector.shape_cast %add3A_1352 : vector<16xi32> to vector<16xi32>
        tpu.vector_store %arg15[%swap3A_1353], %swap3A_1356 {strides = array<i32>} : memref<128xi32, #tpu.memory_space<vmem>>, vector<16xi32>,
        %add3A_1357 = arith.constant 48 : i32
        %add3A_1358 = arith.addi %mul3A_1176, %add3A_1357 : i32
        %get3A_1359 = arith.index_cast %add3A_1358 : i32 to index
        %get3A_1360 = tpu.vector_load %arg11[%get3A_1359] {strides = array<i32>} : memref<8192xf32, #tpu.memory_space<vmem>>, vector<16xf32>,
        %get3A_1361 = vector.shape_cast %get3A_1360 : vector<16xf32> to vector<16xf32>
        %add3A_1362 = arith.constant 48 : i32
        %add3A_1363 = arith.addi %mul3A_1176, %add3A_1362 : i32
        %get3A_1364 = arith.index_cast %add3A_1363 : i32 to index
        %get3A_1365 = tpu.vector_load %arg12[%get3A_1364] {strides = array<i32>} : memref<8192xf32, #tpu.memory_space<vmem>>, vector<16xf32>,
        %get3A_1366 = vector.shape_cast %get3A_1365 : vector<16xf32> to vector<16xf32>
        %ge3A_1367 = arith.cmpf oge, %get3A_1361, %get3A_8 : vector<16xf32>
        %select_n3A_1368 = arith.select %ge3A_1367, %broadcast_in_dim3A_74, %broadcast_in_dim3A_76 : vector<16xi1>, vector<16xi32>
        %add3A_1369 = arith.addi %broadcast_in_dim3A_76, %select_n3A_1368 : vector<16xi32>
        %ge3A_1370 = arith.cmpf oge, %get3A_1361, %get3A_13 : vector<16xf32>
        %select_n3A_1371 = arith.select %ge3A_1370, %broadcast_in_dim3A_74, %broadcast_in_dim3A_76 : vector<16xi1>, vector<16xi32>
        %add3A_1372 = arith.addi %add3A_1369, %select_n3A_1371 : vector<16xi32>
        %ge3A_1373 = arith.cmpf oge, %get3A_1361, %get3A_18 : vector<16xf32>
        %select_n3A_1374 = arith.select %ge3A_1373, %broadcast_in_dim3A_74, %broadcast_in_dim3A_76 : vector<16xi1>, vector<16xi32>
        %add3A_1375 = arith.addi %add3A_1372, %select_n3A_1374 : vector<16xi32>
        %ge3A_1376 = arith.cmpf oge, %get3A_1361, %get3A_23 : vector<16xf32>
        %select_n3A_1377 = arith.select %ge3A_1376, %broadcast_in_dim3A_74, %broadcast_in_dim3A_76 : vector<16xi1>, vector<16xi32>
        %add3A_1378 = arith.addi %add3A_1375, %select_n3A_1377 : vector<16xi32>
        %ge3A_1379 = arith.cmpf oge, %get3A_1361, %get3A_28 : vector<16xf32>
        %select_n3A_1380 = arith.select %ge3A_1379, %broadcast_in_dim3A_74, %broadcast_in_dim3A_76 : vector<16xi1>, vector<16xi32>
        %add3A_1381 = arith.addi %add3A_1378, %select_n3A_1380 : vector<16xi32>
        %ge3A_1382 = arith.cmpf oge, %get3A_1361, %get3A_33 : vector<16xf32>
        %select_n3A_1383 = arith.select %ge3A_1382, %broadcast_in_dim3A_74, %broadcast_in_dim3A_76 : vector<16xi1>, vector<16xi32>
        %add3A_1384 = arith.addi %add3A_1381, %select_n3A_1383 : vector<16xi32>
        %ge3A_1385 = arith.cmpf oge, %get3A_1361, %get3A_38 : vector<16xf32>
        %select_n3A_1386 = arith.select %ge3A_1385, %broadcast_in_dim3A_74, %broadcast_in_dim3A_76 : vector<16xi1>, vector<16xi32>
        %add3A_1387 = arith.addi %add3A_1384, %select_n3A_1386 : vector<16xi32>
        %ge3A_1388 = arith.cmpf oge, %get3A_1366, %get3A_43 : vector<16xf32>
        %select_n3A_1389 = arith.select %ge3A_1388, %broadcast_in_dim3A_74, %broadcast_in_dim3A_76 : vector<16xi1>, vector<16xi32>
        %add3A_1390 = arith.addi %broadcast_in_dim3A_76, %select_n3A_1389 : vector<16xi32>
        %ge3A_1391 = arith.cmpf oge, %get3A_1366, %get3A_48 : vector<16xf32>
        %select_n3A_1392 = arith.select %ge3A_1391, %broadcast_in_dim3A_74, %broadcast_in_dim3A_76 : vector<16xi1>, vector<16xi32>
        %add3A_1393 = arith.addi %add3A_1390, %select_n3A_1392 : vector<16xi32>
        %ge3A_1394 = arith.cmpf oge, %get3A_1366, %get3A_53 : vector<16xf32>
        %select_n3A_1395 = arith.select %ge3A_1394, %broadcast_in_dim3A_74, %broadcast_in_dim3A_76 : vector<16xi1>, vector<16xi32>
        %add3A_1396 = arith.addi %add3A_1393, %select_n3A_1395 : vector<16xi32>
        %ge3A_1397 = arith.cmpf oge, %get3A_1366, %get3A_58 : vector<16xf32>
        %select_n3A_1398 = arith.select %ge3A_1397, %broadcast_in_dim3A_74, %broadcast_in_dim3A_76 : vector<16xi1>, vector<16xi32>
        %add3A_1399 = arith.addi %add3A_1396, %select_n3A_1398 : vector<16xi32>
        %ge3A_1400 = arith.cmpf oge, %get3A_1366, %get3A_63 : vector<16xf32>
        %select_n3A_1401 = arith.select %ge3A_1400, %broadcast_in_dim3A_74, %broadcast_in_dim3A_76 : vector<16xi1>, vector<16xi32>
        %add3A_1402 = arith.addi %add3A_1399, %select_n3A_1401 : vector<16xi32>
        %ge3A_1403 = arith.cmpf oge, %get3A_1366, %get3A_68 : vector<16xf32>
        %select_n3A_1404 = arith.select %ge3A_1403, %broadcast_in_dim3A_74, %broadcast_in_dim3A_76 : vector<16xi1>, vector<16xi32>
        %add3A_1405 = arith.addi %add3A_1402, %select_n3A_1404 : vector<16xi32>
        %ge3A_1406 = arith.cmpf oge, %get3A_1366, %get3A_73 : vector<16xf32>
        %select_n3A_1407 = arith.select %ge3A_1406, %broadcast_in_dim3A_74, %broadcast_in_dim3A_76 : vector<16xi1>, vector<16xi32>
        %add3A_1408 = arith.addi %add3A_1405, %select_n3A_1407 : vector<16xi32>
        %mul3A_1409 = arith.constant 8 : i32
        %mul3A_1410 = vector.broadcast %mul3A_1409 : i32 to vector<16xi32>
        %mul3A_1411 = arith.muli %mul3A_1410, %add3A_1408 : vector<16xi32>
        %add3A_1412 = arith.addi %add3A_1387, %mul3A_1411 : vector<16xi32>
        %swap3A_1413 = arith.constant 48 : index
        %swap3A_1414 = tpu.vector_load %arg15[%swap3A_1413] {strides = array<i32>} : memref<128xi32, #tpu.memory_space<vmem>>, vector<16xi32>,
        %swap3A_1415 = vector.shape_cast %swap3A_1414 : vector<16xi32> to vector<16xi32>
        %swap3A_1416 = vector.shape_cast %add3A_1412 : vector<16xi32> to vector<16xi32>
        tpu.vector_store %arg15[%swap3A_1413], %swap3A_1416 {strides = array<i32>} : memref<128xi32, #tpu.memory_space<vmem>>, vector<16xi32>,
        %add3A_1417 = arith.constant 64 : i32
        %add3A_1418 = arith.addi %mul3A_1176, %add3A_1417 : i32
        %get3A_1419 = arith.index_cast %add3A_1418 : i32 to index
        %get3A_1420 = tpu.vector_load %arg11[%get3A_1419] {strides = array<i32>} : memref<8192xf32, #tpu.memory_space<vmem>>, vector<16xf32>,
        %get3A_1421 = vector.shape_cast %get3A_1420 : vector<16xf32> to vector<16xf32>
        %add3A_1422 = arith.constant 64 : i32
        %add3A_1423 = arith.addi %mul3A_1176, %add3A_1422 : i32
        %get3A_1424 = arith.index_cast %add3A_1423 : i32 to index
        %get3A_1425 = tpu.vector_load %arg12[%get3A_1424] {strides = array<i32>} : memref<8192xf32, #tpu.memory_space<vmem>>, vector<16xf32>,
        %get3A_1426 = vector.shape_cast %get3A_1425 : vector<16xf32> to vector<16xf32>
        %ge3A_1427 = arith.cmpf oge, %get3A_1421, %get3A_8 : vector<16xf32>
        %select_n3A_1428 = arith.select %ge3A_1427, %broadcast_in_dim3A_74, %broadcast_in_dim3A_76 : vector<16xi1>, vector<16xi32>
        %add3A_1429 = arith.addi %broadcast_in_dim3A_76, %select_n3A_1428 : vector<16xi32>
        %ge3A_1430 = arith.cmpf oge, %get3A_1421, %get3A_13 : vector<16xf32>
        %select_n3A_1431 = arith.select %ge3A_1430, %broadcast_in_dim3A_74, %broadcast_in_dim3A_76 : vector<16xi1>, vector<16xi32>
        %add3A_1432 = arith.addi %add3A_1429, %select_n3A_1431 : vector<16xi32>
        %ge3A_1433 = arith.cmpf oge, %get3A_1421, %get3A_18 : vector<16xf32>
        %select_n3A_1434 = arith.select %ge3A_1433, %broadcast_in_dim3A_74, %broadcast_in_dim3A_76 : vector<16xi1>, vector<16xi32>
        %add3A_1435 = arith.addi %add3A_1432, %select_n3A_1434 : vector<16xi32>
        %ge3A_1436 = arith.cmpf oge, %get3A_1421, %get3A_23 : vector<16xf32>
        %select_n3A_1437 = arith.select %ge3A_1436, %broadcast_in_dim3A_74, %broadcast_in_dim3A_76 : vector<16xi1>, vector<16xi32>
        %add3A_1438 = arith.addi %add3A_1435, %select_n3A_1437 : vector<16xi32>
        %ge3A_1439 = arith.cmpf oge, %get3A_1421, %get3A_28 : vector<16xf32>
        %select_n3A_1440 = arith.select %ge3A_1439, %broadcast_in_dim3A_74, %broadcast_in_dim3A_76 : vector<16xi1>, vector<16xi32>
        %add3A_1441 = arith.addi %add3A_1438, %select_n3A_1440 : vector<16xi32>
        %ge3A_1442 = arith.cmpf oge, %get3A_1421, %get3A_33 : vector<16xf32>
        %select_n3A_1443 = arith.select %ge3A_1442, %broadcast_in_dim3A_74, %broadcast_in_dim3A_76 : vector<16xi1>, vector<16xi32>
        %add3A_1444 = arith.addi %add3A_1441, %select_n3A_1443 : vector<16xi32>
        %ge3A_1445 = arith.cmpf oge, %get3A_1421, %get3A_38 : vector<16xf32>
        %select_n3A_1446 = arith.select %ge3A_1445, %broadcast_in_dim3A_74, %broadcast_in_dim3A_76 : vector<16xi1>, vector<16xi32>
        %add3A_1447 = arith.addi %add3A_1444, %select_n3A_1446 : vector<16xi32>
        %ge3A_1448 = arith.cmpf oge, %get3A_1426, %get3A_43 : vector<16xf32>
        %select_n3A_1449 = arith.select %ge3A_1448, %broadcast_in_dim3A_74, %broadcast_in_dim3A_76 : vector<16xi1>, vector<16xi32>
        %add3A_1450 = arith.addi %broadcast_in_dim3A_76, %select_n3A_1449 : vector<16xi32>
        %ge3A_1451 = arith.cmpf oge, %get3A_1426, %get3A_48 : vector<16xf32>
        %select_n3A_1452 = arith.select %ge3A_1451, %broadcast_in_dim3A_74, %broadcast_in_dim3A_76 : vector<16xi1>, vector<16xi32>
        %add3A_1453 = arith.addi %add3A_1450, %select_n3A_1452 : vector<16xi32>
        %ge3A_1454 = arith.cmpf oge, %get3A_1426, %get3A_53 : vector<16xf32>
        %select_n3A_1455 = arith.select %ge3A_1454, %broadcast_in_dim3A_74, %broadcast_in_dim3A_76 : vector<16xi1>, vector<16xi32>
        %add3A_1456 = arith.addi %add3A_1453, %select_n3A_1455 : vector<16xi32>
        %ge3A_1457 = arith.cmpf oge, %get3A_1426, %get3A_58 : vector<16xf32>
        %select_n3A_1458 = arith.select %ge3A_1457, %broadcast_in_dim3A_74, %broadcast_in_dim3A_76 : vector<16xi1>, vector<16xi32>
        %add3A_1459 = arith.addi %add3A_1456, %select_n3A_1458 : vector<16xi32>
        %ge3A_1460 = arith.cmpf oge, %get3A_1426, %get3A_63 : vector<16xf32>
        %select_n3A_1461 = arith.select %ge3A_1460, %broadcast_in_dim3A_74, %broadcast_in_dim3A_76 : vector<16xi1>, vector<16xi32>
        %add3A_1462 = arith.addi %add3A_1459, %select_n3A_1461 : vector<16xi32>
        %ge3A_1463 = arith.cmpf oge, %get3A_1426, %get3A_68 : vector<16xf32>
        %select_n3A_1464 = arith.select %ge3A_1463, %broadcast_in_dim3A_74, %broadcast_in_dim3A_76 : vector<16xi1>, vector<16xi32>
        %add3A_1465 = arith.addi %add3A_1462, %select_n3A_1464 : vector<16xi32>
        %ge3A_1466 = arith.cmpf oge, %get3A_1426, %get3A_73 : vector<16xf32>
        %select_n3A_1467 = arith.select %ge3A_1466, %broadcast_in_dim3A_74, %broadcast_in_dim3A_76 : vector<16xi1>, vector<16xi32>
        %add3A_1468 = arith.addi %add3A_1465, %select_n3A_1467 : vector<16xi32>
        %mul3A_1469 = arith.constant 8 : i32
        %mul3A_1470 = vector.broadcast %mul3A_1469 : i32 to vector<16xi32>
        %mul3A_1471 = arith.muli %mul3A_1470, %add3A_1468 : vector<16xi32>
        %add3A_1472 = arith.addi %add3A_1447, %mul3A_1471 : vector<16xi32>
        %swap3A_1473 = arith.constant 64 : index
        %swap3A_1474 = tpu.vector_load %arg15[%swap3A_1473] {strides = array<i32>} : memref<128xi32, #tpu.memory_space<vmem>>, vector<16xi32>,
        %swap3A_1475 = vector.shape_cast %swap3A_1474 : vector<16xi32> to vector<16xi32>
        %swap3A_1476 = vector.shape_cast %add3A_1472 : vector<16xi32> to vector<16xi32>
        tpu.vector_store %arg15[%swap3A_1473], %swap3A_1476 {strides = array<i32>} : memref<128xi32, #tpu.memory_space<vmem>>, vector<16xi32>,
        %add3A_1477 = arith.constant 80 : i32
        %add3A_1478 = arith.addi %mul3A_1176, %add3A_1477 : i32
        %get3A_1479 = arith.index_cast %add3A_1478 : i32 to index
        %get3A_1480 = tpu.vector_load %arg11[%get3A_1479] {strides = array<i32>} : memref<8192xf32, #tpu.memory_space<vmem>>, vector<16xf32>,
        %get3A_1481 = vector.shape_cast %get3A_1480 : vector<16xf32> to vector<16xf32>
        %add3A_1482 = arith.constant 80 : i32
        %add3A_1483 = arith.addi %mul3A_1176, %add3A_1482 : i32
        %get3A_1484 = arith.index_cast %add3A_1483 : i32 to index
        %get3A_1485 = tpu.vector_load %arg12[%get3A_1484] {strides = array<i32>} : memref<8192xf32, #tpu.memory_space<vmem>>, vector<16xf32>,
        %get3A_1486 = vector.shape_cast %get3A_1485 : vector<16xf32> to vector<16xf32>
        %ge3A_1487 = arith.cmpf oge, %get3A_1481, %get3A_8 : vector<16xf32>
        %select_n3A_1488 = arith.select %ge3A_1487, %broadcast_in_dim3A_74, %broadcast_in_dim3A_76 : vector<16xi1>, vector<16xi32>
        %add3A_1489 = arith.addi %broadcast_in_dim3A_76, %select_n3A_1488 : vector<16xi32>
        %ge3A_1490 = arith.cmpf oge, %get3A_1481, %get3A_13 : vector<16xf32>
        %select_n3A_1491 = arith.select %ge3A_1490, %broadcast_in_dim3A_74, %broadcast_in_dim3A_76 : vector<16xi1>, vector<16xi32>
        %add3A_1492 = arith.addi %add3A_1489, %select_n3A_1491 : vector<16xi32>
        %ge3A_1493 = arith.cmpf oge, %get3A_1481, %get3A_18 : vector<16xf32>
        %select_n3A_1494 = arith.select %ge3A_1493, %broadcast_in_dim3A_74, %broadcast_in_dim3A_76 : vector<16xi1>, vector<16xi32>
        %add3A_1495 = arith.addi %add3A_1492, %select_n3A_1494 : vector<16xi32>
        %ge3A_1496 = arith.cmpf oge, %get3A_1481, %get3A_23 : vector<16xf32>
        %select_n3A_1497 = arith.select %ge3A_1496, %broadcast_in_dim3A_74, %broadcast_in_dim3A_76 : vector<16xi1>, vector<16xi32>
        %add3A_1498 = arith.addi %add3A_1495, %select_n3A_1497 : vector<16xi32>
        %ge3A_1499 = arith.cmpf oge, %get3A_1481, %get3A_28 : vector<16xf32>
        %select_n3A_1500 = arith.select %ge3A_1499, %broadcast_in_dim3A_74, %broadcast_in_dim3A_76 : vector<16xi1>, vector<16xi32>
        %add3A_1501 = arith.addi %add3A_1498, %select_n3A_1500 : vector<16xi32>
        %ge3A_1502 = arith.cmpf oge, %get3A_1481, %get3A_33 : vector<16xf32>
        %select_n3A_1503 = arith.select %ge3A_1502, %broadcast_in_dim3A_74, %broadcast_in_dim3A_76 : vector<16xi1>, vector<16xi32>
        %add3A_1504 = arith.addi %add3A_1501, %select_n3A_1503 : vector<16xi32>
        %ge3A_1505 = arith.cmpf oge, %get3A_1481, %get3A_38 : vector<16xf32>
        %select_n3A_1506 = arith.select %ge3A_1505, %broadcast_in_dim3A_74, %broadcast_in_dim3A_76 : vector<16xi1>, vector<16xi32>
        %add3A_1507 = arith.addi %add3A_1504, %select_n3A_1506 : vector<16xi32>
        %ge3A_1508 = arith.cmpf oge, %get3A_1486, %get3A_43 : vector<16xf32>
        %select_n3A_1509 = arith.select %ge3A_1508, %broadcast_in_dim3A_74, %broadcast_in_dim3A_76 : vector<16xi1>, vector<16xi32>
        %add3A_1510 = arith.addi %broadcast_in_dim3A_76, %select_n3A_1509 : vector<16xi32>
        %ge3A_1511 = arith.cmpf oge, %get3A_1486, %get3A_48 : vector<16xf32>
        %select_n3A_1512 = arith.select %ge3A_1511, %broadcast_in_dim3A_74, %broadcast_in_dim3A_76 : vector<16xi1>, vector<16xi32>
        %add3A_1513 = arith.addi %add3A_1510, %select_n3A_1512 : vector<16xi32>
        %ge3A_1514 = arith.cmpf oge, %get3A_1486, %get3A_53 : vector<16xf32>
        %select_n3A_1515 = arith.select %ge3A_1514, %broadcast_in_dim3A_74, %broadcast_in_dim3A_76 : vector<16xi1>, vector<16xi32>
        %add3A_1516 = arith.addi %add3A_1513, %select_n3A_1515 : vector<16xi32>
        %ge3A_1517 = arith.cmpf oge, %get3A_1486, %get3A_58 : vector<16xf32>
        %select_n3A_1518 = arith.select %ge3A_1517, %broadcast_in_dim3A_74, %broadcast_in_dim3A_76 : vector<16xi1>, vector<16xi32>
        %add3A_1519 = arith.addi %add3A_1516, %select_n3A_1518 : vector<16xi32>
        %ge3A_1520 = arith.cmpf oge, %get3A_1486, %get3A_63 : vector<16xf32>
        %select_n3A_1521 = arith.select %ge3A_1520, %broadcast_in_dim3A_74, %broadcast_in_dim3A_76 : vector<16xi1>, vector<16xi32>
        %add3A_1522 = arith.addi %add3A_1519, %select_n3A_1521 : vector<16xi32>
        %ge3A_1523 = arith.cmpf oge, %get3A_1486, %get3A_68 : vector<16xf32>
        %select_n3A_1524 = arith.select %ge3A_1523, %broadcast_in_dim3A_74, %broadcast_in_dim3A_76 : vector<16xi1>, vector<16xi32>
        %add3A_1525 = arith.addi %add3A_1522, %select_n3A_1524 : vector<16xi32>
        %ge3A_1526 = arith.cmpf oge, %get3A_1486, %get3A_73 : vector<16xf32>
        %select_n3A_1527 = arith.select %ge3A_1526, %broadcast_in_dim3A_74, %broadcast_in_dim3A_76 : vector<16xi1>, vector<16xi32>
        %add3A_1528 = arith.addi %add3A_1525, %select_n3A_1527 : vector<16xi32>
        %mul3A_1529 = arith.constant 8 : i32
        %mul3A_1530 = vector.broadcast %mul3A_1529 : i32 to vector<16xi32>
        %mul3A_1531 = arith.muli %mul3A_1530, %add3A_1528 : vector<16xi32>
        %add3A_1532 = arith.addi %add3A_1507, %mul3A_1531 : vector<16xi32>
        %swap3A_1533 = arith.constant 80 : index
        %swap3A_1534 = tpu.vector_load %arg15[%swap3A_1533] {strides = array<i32>} : memref<128xi32, #tpu.memory_space<vmem>>, vector<16xi32>,
        %swap3A_1535 = vector.shape_cast %swap3A_1534 : vector<16xi32> to vector<16xi32>
        %swap3A_1536 = vector.shape_cast %add3A_1532 : vector<16xi32> to vector<16xi32>
        tpu.vector_store %arg15[%swap3A_1533], %swap3A_1536 {strides = array<i32>} : memref<128xi32, #tpu.memory_space<vmem>>, vector<16xi32>,
        %add3A_1537 = arith.constant 96 : i32
        %add3A_1538 = arith.addi %mul3A_1176, %add3A_1537 : i32
        %get3A_1539 = arith.index_cast %add3A_1538 : i32 to index
        %get3A_1540 = tpu.vector_load %arg11[%get3A_1539] {strides = array<i32>} : memref<8192xf32, #tpu.memory_space<vmem>>, vector<16xf32>,
        %get3A_1541 = vector.shape_cast %get3A_1540 : vector<16xf32> to vector<16xf32>
        %add3A_1542 = arith.constant 96 : i32
        %add3A_1543 = arith.addi %mul3A_1176, %add3A_1542 : i32
        %get3A_1544 = arith.index_cast %add3A_1543 : i32 to index
        %get3A_1545 = tpu.vector_load %arg12[%get3A_1544] {strides = array<i32>} : memref<8192xf32, #tpu.memory_space<vmem>>, vector<16xf32>,
        %get3A_1546 = vector.shape_cast %get3A_1545 : vector<16xf32> to vector<16xf32>
        %ge3A_1547 = arith.cmpf oge, %get3A_1541, %get3A_8 : vector<16xf32>
        %select_n3A_1548 = arith.select %ge3A_1547, %broadcast_in_dim3A_74, %broadcast_in_dim3A_76 : vector<16xi1>, vector<16xi32>
        %add3A_1549 = arith.addi %broadcast_in_dim3A_76, %select_n3A_1548 : vector<16xi32>
        %ge3A_1550 = arith.cmpf oge, %get3A_1541, %get3A_13 : vector<16xf32>
        %select_n3A_1551 = arith.select %ge3A_1550, %broadcast_in_dim3A_74, %broadcast_in_dim3A_76 : vector<16xi1>, vector<16xi32>
        %add3A_1552 = arith.addi %add3A_1549, %select_n3A_1551 : vector<16xi32>
        %ge3A_1553 = arith.cmpf oge, %get3A_1541, %get3A_18 : vector<16xf32>
        %select_n3A_1554 = arith.select %ge3A_1553, %broadcast_in_dim3A_74, %broadcast_in_dim3A_76 : vector<16xi1>, vector<16xi32>
        %add3A_1555 = arith.addi %add3A_1552, %select_n3A_1554 : vector<16xi32>
        %ge3A_1556 = arith.cmpf oge, %get3A_1541, %get3A_23 : vector<16xf32>
        %select_n3A_1557 = arith.select %ge3A_1556, %broadcast_in_dim3A_74, %broadcast_in_dim3A_76 : vector<16xi1>, vector<16xi32>
        %add3A_1558 = arith.addi %add3A_1555, %select_n3A_1557 : vector<16xi32>
        %ge3A_1559 = arith.cmpf oge, %get3A_1541, %get3A_28 : vector<16xf32>
        %select_n3A_1560 = arith.select %ge3A_1559, %broadcast_in_dim3A_74, %broadcast_in_dim3A_76 : vector<16xi1>, vector<16xi32>
        %add3A_1561 = arith.addi %add3A_1558, %select_n3A_1560 : vector<16xi32>
        %ge3A_1562 = arith.cmpf oge, %get3A_1541, %get3A_33 : vector<16xf32>
        %select_n3A_1563 = arith.select %ge3A_1562, %broadcast_in_dim3A_74, %broadcast_in_dim3A_76 : vector<16xi1>, vector<16xi32>
        %add3A_1564 = arith.addi %add3A_1561, %select_n3A_1563 : vector<16xi32>
        %ge3A_1565 = arith.cmpf oge, %get3A_1541, %get3A_38 : vector<16xf32>
        %select_n3A_1566 = arith.select %ge3A_1565, %broadcast_in_dim3A_74, %broadcast_in_dim3A_76 : vector<16xi1>, vector<16xi32>
        %add3A_1567 = arith.addi %add3A_1564, %select_n3A_1566 : vector<16xi32>
        %ge3A_1568 = arith.cmpf oge, %get3A_1546, %get3A_43 : vector<16xf32>
        %select_n3A_1569 = arith.select %ge3A_1568, %broadcast_in_dim3A_74, %broadcast_in_dim3A_76 : vector<16xi1>, vector<16xi32>
        %add3A_1570 = arith.addi %broadcast_in_dim3A_76, %select_n3A_1569 : vector<16xi32>
        %ge3A_1571 = arith.cmpf oge, %get3A_1546, %get3A_48 : vector<16xf32>
        %select_n3A_1572 = arith.select %ge3A_1571, %broadcast_in_dim3A_74, %broadcast_in_dim3A_76 : vector<16xi1>, vector<16xi32>
        %add3A_1573 = arith.addi %add3A_1570, %select_n3A_1572 : vector<16xi32>
        %ge3A_1574 = arith.cmpf oge, %get3A_1546, %get3A_53 : vector<16xf32>
        %select_n3A_1575 = arith.select %ge3A_1574, %broadcast_in_dim3A_74, %broadcast_in_dim3A_76 : vector<16xi1>, vector<16xi32>
        %add3A_1576 = arith.addi %add3A_1573, %select_n3A_1575 : vector<16xi32>
        %ge3A_1577 = arith.cmpf oge, %get3A_1546, %get3A_58 : vector<16xf32>
        %select_n3A_1578 = arith.select %ge3A_1577, %broadcast_in_dim3A_74, %broadcast_in_dim3A_76 : vector<16xi1>, vector<16xi32>
        %add3A_1579 = arith.addi %add3A_1576, %select_n3A_1578 : vector<16xi32>
        %ge3A_1580 = arith.cmpf oge, %get3A_1546, %get3A_63 : vector<16xf32>
        %select_n3A_1581 = arith.select %ge3A_1580, %broadcast_in_dim3A_74, %broadcast_in_dim3A_76 : vector<16xi1>, vector<16xi32>
        %add3A_1582 = arith.addi %add3A_1579, %select_n3A_1581 : vector<16xi32>
        %ge3A_1583 = arith.cmpf oge, %get3A_1546, %get3A_68 : vector<16xf32>
        %select_n3A_1584 = arith.select %ge3A_1583, %broadcast_in_dim3A_74, %broadcast_in_dim3A_76 : vector<16xi1>, vector<16xi32>
        %add3A_1585 = arith.addi %add3A_1582, %select_n3A_1584 : vector<16xi32>
        %ge3A_1586 = arith.cmpf oge, %get3A_1546, %get3A_73 : vector<16xf32>
        %select_n3A_1587 = arith.select %ge3A_1586, %broadcast_in_dim3A_74, %broadcast_in_dim3A_76 : vector<16xi1>, vector<16xi32>
        %add3A_1588 = arith.addi %add3A_1585, %select_n3A_1587 : vector<16xi32>
        %mul3A_1589 = arith.constant 8 : i32
        %mul3A_1590 = vector.broadcast %mul3A_1589 : i32 to vector<16xi32>
        %mul3A_1591 = arith.muli %mul3A_1590, %add3A_1588 : vector<16xi32>
        %add3A_1592 = arith.addi %add3A_1567, %mul3A_1591 : vector<16xi32>
        %swap3A_1593 = arith.constant 96 : index
        %swap3A_1594 = tpu.vector_load %arg15[%swap3A_1593] {strides = array<i32>} : memref<128xi32, #tpu.memory_space<vmem>>, vector<16xi32>,
        %swap3A_1595 = vector.shape_cast %swap3A_1594 : vector<16xi32> to vector<16xi32>
        %swap3A_1596 = vector.shape_cast %add3A_1592 : vector<16xi32> to vector<16xi32>
        tpu.vector_store %arg15[%swap3A_1593], %swap3A_1596 {strides = array<i32>} : memref<128xi32, #tpu.memory_space<vmem>>, vector<16xi32>,
        %add3A_1597 = arith.constant 112 : i32
        %add3A_1598 = arith.addi %mul3A_1176, %add3A_1597 : i32
        %get3A_1599 = arith.index_cast %add3A_1598 : i32 to index
        %get3A_1600 = tpu.vector_load %arg11[%get3A_1599] {strides = array<i32>} : memref<8192xf32, #tpu.memory_space<vmem>>, vector<16xf32>,
        %get3A_1601 = vector.shape_cast %get3A_1600 : vector<16xf32> to vector<16xf32>
        %add3A_1602 = arith.constant 112 : i32
        %add3A_1603 = arith.addi %mul3A_1176, %add3A_1602 : i32
        %get3A_1604 = arith.index_cast %add3A_1603 : i32 to index
        %get3A_1605 = tpu.vector_load %arg12[%get3A_1604] {strides = array<i32>} : memref<8192xf32, #tpu.memory_space<vmem>>, vector<16xf32>,
        %get3A_1606 = vector.shape_cast %get3A_1605 : vector<16xf32> to vector<16xf32>
        %ge3A_1607 = arith.cmpf oge, %get3A_1601, %get3A_8 : vector<16xf32>
        %select_n3A_1608 = arith.select %ge3A_1607, %broadcast_in_dim3A_74, %broadcast_in_dim3A_76 : vector<16xi1>, vector<16xi32>
        %add3A_1609 = arith.addi %broadcast_in_dim3A_76, %select_n3A_1608 : vector<16xi32>
        %ge3A_1610 = arith.cmpf oge, %get3A_1601, %get3A_13 : vector<16xf32>
        %select_n3A_1611 = arith.select %ge3A_1610, %broadcast_in_dim3A_74, %broadcast_in_dim3A_76 : vector<16xi1>, vector<16xi32>
        %add3A_1612 = arith.addi %add3A_1609, %select_n3A_1611 : vector<16xi32>
        %ge3A_1613 = arith.cmpf oge, %get3A_1601, %get3A_18 : vector<16xf32>
        %select_n3A_1614 = arith.select %ge3A_1613, %broadcast_in_dim3A_74, %broadcast_in_dim3A_76 : vector<16xi1>, vector<16xi32>
        %add3A_1615 = arith.addi %add3A_1612, %select_n3A_1614 : vector<16xi32>
        %ge3A_1616 = arith.cmpf oge, %get3A_1601, %get3A_23 : vector<16xf32>
        %select_n3A_1617 = arith.select %ge3A_1616, %broadcast_in_dim3A_74, %broadcast_in_dim3A_76 : vector<16xi1>, vector<16xi32>
        %add3A_1618 = arith.addi %add3A_1615, %select_n3A_1617 : vector<16xi32>
        %ge3A_1619 = arith.cmpf oge, %get3A_1601, %get3A_28 : vector<16xf32>
        %select_n3A_1620 = arith.select %ge3A_1619, %broadcast_in_dim3A_74, %broadcast_in_dim3A_76 : vector<16xi1>, vector<16xi32>
        %add3A_1621 = arith.addi %add3A_1618, %select_n3A_1620 : vector<16xi32>
        %ge3A_1622 = arith.cmpf oge, %get3A_1601, %get3A_33 : vector<16xf32>
        %select_n3A_1623 = arith.select %ge3A_1622, %broadcast_in_dim3A_74, %broadcast_in_dim3A_76 : vector<16xi1>, vector<16xi32>
        %add3A_1624 = arith.addi %add3A_1621, %select_n3A_1623 : vector<16xi32>
        %ge3A_1625 = arith.cmpf oge, %get3A_1601, %get3A_38 : vector<16xf32>
        %select_n3A_1626 = arith.select %ge3A_1625, %broadcast_in_dim3A_74, %broadcast_in_dim3A_76 : vector<16xi1>, vector<16xi32>
        %add3A_1627 = arith.addi %add3A_1624, %select_n3A_1626 : vector<16xi32>
        %ge3A_1628 = arith.cmpf oge, %get3A_1606, %get3A_43 : vector<16xf32>
        %select_n3A_1629 = arith.select %ge3A_1628, %broadcast_in_dim3A_74, %broadcast_in_dim3A_76 : vector<16xi1>, vector<16xi32>
        %add3A_1630 = arith.addi %broadcast_in_dim3A_76, %select_n3A_1629 : vector<16xi32>
        %ge3A_1631 = arith.cmpf oge, %get3A_1606, %get3A_48 : vector<16xf32>
        %select_n3A_1632 = arith.select %ge3A_1631, %broadcast_in_dim3A_74, %broadcast_in_dim3A_76 : vector<16xi1>, vector<16xi32>
        %add3A_1633 = arith.addi %add3A_1630, %select_n3A_1632 : vector<16xi32>
        %ge3A_1634 = arith.cmpf oge, %get3A_1606, %get3A_53 : vector<16xf32>
        %select_n3A_1635 = arith.select %ge3A_1634, %broadcast_in_dim3A_74, %broadcast_in_dim3A_76 : vector<16xi1>, vector<16xi32>
        %add3A_1636 = arith.addi %add3A_1633, %select_n3A_1635 : vector<16xi32>
        %ge3A_1637 = arith.cmpf oge, %get3A_1606, %get3A_58 : vector<16xf32>
        %select_n3A_1638 = arith.select %ge3A_1637, %broadcast_in_dim3A_74, %broadcast_in_dim3A_76 : vector<16xi1>, vector<16xi32>
        %add3A_1639 = arith.addi %add3A_1636, %select_n3A_1638 : vector<16xi32>
        %ge3A_1640 = arith.cmpf oge, %get3A_1606, %get3A_63 : vector<16xf32>
        %select_n3A_1641 = arith.select %ge3A_1640, %broadcast_in_dim3A_74, %broadcast_in_dim3A_76 : vector<16xi1>, vector<16xi32>
        %add3A_1642 = arith.addi %add3A_1639, %select_n3A_1641 : vector<16xi32>
        %ge3A_1643 = arith.cmpf oge, %get3A_1606, %get3A_68 : vector<16xf32>
        %select_n3A_1644 = arith.select %ge3A_1643, %broadcast_in_dim3A_74, %broadcast_in_dim3A_76 : vector<16xi1>, vector<16xi32>
        %add3A_1645 = arith.addi %add3A_1642, %select_n3A_1644 : vector<16xi32>
        %ge3A_1646 = arith.cmpf oge, %get3A_1606, %get3A_73 : vector<16xf32>
        %select_n3A_1647 = arith.select %ge3A_1646, %broadcast_in_dim3A_74, %broadcast_in_dim3A_76 : vector<16xi1>, vector<16xi32>
        %add3A_1648 = arith.addi %add3A_1645, %select_n3A_1647 : vector<16xi32>
        %mul3A_1649 = arith.constant 8 : i32
        %mul3A_1650 = vector.broadcast %mul3A_1649 : i32 to vector<16xi32>
        %mul3A_1651 = arith.muli %mul3A_1650, %add3A_1648 : vector<16xi32>
        %add3A_1652 = arith.addi %add3A_1627, %mul3A_1651 : vector<16xi32>
        %swap3A_1653 = arith.constant 112 : index
        %swap3A_1654 = tpu.vector_load %arg15[%swap3A_1653] {strides = array<i32>} : memref<128xi32, #tpu.memory_space<vmem>>, vector<16xi32>,
        %swap3A_1655 = vector.shape_cast %swap3A_1654 : vector<16xi32> to vector<16xi32>
        %swap3A_1656 = vector.shape_cast %add3A_1652 : vector<16xi32> to vector<16xi32>
        tpu.vector_store %arg15[%swap3A_1653], %swap3A_1656 {strides = array<i32>} : memref<128xi32, #tpu.memory_space<vmem>>, vector<16xi32>,
        %add3A_1657 = arith.constant 2 : i32
        %add3A_1658 = arith.addi %mul3A_542, %add3A_1657 : i32
        %add3A_1659 = arith.constant 0 : i32
        %add3A_1660 = arith.addi %add3A_1659, %mul3A_2 : i32
        %mul3A_1661 = arith.constant 128 : i32
        %mul3A_1662 = arith.muli %add3A_1658, %mul3A_1661 : i32
        %add3A_1663 = arith.addi %add3A_1660, %mul3A_1662 : i32
        %dma_start3A_1664 = arith.constant 0 : i32
        %dma_start3A_1665 = tpu.memref_slice %arg2[%add3A_1663, %dma_start3A_1664] : memref<1048576x64xf32, #tpu.memory_space<hbm>> -> memref<128x64xf32, #tpu.memory_space<hbm>>
        %dma_start3A_1666 = arith.constant 0 : i32
        %dma_start3A_1667 = tpu.memref_slice %arg2[%add3A_1663, %dma_start3A_1666] : memref<1048576x64xf32, #tpu.memory_space<hbm>> -> memref<128x64xf32, #tpu.memory_space<hbm>>
        tpu.enqueue_dma source(%dma_start3A_1667 : memref<128x64xf32, #tpu.memory_space<hbm>>) target(%arg13 : memref<128x64xf32, #tpu.memory_space<vmem>>) target_semaphore(%arg24 : memref<!tpu.dma_semaphore, #tpu.memory_space<semaphore_mem>>)
      } else {
      }
      %add3A_1164 = arith.constant 786432 : i32
      %add3A_1165 = arith.addi %add3A_1164, %mul3A_2 : i32
      %mul3A_1166 = arith.constant 128 : i32
      %mul3A_1167 = arith.muli %add3A_1034, %mul3A_1166 : i32
      %add3A_1168 = arith.addi %add3A_1165, %mul3A_1167 : i32
      %dma_wait3A_1169 = arith.constant 0 : i32
      %dma_wait3A_1170 = tpu.memref_slice %arg2[%add3A_1168, %dma_wait3A_1169] : memref<1048576x64xf32, #tpu.memory_space<hbm>> -> memref<128x64xf32, #tpu.memory_space<hbm>>
      %dma_wait3A_1171 = arith.constant 0 : i32
      %dma_wait3A_1172 = tpu.memref_slice %arg2[%add3A_1168, %dma_wait3A_1171] : memref<1048576x64xf32, #tpu.memory_space<hbm>> -> memref<128x64xf32, #tpu.memory_space<hbm>>
      tpu.wait_dma2 semaphore(%arg25 : memref<!tpu.dma_semaphore, #tpu.memory_space<semaphore_mem>>) src(%dma_wait3A_1172 : memref<128x64xf32, #tpu.memory_space<hbm>>) dst(%arg14 : memref<128x64xf32, #tpu.memory_space<vmem>>)
      "tpu.region"() ({
        %run_scoped3A = tpu.sem_alloc : memref<!tpu.dma_semaphore, #tpu.memory_space<semaphore_mem>>
        %dma_start3A_1173 = arith.constant 0 : i32
        %dma_start3A_1174 = arith.constant 0 : i32
        %dma_start3A_1175 = tpu.memref_slice %arg22[%dma_start3A_1173, %dma_start3A_1174] : memref<64x64xf32, #tpu.memory_space<vmem_shared>> -> memref<64x64xf32, #tpu.memory_space<vmem_shared>>
        tpu.enqueue_indirect_dma source(%arg14 : memref<128x64xf32, #tpu.memory_space<vmem>>) target(%dma_start3A_1175 : memref<64x64xf32, #tpu.memory_space<vmem_shared>>) offsets(%arg16 : memref<128xi32, #tpu.memory_space<vmem>>) semaphore(%run_scoped3A : memref<!tpu.dma_semaphore, #tpu.memory_space<semaphore_mem>>) {add = true}
        %dma_wait3A_1176 = arith.constant 0 : i32
        %dma_wait3A_1177 = arith.constant 0 : i32
        %dma_wait3A_1178 = tpu.memref_slice %arg22[%dma_wait3A_1176, %dma_wait3A_1177] : memref<64x64xf32, #tpu.memory_space<vmem_shared>> -> memref<64x64xf32, #tpu.memory_space<vmem_shared>>
        tpu.wait_indirect_dma semaphore(%run_scoped3A : memref<!tpu.dma_semaphore, #tpu.memory_space<semaphore_mem>>) src(%arg14 : memref<128x64xf32, #tpu.memory_space<vmem>>) dst(%dma_wait3A_1178 : memref<64x64xf32, #tpu.memory_space<vmem_shared>>)
        tpu.yield
      }) : () -> ()
      "tpu.region"() ({
        %run_scoped3A = tpu.sem_alloc : memref<!tpu.dma_semaphore, #tpu.memory_space<semaphore_mem>>
        %dma_start3A_1173 = arith.constant 0 : i32
        %dma_start3A_1174 = arith.constant 0 : i32
        %dma_start3A_1175 = tpu.memref_slice %arg23[%dma_start3A_1173, %dma_start3A_1174] : memref<64x16xf32, #tpu.memory_space<vmem_shared>> -> memref<64x16xf32, #tpu.memory_space<vmem_shared>>
        tpu.enqueue_indirect_dma source(%arg17 : memref<128x16xf32, #tpu.memory_space<vmem>>) target(%dma_start3A_1175 : memref<64x16xf32, #tpu.memory_space<vmem_shared>>) offsets(%arg16 : memref<128xi32, #tpu.memory_space<vmem>>) semaphore(%run_scoped3A : memref<!tpu.dma_semaphore, #tpu.memory_space<semaphore_mem>>) {add = true}
        %dma_wait3A_1176 = arith.constant 0 : i32
        %dma_wait3A_1177 = arith.constant 0 : i32
        %dma_wait3A_1178 = tpu.memref_slice %arg23[%dma_wait3A_1176, %dma_wait3A_1177] : memref<64x16xf32, #tpu.memory_space<vmem_shared>> -> memref<64x16xf32, #tpu.memory_space<vmem_shared>>
        tpu.wait_indirect_dma semaphore(%run_scoped3A : memref<!tpu.dma_semaphore, #tpu.memory_space<semaphore_mem>>) src(%arg17 : memref<128x16xf32, #tpu.memory_space<vmem>>) dst(%dma_wait3A_1178 : memref<64x16xf32, #tpu.memory_space<vmem_shared>>)
        tpu.yield
      }) : () -> ()
    }
    %scan3A_533 = arith.constant 32 : i32
    %barrier3A_534 = arith.constant 0 : index
    tpu.barrier barrier_id(%barrier3A_534)
    %eq3A_535 = arith.constant 0 : i32
    %eq3A_536 = arith.cmpi eq, %arg1, %eq3A_535 : i32
    %convert_element_type3A_537 = arith.extui %eq3A_536 : i1 to i32
    %cond3A_538 = arith.constant 0 : i32
    %cond3A_539 = arith.cmpi ne, %convert_element_type3A_537, %cond3A_538 : i32
    scf.if %cond3A_539 {
      %mul3A_540 = arith.constant 4 : i32
      %mul3A_541 = arith.muli %arg0, %mul3A_540 : i32
      %add3A_542 = arith.constant 0 : i32
      %add3A_543 = arith.addi %mul3A_541, %add3A_542 : i32
      %mul3A_544 = arith.constant 64 : i32
      %mul3A_545 = arith.muli %add3A_543, %mul3A_544 : i32
      "tpu.region"() ({
        %run_scoped3A = tpu.sem_alloc : memref<!tpu.dma_semaphore, #tpu.memory_space<semaphore_mem>>
        %dma_start3A_566 = arith.constant 0 : i32
        %dma_start3A_567 = tpu.memref_slice %arg9[%mul3A_545, %dma_start3A_566] : memref<512x64xf32, #tpu.memory_space<hbm>> -> memref<64x64xf32, #tpu.memory_space<hbm>>
        tpu.enqueue_dma source(%arg19 : memref<64x64xf32, #tpu.memory_space<vmem_shared>>) target(%dma_start3A_567 : memref<64x64xf32, #tpu.memory_space<hbm>>) target_semaphore(%run_scoped3A : memref<!tpu.dma_semaphore, #tpu.memory_space<semaphore_mem>>)
        %dma_wait3A = arith.constant 0 : i32
        %dma_wait3A_568 = tpu.memref_slice %arg9[%mul3A_545, %dma_wait3A] : memref<512x64xf32, #tpu.memory_space<hbm>> -> memref<64x64xf32, #tpu.memory_space<hbm>>
        tpu.wait_dma2 semaphore(%run_scoped3A : memref<!tpu.dma_semaphore, #tpu.memory_space<semaphore_mem>>) src(%arg19 : memref<64x64xf32, #tpu.memory_space<vmem_shared>>) dst(%dma_wait3A_568 : memref<64x64xf32, #tpu.memory_space<hbm>>)
        tpu.yield
      }) : () -> ()
      %mul3A_546 = arith.constant 4 : i32
      %mul3A_547 = arith.muli %arg0, %mul3A_546 : i32
      %add3A_548 = arith.constant 1 : i32
      %add3A_549 = arith.addi %mul3A_547, %add3A_548 : i32
      %mul3A_550 = arith.constant 64 : i32
      %mul3A_551 = arith.muli %add3A_549, %mul3A_550 : i32
      "tpu.region"() ({
        %run_scoped3A = tpu.sem_alloc : memref<!tpu.dma_semaphore, #tpu.memory_space<semaphore_mem>>
        %dma_start3A_566 = arith.constant 0 : i32
        %dma_start3A_567 = tpu.memref_slice %arg9[%mul3A_551, %dma_start3A_566] : memref<512x64xf32, #tpu.memory_space<hbm>> -> memref<64x64xf32, #tpu.memory_space<hbm>>
        tpu.enqueue_dma source(%arg20 : memref<64x64xf32, #tpu.memory_space<vmem_shared>>) target(%dma_start3A_567 : memref<64x64xf32, #tpu.memory_space<hbm>>) target_semaphore(%run_scoped3A : memref<!tpu.dma_semaphore, #tpu.memory_space<semaphore_mem>>)
        %dma_wait3A = arith.constant 0 : i32
        %dma_wait3A_568 = tpu.memref_slice %arg9[%mul3A_551, %dma_wait3A] : memref<512x64xf32, #tpu.memory_space<hbm>> -> memref<64x64xf32, #tpu.memory_space<hbm>>
        tpu.wait_dma2 semaphore(%run_scoped3A : memref<!tpu.dma_semaphore, #tpu.memory_space<semaphore_mem>>) src(%arg20 : memref<64x64xf32, #tpu.memory_space<vmem_shared>>) dst(%dma_wait3A_568 : memref<64x64xf32, #tpu.memory_space<hbm>>)
        tpu.yield
      }) : () -> ()
      %mul3A_552 = arith.constant 4 : i32
      %mul3A_553 = arith.muli %arg0, %mul3A_552 : i32
      %add3A_554 = arith.constant 2 : i32
      %add3A_555 = arith.addi %mul3A_553, %add3A_554 : i32
      %mul3A_556 = arith.constant 64 : i32
      %mul3A_557 = arith.muli %add3A_555, %mul3A_556 : i32
      "tpu.region"() ({
        %run_scoped3A = tpu.sem_alloc : memref<!tpu.dma_semaphore, #tpu.memory_space<semaphore_mem>>
        %dma_start3A_566 = arith.constant 0 : i32
        %dma_start3A_567 = tpu.memref_slice %arg9[%mul3A_557, %dma_start3A_566] : memref<512x64xf32, #tpu.memory_space<hbm>> -> memref<64x64xf32, #tpu.memory_space<hbm>>
        tpu.enqueue_dma source(%arg21 : memref<64x64xf32, #tpu.memory_space<vmem_shared>>) target(%dma_start3A_567 : memref<64x64xf32, #tpu.memory_space<hbm>>) target_semaphore(%run_scoped3A : memref<!tpu.dma_semaphore, #tpu.memory_space<semaphore_mem>>)
        %dma_wait3A = arith.constant 0 : i32
        %dma_wait3A_568 = tpu.memref_slice %arg9[%mul3A_557, %dma_wait3A] : memref<512x64xf32, #tpu.memory_space<hbm>> -> memref<64x64xf32, #tpu.memory_space<hbm>>
        tpu.wait_dma2 semaphore(%run_scoped3A : memref<!tpu.dma_semaphore, #tpu.memory_space<semaphore_mem>>) src(%arg21 : memref<64x64xf32, #tpu.memory_space<vmem_shared>>) dst(%dma_wait3A_568 : memref<64x64xf32, #tpu.memory_space<hbm>>)
        tpu.yield
      }) : () -> ()
      %mul3A_558 = arith.constant 4 : i32
      %mul3A_559 = arith.muli %arg0, %mul3A_558 : i32
      %add3A_560 = arith.constant 3 : i32
      %add3A_561 = arith.addi %mul3A_559, %add3A_560 : i32
      %mul3A_562 = arith.constant 64 : i32
      %mul3A_563 = arith.muli %add3A_561, %mul3A_562 : i32
      "tpu.region"() ({
        %run_scoped3A = tpu.sem_alloc : memref<!tpu.dma_semaphore, #tpu.memory_space<semaphore_mem>>
        %dma_start3A_566 = arith.constant 0 : i32
        %dma_start3A_567 = tpu.memref_slice %arg9[%mul3A_563, %dma_start3A_566] : memref<512x64xf32, #tpu.memory_space<hbm>> -> memref<64x64xf32, #tpu.memory_space<hbm>>
        tpu.enqueue_dma source(%arg22 : memref<64x64xf32, #tpu.memory_space<vmem_shared>>) target(%dma_start3A_567 : memref<64x64xf32, #tpu.memory_space<hbm>>) target_semaphore(%run_scoped3A : memref<!tpu.dma_semaphore, #tpu.memory_space<semaphore_mem>>)
        %dma_wait3A = arith.constant 0 : i32
        %dma_wait3A_568 = tpu.memref_slice %arg9[%mul3A_563, %dma_wait3A] : memref<512x64xf32, #tpu.memory_space<hbm>> -> memref<64x64xf32, #tpu.memory_space<hbm>>
        tpu.wait_dma2 semaphore(%run_scoped3A : memref<!tpu.dma_semaphore, #tpu.memory_space<semaphore_mem>>) src(%arg22 : memref<64x64xf32, #tpu.memory_space<vmem_shared>>) dst(%dma_wait3A_568 : memref<64x64xf32, #tpu.memory_space<hbm>>)
        tpu.yield
      }) : () -> ()
      %mul3A_564 = arith.constant 64 : i32
      %mul3A_565 = arith.muli %arg0, %mul3A_564 : i32
      "tpu.region"() ({
        %run_scoped3A = tpu.sem_alloc : memref<!tpu.dma_semaphore, #tpu.memory_space<semaphore_mem>>
        %dma_start3A_566 = arith.constant 0 : i32
        %dma_start3A_567 = tpu.memref_slice %arg10[%mul3A_565, %dma_start3A_566] : memref<128x16xf32, #tpu.memory_space<hbm>> -> memref<64x16xf32, #tpu.memory_space<hbm>>
        tpu.enqueue_dma source(%arg23 : memref<64x16xf32, #tpu.memory_space<vmem_shared>>) target(%dma_start3A_567 : memref<64x16xf32, #tpu.memory_space<hbm>>) target_semaphore(%run_scoped3A : memref<!tpu.dma_semaphore, #tpu.memory_space<semaphore_mem>>)
        %dma_wait3A = arith.constant 0 : i32
        %dma_wait3A_568 = tpu.memref_slice %arg10[%mul3A_565, %dma_wait3A] : memref<128x16xf32, #tpu.memory_space<hbm>> -> memref<64x16xf32, #tpu.memory_space<hbm>>
        tpu.wait_dma2 semaphore(%run_scoped3A : memref<!tpu.dma_semaphore, #tpu.memory_space<semaphore_mem>>) src(%arg23 : memref<64x16xf32, #tpu.memory_space<vmem_shared>>) dst(%dma_wait3A_568 : memref<64x16xf32, #tpu.memory_space<hbm>>)
        tpu.yield
      }) : () -> ()
    } else {
    }
    return
  }
}

module attributes {stable_mosaic.version = 14 : i64} {
  func.func @_fin_body(%arg0: memref<2x4x64x64xf32, #tpu.memory_space<vmem>>, %arg1: memref<2x64x16xf32, #tpu.memory_space<vmem>>, %arg2: memref<4096x128xf32, #tpu.memory_space<vmem>>, %arg3: memref<1x128xf32, #tpu.memory_space<vmem>>, %arg4: memref<4x128xf32, #tpu.memory_space<vmem>>) attributes {dimension_semantics = [], scalar_prefetch = 0 : i64, scratch_operands = 0 : i64, tpu.core_type = #tpu.core_type<tc>} {
    %get3A = arith.constant 0 : index
    %get3A_0 = arith.constant 0 : index
    %get3A_1 = arith.constant 0 : index
    %get3A_2 = arith.constant 0 : index
    %get3A_3 = vector.load %arg0[%get3A, %get3A_0, %get3A_1, %get3A_2] : memref<2x4x64x64xf32, #tpu.memory_space<vmem>>, vector<1x4x64x64xf32>
    %get3A_4 = vector.shape_cast %get3A_3 : vector<1x4x64x64xf32> to vector<4x64x64xf32>
    %get3A_5 = arith.constant 1 : index
    %get3A_6 = arith.constant 0 : index
    %get3A_7 = arith.constant 0 : index
    %get3A_8 = arith.constant 0 : index
    %get3A_9 = vector.load %arg0[%get3A_5, %get3A_6, %get3A_7, %get3A_8] : memref<2x4x64x64xf32, #tpu.memory_space<vmem>>, vector<1x4x64x64xf32>
    %get3A_10 = vector.shape_cast %get3A_9 : vector<1x4x64x64xf32> to vector<4x64x64xf32>
    %add3A = arith.addf %get3A_4, %get3A_10 : vector<4x64x64xf32>
    %get3A_11 = arith.constant 0 : index
    %get3A_12 = arith.constant 0 : index
    %get3A_13 = arith.constant 0 : index
    %get3A_14 = vector.load %arg1[%get3A_11, %get3A_12, %get3A_13] : memref<2x64x16xf32, #tpu.memory_space<vmem>>, vector<1x64x1xf32>
    %get3A_15 = vector.shape_cast %get3A_14 : vector<1x64x1xf32> to vector<64xf32>
    %get3A_16 = arith.constant 1 : index
    %get3A_17 = arith.constant 0 : index
    %get3A_18 = arith.constant 0 : index
    %get3A_19 = vector.load %arg1[%get3A_16, %get3A_17, %get3A_18] : memref<2x64x16xf32, #tpu.memory_space<vmem>>, vector<1x64x1xf32>
    %get3A_20 = vector.shape_cast %get3A_19 : vector<1x64x1xf32> to vector<64xf32>
    %add3A_21 = arith.addf %get3A_15, %get3A_20 : vector<64xf32>
    %max3A = arith.constant 1.000000e+00 : f32
    %max3A_22 = vector.broadcast %max3A : f32 to vector<64xf32>
    %max3A_23 = arith.maximumf %add3A_21, %max3A_22 : vector<64xf32>
    %div3A = arith.constant 1.000000e+00 : f32
    %div3A_24 = vector.broadcast %div3A : f32 to vector<64xf32>
    %div3A_25 = arith.divf %div3A_24, %max3A_23 : vector<64xf32>
    %broadcast_in_dim3A = vector.shape_cast %div3A_25 : vector<64xf32> to vector<1x64x1xf32>
    %mul3A = vector.broadcast %broadcast_in_dim3A : vector<1x64x1xf32> to vector<4x64x64xf32>
    %mul3A_26 = arith.mulf %add3A, %mul3A : vector<4x64x64xf32>
    %reshape3A = vector.shape_cast %mul3A_26 : vector<4x64x64xf32> to vector<4x4096xf32>
    %get3A_27 = arith.constant 0 : index
    %get3A_28 = arith.constant 0 : index
    %get3A_29 = vector.load %arg2[%get3A_27, %get3A_28] : memref<4096x128xf32, #tpu.memory_space<vmem>>, vector<4096x128xf32>
    %dot_general3A = arith.constant dense<0.000000e+00> : vector<4x128xf32>
    %dot_general3A_30 = tpu.matmul %reshape3A, %get3A_29, %dot_general3A {dimension_numbers = #tpu.dot_dimension_numbers<[1], [0], [0], [1], [0, 0, 1, 1], [], []>, transpose_lhs_hint = false} : vector<4x4096xf32>, vector<4096x128xf32>, vector<4x128xf32> -> vector<4x128xf32>
    %get3A_31 = arith.constant 0 : index
    %get3A_32 = arith.constant 0 : index
    %get3A_33 = vector.load %arg3[%get3A_31, %get3A_32] : memref<1x128xf32, #tpu.memory_space<vmem>>, vector<1x128xf32>
    %add3A_34 = vector.broadcast %get3A_33 : vector<1x128xf32> to vector<4x128xf32>
    %add3A_35 = arith.addf %dot_general3A_30, %add3A_34 : vector<4x128xf32>
    %swap3A = arith.constant 0 : index
    %swap3A_36 = arith.constant 0 : index
    %swap3A_37 = vector.load %arg4[%swap3A, %swap3A_36] : memref<4x128xf32, #tpu.memory_space<vmem>>, vector<4x128xf32>
    tpu.vector_store %arg4[%swap3A, %swap3A_36], %add3A_35 {strides = array<i32>} : memref<4x128xf32, #tpu.memory_space<vmem>>, vector<4x128xf32>,
    return
  }
}

</mosaic_0001>

<sc_bundles>
// kernel: kernel.4.cloned.1.call-start
scs
__scs_entry_jumppad:
0x0: {  	(pc) =	sbr.rel $0x88, $3  }
0x1: {  	(tag) =	ssettag $0x0;
	lr =	simm.s32 $0x1  }
0x2: {  	[smem:$0x3F9D] =	sst lr;
	_ =	strace $0xD0000000  }
0x3: {  	_ = 	snop  }
0x4: {  	_ = 	snop  }
0x5: {  	_ = 	snop  }
0x6: {  	_ = 	snop  }
0x7: {  	_ = 	snop  }
__scs_overlays_trampoline_lowered:
0x8: {  	[smem:$0x3FAC] =	sst s0  }
0x9: {  	[smem:$0x3FAD] =	sst s1  }
0xa: {  	[smem:$0x3FAE] =	sst s2  }
0xb: {  	[smem:$0x3FAF] =	sst s3  }
0xc: {  	[smem:$0x3FB0] =	sst s4  }
0xd: {  	[smem:$0x3FB1] =	sst s5  }
0xe: {  	[smem:$0x3FB2] =	sst s6  }
0xf: {  	[smem:$0x3FB3] =	sst s7  }
0x10: {  	[smem:$0x3FB4] =	sst s8  }
0x11: {  	[smem:$0x3FB5] =	sst s9;
	s0 =	simm.s32 @!p0 $0x0  }
0x12: {  	s1 =	sld [smem:$0x3F9B];
	s0 =	simm.s32 @p0 $0x1  }
0x13: {  	[smem:$0x3FB6] =	sst s0;
	s0 =	simm.s32 @!p1 $0x0  }
0x14: {  	s2 =	sld [smem:$0x3F9A];
	s0 =	simm.s32 @p1 $0x1  }
0x15: {  	[smem:$0x3FB7] =	sst s0;
	s0 =	simm.s32 @!p2 $0x0  }
0x16: {  	s3 =	sld [smem:$0x3FDB];
	s0 =	simm.s32 @p2 $0x1  }
0x17: {  	s4 =	simm.s32 $0x1BF5;
	[smem:$0x3FB9] =	sst s0  }
0x18: {  	s0 =	sld [smem:$0x3F9C];
	_ =	swait.ge [sflag:s4], $0x0  }
0x19: {  	s7 =	sld [smem:$0x3F9D]  }
0x1a: {  	s8 =	sadd.s32 $0xFFFFE003, lr  }
0x1b: {  	s9 =	sadd.s32 $0xFFFFFEF7, lr;
	s5 =	simm.s32 $0xFFFFFFFF;
	p2 =	slt.u32 s8, $0xFFFFF086  }
0x1c: {  	p1 =	slt.u32 s9, $0xF7A;
	s5 =	simm.s32 @!p2 $0x0  }
0x1d: {  	s5 =	simm.s32 @p1 $0x1;
	p0 =	seq.s32 s7, s2  }
0x1e: {  	s7 =	smul.u32 @!p0 $0xF7A, s2;
	p2 =	seq.s32 @!p0 s5, $0x0  }
0x1f: {  	s9 =	smul.u32 $0xF7A, s1;
	s8 =	simm.s32 @!p0 $0x1BF5;
	p2 =	por !p2, p0  }
0x20: {  	[sflag:s8] =	ssyncset.s32 @!p0 $0xFFFFF086;
	s6 =	sadd.s32 @!p0 s3, s7;
	s7 =	simm.s32 @!p0 $0x108  }
0x21: {  	s3 =	sadd.s32 s3, s9;
	s6 =	sadd.s32 @!p0 $0x88, s6;
	s7 =	simm.s32 @p2 $0x1082  }
0x22: {  	[simem:s7], [sflag:s8] =	dma.local @!p0 [hbm:s6], $0xF7A  }
0x23: {  	s9 =	sor.u32 $0xD0000000, s2;
	s6 =	simm.s32 $0x108;
	_ =	swait.ge @!p0 [sflag:s8], $0x0  }
0x24: {  	s3 =	sadd.s32 $0x88, s3;
	s6 =	simm.s32 @!p1 $0x1082;
	[sflag:s4] =	ssyncset.s32 $0xFFFFF086  }
0x25: {  	[simem:s6], [sflag:s4] =	dma.local [hbm:s3], $0xF7A  }
0x26: {  	[smem:$0x3F9D] =	sst s1;
	(tag) =	ssettag s2;
	_ =	strace s9  }
0x27: {  	s1 =	sld [smem:$0x3FAD]  }
0x28: {  	s2 =	sld [smem:$0x3FAE]  }
0x29: {  	s4 =	sld [smem:$0x3FB0]  }
0x2a: {  	p0 =	seq.s32 s5, $0x0;
	s5 =	sld [smem:$0x3FB1]  }
0x2b: {  	s6 =	sld [smem:$0x3FB2]  }
0x2c: {  	s7 =	sld [smem:$0x3FB3]  }
0x2d: {  	s3 =	simm.s32 $0x108;
	s8 =	sld [smem:$0x3FB4]  }
0x2e: {  	s3 =	simm.s32 @!p0 $0x1082;
	s9 =	sld [smem:$0x3FB5]  }
0x2f: {  	lr =	sadd.s32 s0, s3;
	s0 =	sld [smem:$0x3FAC]  }
0x30: {  	s3 =	sld [smem:$0x3FAF]  }
0x31: {  	[smem:$0x3FB8] =	sst s10  }
0x32: {  	s10 =	sld [smem:$0x3FB6];
	_ =	sdelay $0x3  }
0x33: {  	p0 =	seq.s32 s10, $0x1;
	s10 =	sld [smem:$0x3FB8];
	_ =	sdelay $0x3  }
0x34: {  	[smem:$0x3FB8] =	sst s10  }
0x35: {  	s10 =	sld [smem:$0x3FB7];
	_ =	sdelay $0x3  }
0x36: {  	p1 =	seq.s32 s10, $0x1;
	s10 =	sld [smem:$0x3FB8];
	_ =	sdelay $0x3  }
0x37: {  	[smem:$0x3FB8] =	sst s10  }
0x38: {  	s10 =	sld [smem:$0x3FB9]  }
0x39: {  	_ = 	snop;
	(pc) =	sbr.ind lr, $3  }
0x3a: {  	_ = 	snop  }
0x3b: {  	_ = 	snop  }
0x3c: {  	p2 =	seq.s32 s10, $0x1;
	s10 =	sld [smem:$0x3FB8]  }
0x3d: {  	_ =	shalt  }
0x3e: {  	_ =	shalt  }
0x3f: {  	_ =	shalt  }
0x40: {  	_ =	shalt  }
0x41: {  	_ =	shalt  }
0x42: {  	_ =	shalt  }
0x43: {  	_ =	shalt  }
0x44: {  	_ =	shalt  }
0x45: {  	_ =	shalt  }
0x46: {  	_ =	shalt  }
0x47: {  	_ =	shalt  }
0x48: {  	_ =	shalt  }
0x49: {  	_ =	shalt  }
0x4a: {  	_ =	shalt  }
0x4b: {  	_ =	shalt  }
0x4c: {  	_ =	shalt  }
0x4d: {  	_ =	shalt  }
0x4e: {  	_ =	shalt  }
0x4f: {  	_ =	shalt  }
0x50: {  	_ =	shalt  }
0x51: {  	_ =	shalt  }
0x52: {  	_ =	shalt  }
0x53: {  	_ =	shalt  }
0x54: {  	_ =	shalt  }
0x55: {  	_ =	shalt  }
0x56: {  	_ =	shalt  }
0x57: {  	_ =	shalt  }
0x58: {  	_ =	shalt  }
0x59: {  	_ =	shalt  }
0x5a: {  	_ =	shalt  }
0x5b: {  	_ =	shalt  }
0x5c: {  	_ =	shalt  }
0x5d: {  	_ =	shalt  }
0x5e: {  	_ =	shalt  }
0x5f: {  	_ =	shalt  }
0x60: {  	_ =	shalt  }
0x61: {  	_ =	shalt  }
0x62: {  	_ =	shalt  }
0x63: {  	_ =	shalt  }
0x64: {  	_ =	shalt  }
0x65: {  	_ =	shalt  }
0x66: {  	_ =	shalt  }
0x67: {  	_ =	shalt  }
0x68: {  	_ =	shalt  }
0x69: {  	_ =	shalt  }
0x6a: {  	_ =	shalt  }
0x6b: {  	_ =	shalt  }
0x6c: {  	_ =	shalt  }
0x6d: {  	_ =	shalt  }
0x6e: {  	_ =	shalt  }
0x6f: {  	_ =	shalt  }
0x70: {  	_ =	shalt  }
0x71: {  	_ =	shalt  }
0x72: {  	_ =	shalt  }
0x73: {  	_ =	shalt  }
0x74: {  	_ =	shalt  }
0x75: {  	_ =	shalt  }
0x76: {  	_ =	shalt  }
0x77: {  	_ =	shalt  }
0x78: {  	_ =	shalt  }
0x79: {  	_ =	shalt  }
0x7a: {  	_ =	shalt  }
0x7b: {  	_ =	shalt  }
0x7c: {  	_ =	shalt  }
0x7d: {  	_ =	shalt  }
0x7e: {  	_ =	shalt  }
0x7f: {  	_ =	shalt  }
0x80: {  	_ =	shalt  }
0x81: {  	_ =	shalt  }
0x82: {  	_ =	shalt  }
0x83: {  	_ =	shalt  }
0x84: {  	_ =	shalt  }
0x85: {  	_ =	shalt  }
0x86: {  	_ =	shalt  }
0x87: {  	_ =	shalt  }
.Lfunc_end0:
.L_simem_size_0:
called_computation_lowered:
.L_overlay_start_0:
0x88: {  	s2 =	sld [smem:$0x3FD9]  }
0x89: {  	s3 =	sld [smem:$0x3FFE];
	_ =	sdelay $0x1  }
0x8a: {  	s1 =	srdreg.scid  }
0x8b: {  	s0 =	sand.u32 $0x1, s1  }
0x8c: {  	s16 =	sshll.u32 s0, $0xA;
	s2 =	sadd.s32 s3, s2  }
0x8d: {  	s2 =	sadd.s32 s2, s16  }
0x8e: {  	[smem:$0x3FC4] =	sst s2  }
0x8f: {  	_ = 	snop  }
0x90: {  	(tm) =	ssettm $0x1  }
0x91: {  	s17 =	sld [smem:$0x3FFB];
	_ =	sdelay $0x3  }
0x92: {  	_ =	strace s17  }
0x93: {  	s2 =	sld [smem:$0x3FFC];
	_ =	sdelay $0x3  }
0x94: {  	_ =	strace s2  }
0x95: {  	s2 =	sld [smem:$0x3FFD];
	_ =	sdelay $0x3  }
0x96: {  	_ =	strace s2  }
0x97: {  	_ =	strace $0x8FFFFFFF  }
0x98: {  	s18 =	sld [smem:$0x3FDB];
	_ =	sdelay $0x1  }
0x99: {  	s19 =	simm.s32 $_scs_section_size  }
0x9a: {  	s4 =	simm.s32 $_size__tile_overlayer_lowered;
	s5 =	simm.s32 $_tile_overlayer_lowered  }
0x9b: {  	s22 =	simm.s32 $0x1BFF;
	s21 =	sshll.u32 s5, $0x1;
	s2 =	sadd.s32 s19, s18  }
0x9c: {  	s6 =	simm.s32 $0x0;
	s20 =	sshll.u32 s4, $0x1;
	s4 =	sadd.s32 s21, s2  }
0x9d: {  	[timem:s6], [sflag:s22] =	dma.local [hbm:s4], s20  }
0x9e: {  	_ =	swait.ge [sflag:s22], s20  }
0x9f: {  	s3 =	ssub.s32 $0x0, s20;
	[sflag:s22] =	ssyncset.done $0x0  }
0xa0: {  	[sflag:s22] =	ssyncadd.s32 s3;
	_ =	sdelay $0x1  }
0xa1: {  	s23 =	simm.s32 $0x1B8B  }
0xa2: {  	_ =	swait.ge [sflag:s23], $0x1  }
0xa3: {  	[sflag:s23] =	ssyncset.done $0x0  }
0xa4: {  	s25 =	simm.s32 $0x1B8E;
	s24 =	sld [smem:$0x3FFE];
	[sflag:s23] =	ssyncadd.s32 $0xFFFFFFFF  }
0xa5: {  	s26 =	simm.s32 $execute0_lowered;
	[smem:$0x3FD2] =	sst s25  }
0xa6: {  	s4 =	sshll.u32 s26, $0x1;
	_ =	strace $0x80000046;
	[dreg:$0x1] =	wrdreg $0xFFFFFFFF  }
0xa7: {  	s28 =	simm.s32 $_size_execute0_lowered;
	s2 =	sadd.s32 s2, s4;
	[dreg:$0x0] =	wrdreg $0x0  }
0xa8: {  	s4 =	sshll.u32 s28, $0x1;
	[dreg:$0x2] =	wrdreg s2  }
0xa9: {  	[dreg:$0x3] =	wrdreg s4  }
0xaa: {  	[dreg:$0x4] =	wrdreg $0xC0  }
0xab: {  	_ =	task [dreg:s6], $0x5FFFF  }
0xac: {  	[dreg:$0x1] =	wrdreg $0xFFFFFFFF  }
0xad: {  	[dreg:$0x0] =	wrdreg $0x60  }
0xae: {  	[dreg:$0x2] =	wrdreg s24  }
0xaf: {  	[dreg:$0x3] =	wrdreg $0x109000  }
0xb0: {  	[dreg:$0x4] =	wrdreg $0x10A000  }
0xb1: {  	[dreg:$0x5] =	wrdreg $0x10B000  }
0xb2: {  	[dreg:$0x6] =	wrdreg $0x10C000  }
0xb3: {  	[dreg:$0x7] =	wrdreg $0x10D000  }
0xb4: {  	[dreg:$0x8] =	wrdreg $0x9  }
0xb5: {  	_ =	task.clear_ibuf [dreg:s6], $0x9FFFF;
	_ =	strace $0x90000046  }
0xb6: {  	s29 =	simm.s32 $0x9;
	_ =	strace $0x80000048  }
0xb7: {  	_ =	swait.ge [sflag:s29], $0x1  }
0xb8: {  	[sflag:s29] =	ssyncadd.s32 $0xFFFFFFFF  }
0xb9: {  	_ =	strace $0x90000048  }
0xba: {  	_ =	sfence  }
0xbb: {  	s30 =	sld [smem:$0x0];
	_ =	sdelay $0x2  }
0xbc: {  	s31 =	sshll.u32 s1, $0xD;
	s1 =	sshrl.u32 s1, $0x2  }
0xbd: {  	s3 =	sand.u32 $0x4000, s31;
	s1 =	sadd.s32 s1, s30  }
0xbe: {  	s0 =	sor.u32 s3, s0;
	s1 =	sshll.u32 s1, $0x11  }
0xbf: {  	s0 =	sor.u32 s1, s0  }
0xc0: {  	s0 =	sadd.s32 $0x8F2B, s0  }
0xc1: {  	[sflag:s0] =	ssyncadd.remote.s32 $0x1  }
0xc2: {  	_ =	sfence.sel $0xFFFF  }
0xc3: {  	[dreg:$0x0] =	wrdreg $0xFFFFFFFF;
	(pc) =	sbr.abs _section_cstart, $3  }
0xc4: {  	[dreg:$0x1] =	wrdreg $0xFFFFFFFF  }
0xc5: {  	_ =	task.clear_ibuf [dreg:s6], $0x2FFFF;
	_ =	strace $0x9FFFFFFF  }
0xc6: {  	(tm) =	ssettm $0x7FFFFFFF  }
0xc7: {  	_ =	shalt  }
tec
execute0_lowered:
.L_overlay_start_1:
0x0: {  	(tag) =	ssettag $0x1  }
0x1: {  	s0 =	rddreg [dreg:$0x0]  }
0x2: {  	s1 =	rddreg [dreg:$0x1]  }
0x3: {  	s2 =	rddreg [dreg:$0x2]  }
0x4: {  	s3 =	rddreg [dreg:$0x3]  }
0x5: {  	s4 =	rddreg [dreg:$0x4]  }
0x6: {  	s5 =	rddreg [dreg:$0x5]  }
0x7: {  	s7 =	srdreg.scid;
	s6 =	simm.s32 $0x0;
	s9 =	stileid.u32  }
0x8: {  	s28 =	simm.s32 $0x4000;
	s29 =	simm.s32 $0x8000;
	s30 =	simm.s32 $0x1  }
0x9: {  	s31 =	simm.s32 $0x80;
	s7 =	sand.u32 $0x1, s7;
	[smem:$0x7FF] =	sst s6  }
0xa: {  	s8 =	sshll.u32 s9, $0xE;
	s11 =	sadd.s32 $0x11400, s0;
	s18 =	sadd.s32 $0x1011400, s0  }
0xb: {  	s13 =	sadd.s32 $0x1011A00, s0;
	_ =	strace $0x80000047;
	[dreg:$0x7] =	wrdreg s18  }
0xc: {  	s19 =	sadd.s32 $0x1011E00, s0;
	s26 =	sshll.u32 s9, $0x12;
	[dreg:$0x8] =	wrdreg s13  }
0xd: {  	p0 =	sne.s32 s9, $0x0;
	s10 =	sshll.u32 s7, $0xD;
	[dreg:$0x9] =	wrdreg s19  }
0xe: {  	s20 =	sshll.u32 s7, $0xC;
	s14 =	sshll.u32 s7, $0xA;
	s15 =	ssub.s32 $0x2, s7  }
0xf: {  	s7 =	sshll.u32 s7, $0x11;
	s10 =	sor.u32 s10, s8;
	s8 =	sadd.s32 $0x1011600, s0  }
0x10: {  	s13 =	sadd.s32 s20, s0;
	s21 =	sshrl.u32 s15, $0x1;
	s12 =	sshrl.u32 s10, $0x3  }
0x11: {  	s10 =	sshll.u32 s10, $0x4;
	s23 =	sadd.s32 $0x1012600, s13;
	s24 =	sadd.s32 $0x1012A00, s13  }
0x12: {  	s25 =	sadd.s32 $0x1012E00, s13;
	s17 =	sadd.s32 $0x1013200, s13;
	[dreg:$0xc] =	wrdreg s23  }
0x13: {  	s12 =	sadd.s32 s12, s0;
	s0 =	sadd.s32 s14, s0;
	[dreg:$0xd] =	wrdreg s24  }
0x14: {  	s14 =	ssub.s32 s15, s21;
	s10 =	sadd.s32 s11, s10;
	[dreg:$0xf] =	wrdreg s25  }
0x15: {  	s21 =	sshrl.u32 @!p0 s1, $0x3;
	s23 =	simm.s32 $0x3;
	s24 =	simm.s32 $0x2  }
.Ltmp0:
0x16: {  	s25 =	simm.s32 $0xC080;
	s22 =	sadd.s32 $0x9400, s12;
	(pc) =	sbr.rel .LBB2_1-.Ltmp0, $4  }
0x17: {  	s12 =	sadd.s32 $0x1400, s12;
	[dreg:$0xe] =	wrdreg s10;
	s18 =	sadd.s32 $0x1014600, s0  }
0x18: {  	s19 =	smax.u32 s14, $0x1;
	s0 =	sadd.s32 s26, s11;
	[dreg:$0xa] =	wrdreg s22  }
0x19: {  	s26 =	simm.s32 $0xC100;
	[dreg:$0xb] =	wrdreg s12;
	s20 =	sadd.s32 s7, s0  }
0x1a: {  	v0 =	vimm.s32 $0x0;
	s22 =	sshrl.u32 @!p0 s2, $0x3;
	s0 =	simm.s32 $0xC000;
	s7 =	simm.s32 $0x0  }
.LBB2_5:
0x1b: {  	[bflag:$0x0] =	sbarrier.arrive $0xFFFF  }
0x1c: {  	s12 =	simm.s32 @!p0 $0x1C03;
	s13 =	rddreg [dreg:$0xc]  }
0x1d: {  	[hbm:s13], [sflag:s12] =	dma.local @!p0 [spmem:s21], $0x400  }
0x1e: {  	s13 =	simm.s32 @!p0 $0x3  }
0x1f: {  	_ =	swait.ge @!p0 [sflag:s13], $0x400  }
0x20: {  	[sflag:s13] =	ssyncset.done @!p0 $0x0  }
0x21: {  	s14 =	rddreg [dreg:$0xd];
	[sflag:s13] =	ssyncadd.s32 @!p0 $0xFFFFFC00  }
0x22: {  	[hbm:s14], [sflag:s12] =	dma.local @!p0 [spmem:s22], $0x400  }
0x23: {  	_ =	swait.ge @!p0 [sflag:s13], $0x400  }
0x24: {  	[sflag:s13] =	ssyncset.done @!p0 $0x0  }
0x25: {  	s14 =	rddreg [dreg:$0xf];
	[sflag:s13] =	ssyncadd.s32 @!p0 $0xFFFFFC00  }
0x26: {  	[hbm:s14], [sflag:s12] =	dma.local @!p0 [spmem:s9], $0x400  }
0x27: {  	_ =	swait.ge @!p0 [sflag:s13], $0x400  }
0x28: {  	[sflag:s13] =	ssyncset.done @!p0 $0x0  }
0x29: {  	[sflag:s13] =	ssyncadd.s32 @!p0 $0xFFFFFC00  }
0x2a: {  	[hbm:s17], [sflag:s12] =	dma.local @!p0 [spmem:s10], $0x400  }
0x2b: {  	s7 =	sadd.s32 $0x1, s7;
	_ =	swait.ge @!p0 [sflag:s13], $0x400  }
0x2c: {  	p1 =	sne.s32 s7, s19;
	[sflag:s13] =	ssyncset.done @!p0 $0x0  }
.Ltmp1:
0x2d: {  	[sflag:s13] =	ssyncadd.s32 @!p0 $0xFFFFFC00;
	(pc) =	sbr.rel @!p1 .LBB2_6-.Ltmp1, $4  }
0x2e: {  	[hbm:s18], [sflag:s12] =	dma.local @!p0 [spmem:s11], $0x400  }
0x2f: {  	_ =	swait.ge @!p0 [sflag:s13], $0x400  }
0x30: {  	[sflag:s13] =	ssyncset.done @!p0 $0x0  }
0x31: {  	[sflag:s13] =	ssyncadd.s32 @!p0 $0xFFFFFC00  }
.LBB2_1:
0x32: {  	s12 =	simm.s32 @!p0 $0x1C03;
	s13 =	simm.s32 @!p0 $0x3  }
0x33: {  	[spmem:s21], [sflag:s12] =	dma.local @!p0 [hbm:s8], $0x400  }
0x34: {  	_ =	swait.ge @!p0 [sflag:s13], $0x400  }
0x35: {  	[sflag:s13] =	ssyncset.done @!p0 $0x0  }
0x36: {  	[sflag:s13] =	ssyncadd.s32 @!p0 $0xFFFFFC00  }
0x37: {  	[spmem:s22], [sflag:s12] =	dma.local @!p0 [hbm:s8], $0x400  }
0x38: {  	_ =	swait.ge @!p0 [sflag:s13], $0x400  }
0x39: {  	[sflag:s13] =	ssyncset.done @!p0 $0x0  }
0x3a: {  	s9 =	sshrl.u32 @!p0 s3, $0x3;
	[sflag:s13] =	ssyncadd.s32 @!p0 $0xFFFFFC00  }
0x3b: {  	[spmem:s9], [sflag:s12] =	dma.local @!p0 [hbm:s8], $0x400  }
0x3c: {  	_ =	swait.ge @!p0 [sflag:s13], $0x400  }
0x3d: {  	[sflag:s13] =	ssyncset.done @!p0 $0x0  }
0x3e: {  	s10 =	sshrl.u32 @!p0 s4, $0x3;
	[sflag:s13] =	ssyncadd.s32 @!p0 $0xFFFFFC00  }
0x3f: {  	[spmem:s10], [sflag:s12] =	dma.local @!p0 [hbm:s8], $0x400  }
0x40: {  	_ =	swait.ge @!p0 [sflag:s13], $0x400  }
0x41: {  	[sflag:s13] =	ssyncset.done @!p0 $0x0  }
0x42: {  	s11 =	sshrl.u32 @!p0 s5, $0x3;
	s14 =	rddreg [dreg:$0x8];
	[sflag:s13] =	ssyncadd.s32 @!p0 $0xFFFFFC00  }
0x43: {  	[spmem:s11], [sflag:s12] =	dma.local @!p0 [hbm:s14], $0x400  }
0x44: {  	_ =	swait.ge @!p0 [sflag:s13], $0x400  }
0x45: {  	[sflag:s13] =	ssyncset.done @!p0 $0x0  }
0x46: {  	s14 =	rddreg [dreg:$0xa];
	[sflag:s13] =	ssyncadd.s32 @!p0 $0xFFFFFC00  }
0x47: {  	[tilespmem:s6], [sflag:$0x3] =	stream.linear.gather [hbm4b:s14+s6], $0x2000, $0x38;
	[tilespmem:$0x10D40] =	vst v63  }
0x48: {  	_ =	swait.ge [sflag:s23], $0x2000  }
0x49: {  	[sflag:s23] =	ssyncset.done $0x0  }
0x4a: {  	s16 =	simm.s32 $0x2000;
	s15 =	rddreg [dreg:$0xb];
	[sflag:s23] =	ssyncadd.s32 $0xFFFFE000  }
0x4b: {  	[tilespmem:s16], [sflag:$0x3] =	stream.linear.gather [hbm4b:s15+s6], $0x2000, $0x38;
	[tilespmem:$0x10D40] =	vst v63  }
0x4c: {  	_ =	swait.ge [sflag:s23], $0x2000  }
0x4d: {  	[sflag:s23] =	ssyncset.done $0x0  }
0x4e: {  	s14 =	simm.s32 $0x10100;
	s13 =	rddreg [dreg:$0x7];
	[sflag:s23] =	ssyncadd.s32 $0xFFFFE000  }
0x4f: {  	[tilespmem:s14], [sflag:$0x3] =	stream.linear.gather [hbm4b:s13+s6], $0x700, $0x38;
	[tilespmem:$0x10D40] =	vst v63  }
0x50: {  	_ =	swait.ge [sflag:s23], $0x700  }
0x51: {  	[sflag:s23] =	ssyncset.done $0x0  }
0x52: {  	s15 =	rddreg [dreg:$0x9];
	[sflag:s23] =	ssyncadd.s32 $0xFFFFF900  }
0x53: {  	[tilespmem:s26], [sflag:$0x3] =	stream.linear.gather [hbm4b:s15+s6], $0x4000, $0x38;
	[tilespmem:$0x10D40] =	vst v63  }
0x54: {  	_ =	swait.ge [sflag:s23], $0x4000  }
0x55: {  	[sflag:s23] =	ssyncset.done $0x0  }
0x56: {  	[sflag:s23] =	ssyncadd.s32 $0xFFFFC000  }
0x57: {  	[bflag:$0x0] =	sbarrier.arrive $0xFFFF  }
0x58: {  	v1 =	vld [tilespmem:$0x10100]  }
0x59: {  	v2 =	vld [tilespmem:$0x10180]  }
0x5a: {  	v3 =	vld [tilespmem:$0x10200]  }
0x5b: {  	v4 =	vld [tilespmem:$0x10280]  }
0x5c: {  	v13 =	vld [tilespmem:$0x0]  }
0x5d: {  	v5 =	vld [tilespmem:$0x10300]  }
0x5e: {  	v6 =	vld [tilespmem:$0x10380]  }
0x5f: {  	v7 =	vld [tilespmem:$0x10400]  }
0x60: {  	v8 =	vld [tilespmem:$0x10480]  }
0x61: {  	v15 =	vld [tilespmem:$0x2000]  }
0x62: {  	v9 =	vld [tilespmem:$0x10500]  }
0x63: {  	v10 =	vld [tilespmem:$0x10580]  }
0x64: {  	v11 =	vld [tilespmem:$0x10600]  }
0x65: {  	v12 =	vld [tilespmem:$0x10680];
	_ =	sdelay $0x1  }
0x66: {  	vm0 =	vge.f32 v13, v1;
	vm1 =	vge.f32 v13, v2;
	vm14 =	vge.f32 v13, v3  }
0x67: {  	vm15 =	vge.f32 v13, v4;
	vm4 =	vge.f32 v13, v5;
	vm5 =	vge.f32 v13, v6  }
0x68: {  	vm6 =	vge.f32 v13, v7;
	vm7 =	vge.f32 v15, v8;
	vm8 =	vge.f32 v15, v9  }
0x69: {  	v21 =	vld [tilespmem:$0x10];
	vm9 =	vge.f32 v15, v10;
	vm10 =	vge.f32 v15, v11;
	vm11 =	vge.f32 v15, v12  }
0x6a: {  	v14 =	vsel vm0, $0x1, v0;
	v16 =	vsel vm1, $0x1, v0;
	v17 =	vsel vm14, $0x1, v0  }
0x6b: {  	v32 =	vld [tilespmem:$0x2010];
	v18 =	vsel vm15, $0x1, v0;
	v19 =	vsel vm4, $0x1, v0;
	v63 =	vsel vm5, $0x1, v0  }
0x6c: {  	v20 =	vsel vm6, $0x1, v0;
	v24 =	vsel vm7, $0x1, v0;
	v25 =	vsel vm8, $0x1, v0  }
0x6d: {  	v26 =	vsel vm9, $0x1, v0;
	v27 =	vsel vm10, $0x1, v0;
	v28 =	vsel vm11, $0x1, v0  }
0x6e: {  	vm14 =	vge.f32 v21, v1;
	vm15 =	vge.f32 v21, v2;
	vm4 =	vge.f32 v21, v3  }
0x6f: {  	vm5 =	vge.f32 v21, v4;
	vm6 =	vge.f32 v21, v5;
	vm7 =	vge.f32 v21, v6  }
0x70: {  	v40 =	vld [tilespmem:$0x20];
	vm8 =	vge.f32 v21, v7;
	vm9 =	vge.f32 v32, v8;
	vm10 =	vge.f32 v32, v9  }
0x71: {  	vm11 =	vge.f32 v32, v10;
	v14 =	vadd.s32 v16, v14;
	v31 =	vsel vm14, $0x1, v0  }
0x72: {  	v46 =	vld [tilespmem:$0x2020];
	v33 =	vsel vm15, $0x1, v0;
	v34 =	vsel vm4, $0x1, v0;
	v22 =	vsel vm5, $0x1, v0  }
0x73: {  	v35 =	vsel vm6, $0x1, v0;
	v36 =	vsel vm7, $0x1, v0;
	v37 =	vsel vm8, $0x1, v0  }
0x74: {  	v38 =	vsel vm9, $0x1, v0;
	v39 =	vsel vm10, $0x1, v0;
	v41 =	vsel vm11, $0x1, v0  }
0x75: {  	v54 =	vld [tilespmem:$0x30];
	vm4 =	vge.f32 v40, v1;
	vm5 =	vge.f32 v40, v2;
	vm6 =	vge.f32 v40, v3  }
0x76: {  	vm7 =	vge.f32 v40, v4;
	vm8 =	vge.f32 v40, v5;
	vm9 =	vge.f32 v40, v6  }
0x77: {  	vm10 =	vge.f32 v40, v7;
	vm11 =	vge.f32 v46, v8;
	v17 =	vadd.s32 v17, v14  }
0x78: {  	v45 =	vsel vm4, $0x1, v0;
	v47 =	vsel vm5, $0x1, v0;
	v48 =	vsel vm6, $0x1, v0  }
0x79: {  	v13 =	vld [tilespmem:$0x10700];
	v23 =	vsel vm7, $0x1, v0;
	v49 =	vsel vm8, $0x1, v0;
	v50 =	vsel vm9, $0x1, v0  }
0x7a: {  	v51 =	vsel vm10, $0x1, v0;
	v52 =	vsel vm11, $0x1, v0;
	vm6 =	vge.f32 v54, v1  }
0x7b: {  	v61 =	vld [tilespmem:$0x2030];
	vm7 =	vge.f32 v54, v2;
	vm8 =	vge.f32 v54, v3;
	vm9 =	vge.f32 v54, v4  }
0x7c: {  	vm10 =	vge.f32 v54, v5;
	vm11 =	vge.f32 v54, v6;
	v17 =	vadd.s32 v18, v17  }
0x7d: {  	v18 =	vadd.s32 v25, v24;
	v60 =	vsel vm6, $0x1, v0;
	v62 =	vsel vm7, $0x1, v0  }
0x7e: {  	v24 =	vsel vm9, $0x1, v0;
	v17 =	vadd.s32 v19, v17;
	vm12 =	vge.f32 v15, v13  }
0x7f: {  	v19 =	vadd.s32 v33, v31;
	vm14 =	vge.f32 v32, v13;
	vm4 =	vge.f32 v46, v13  }
0x80: {  	v14 =	vld [tilespmem:$0x10780];
	vm6 =	vge.f32 v61, v13;
	v16 =	vadd.s32 v63, v17;
	v17 =	vadd.s32 v26, v18  }
0x81: {  	v29 =	vsel vm12, $0x1, v0;
	vm12 =	vge.f32 v32, v11;
	v44 =	vsel vm14, $0x1, v0  }
0x82: {  	vm14 =	vge.f32 v46, v11;
	v58 =	vsel vm4, $0x1, v0;
	v63 =	vsel vm8, $0x1, v0  }
0x83: {  	vm4 =	vge.f32 v61, v11;
	v16 =	vadd.s32 v20, v16;
	v42 =	vsel vm12, $0x1, v0  }
0x84: {  	vm12 =	vge.f32 v46, v9;
	v56 =	vsel vm14, $0x1, v0;
	v20 =	vadd.s32 v62, v60  }
0x85: {  	vm14 =	vge.f32 v61, v9;
	vm13 =	vge.f32 v15, v14;
	v15 =	vadd.s32 v27, v17  }
0x86: {  	v17 =	vadd.s32 v34, v19;
	vm15 =	vge.f32 v32, v14;
	v19 =	vadd.s32 v47, v45  }
0x87: {  	v53 =	vsel vm12, $0x1, v0;
	vm5 =	vge.f32 v46, v14;
	vm12 =	vge.f32 v54, v7  }
0x88: {  	v33 =	vld [tilespmem:$0x40];
	vm7 =	vge.f32 v61, v14;
	v30 =	vsel vm13, $0x1, v0;
	v15 =	vadd.s32 v28, v15  }
0x89: {  	v17 =	vadd.s32 v22, v17;
	vm13 =	vge.f32 v32, v12;
	v18 =	vsel vm15, $0x1, v0  }
0x8a: {  	vm15 =	vge.f32 v46, v12;
	v59 =	vsel vm5, $0x1, v0;
	v28 =	vsel vm10, $0x1, v0  }
0x8b: {  	v32 =	vsel vm14, $0x1, v0;
	vm5 =	vge.f32 v61, v12;
	v15 =	vadd.s32 v29, v15  }
0x8c: {  	v43 =	vsel vm13, $0x1, v0;
	vm13 =	vge.f32 v46, v10;
	v57 =	vsel vm15, $0x1, v0  }
0x8d: {  	v40 =	vld [tilespmem:$0x2040];
	v29 =	vsel vm11, $0x1, v0;
	vm15 =	vge.f32 v61, v10;
	vm8 =	vge.f32 v33, v1  }
0x8e: {  	vm9 =	vge.f32 v33, v2;
	vm10 =	vge.f32 v33, v3;
	vm11 =	vge.f32 v33, v4  }
0x8f: {  	vm14 =	vge.f32 v33, v7;
	v15 =	vadd.s32 v30, v15;
	v55 =	vsel vm13, $0x1, v0  }
0x90: {  	v30 =	vsel vm12, $0x1, v0;
	vm13 =	vge.f32 v61, v8;
	v34 =	vsel vm15, $0x1, v0  }
0x91: {  	v25 =	vsel vm11, $0x1, v0;
	vm12 =	vge.f32 v33, v5;
	v45 =	vsel vm14, $0x1, v0  }
0x92: {  	vm15 =	vge.f32 v40, v8;
	v15 =	vshll.u32 v15, $0x3;
	v31 =	vsel vm13, $0x1, v0  }
0x93: {  	vm13 =	vge.f32 v33, v6;
	v46 =	vsel vm15, $0x1, v0;
	v15 =	vadd.s32 v15, v16  }
0x94: {  	v16 =	vadd.s32 v35, v17;
	v17 =	vadd.s32 v39, v38;
	v35 =	vsel vm4, $0x1, v0  }
0x95: {  	v38 =	vsel vm7, $0x1, v0;
	v39 =	vsel vm8, $0x1, v0;
	vm4 =	vge.f32 v40, v9  }
0x96: {  	vm7 =	vge.f32 v40, v12;
	vm8 =	vge.f32 v40, v13;
	v16 =	vadd.s32 v36, v16  }
0x97: {  	v17 =	vadd.s32 v41, v17;
	v36 =	vsel vm5, $0x1, v0;
	v41 =	vsel vm9, $0x1, v0  }
0x98: {  	v47 =	vsel vm4, $0x1, v0;
	vm5 =	vge.f32 v40, v10;
	vm9 =	vge.f32 v40, v14  }
0x99: {  	v16 =	vadd.s32 v37, v16;
	v17 =	vadd.s32 v42, v17;
	v37 =	vsel vm6, $0x1, v0  }
0x9a: {  	v42 =	vsel vm10, $0x1, v0;
	v21 =	vadd.s32 v41, v39;
	v17 =	vadd.s32 v43, v17  }
0x9b: {  	vm6 =	vge.f32 v40, v11;
	v43 =	vsel vm12, $0x1, v0;
	v17 =	vadd.s32 v44, v17  }
0x9c: {  	v44 =	vsel vm13, $0x1, v0;
	v17 =	vadd.s32 v18, v17;
	v18 =	vadd.s32 v48, v19  }
0x9d: {  	v19 =	vadd.s32 v63, v20;
	v20 =	vadd.s32 v42, v21;
	v17 =	vshll.u32 v17, $0x3  }
0x9e: {  	v48 =	vld [tilespmem:$0x50];
	v18 =	vadd.s32 v23, v18;
	v19 =	vadd.s32 v24, v19;
	v20 =	vadd.s32 v25, v20  }
0x9f: {  	v16 =	vadd.s32 v17, v16;
	v17 =	vadd.s32 v49, v18;
	v18 =	vadd.s32 v53, v52  }
0xa0: {  	v49 =	vsel vm5, $0x1, v0;
	v52 =	vsel vm8, $0x1, v0;
	v53 =	vsel vm9, $0x1, v0  }
0xa1: {  	v17 =	vadd.s32 v50, v17;
	v18 =	vadd.s32 v55, v18;
	v50 =	vsel vm6, $0x1, v0  }
0xa2: {  	v17 =	vadd.s32 v51, v17;
	v18 =	vadd.s32 v56, v18;
	v51 =	vsel vm7, $0x1, v0  }
0xa3: {  	v63 =	vld [tilespmem:$0x60];
	v18 =	vadd.s32 v57, v18;
	vm10 =	vge.f32 v48, v1;
	vm11 =	vge.f32 v48, v2  }
0xa4: {  	vm12 =	vge.f32 v48, v3;
	vm13 =	vge.f32 v48, v4;
	vm14 =	vge.f32 v48, v5  }
0xa5: {  	vm15 =	vge.f32 v48, v6;
	vm4 =	vge.f32 v48, v7;
	v18 =	vadd.s32 v58, v18  }
0xa6: {  	v55 =	vld [tilespmem:$0x2050];
	v54 =	vsel vm10, $0x1, v0;
	v56 =	vsel vm11, $0x1, v0;
	v57 =	vsel vm12, $0x1, v0  }
0xa7: {  	v26 =	vsel vm13, $0x1, v0;
	v58 =	vsel vm14, $0x1, v0;
	v60 =	vsel vm4, $0x1, v0  }
0xa8: {  	vm12 =	vge.f32 v63, v1;
	vm13 =	vge.f32 v63, v2;
	vm14 =	vge.f32 v63, v3  }
0xa9: {  	v42 =	vld [tilespmem:$0x70];
	vm4 =	vge.f32 v63, v5;
	v18 =	vadd.s32 v59, v18;
	v22 =	vadd.s32 v56, v54  }
0xaa: {  	v59 =	vsel vm15, $0x1, v0;
	v33 =	vsel vm12, $0x1, v0;
	vm15 =	vge.f32 v63, v4  }
0xab: {  	v18 =	vshll.u32 v18, $0x3;
	v21 =	vadd.s32 v57, v22;
	vm5 =	vge.f32 v55, v8  }
0xac: {  	vm6 =	vge.f32 v55, v9;
	vm7 =	vge.f32 v55, v10;
	vm8 =	vge.f32 v55, v11  }
0xad: {  	vm9 =	vge.f32 v55, v12;
	vm10 =	vge.f32 v55, v13;
	vm11 =	vge.f32 v55, v14  }
0xae: {  	v27 =	vsel vm15, $0x1, v0;
	vm15 =	vge.f32 v42, v2;
	v17 =	vadd.s32 v18, v17  }
0xaf: {  	v18 =	vadd.s32 v28, v19;
	v19 =	vadd.s32 v32, v31;
	v21 =	vadd.s32 v26, v21  }
0xb0: {  	v61 =	vsel vm5, $0x1, v0;
	v62 =	vsel vm6, $0x1, v0;
	v28 =	vsel vm7, $0x1, v0  }
0xb1: {  	v31 =	vsel vm10, $0x1, v0;
	v32 =	vsel vm11, $0x1, v0;
	vm5 =	vge.f32 v63, v6  }
0xb2: {  	vm6 =	vge.f32 v63, v7;
	v18 =	vadd.s32 v29, v18;
	v19 =	vadd.s32 v34, v19  }
0xb3: {  	v29 =	vsel vm8, $0x1, v0;
	v39 =	vsel vm6, $0x1, v0;
	vm6 =	vge.f32 v42, v5  }
0xb4: {  	v34 =	vld [tilespmem:$0x2060];
	v18 =	vadd.s32 v30, v18;
	v19 =	vadd.s32 v35, v19;
	v30 =	vsel vm9, $0x1, v0  }
0xb5: {  	v35 =	vsel vm13, $0x1, v0;
	v19 =	vadd.s32 v36, v19;
	v36 =	vsel vm14, $0x1, v0  }
0xb6: {  	v23 =	vadd.s32 v35, v33;
	vm14 =	vge.f32 v42, v1;
	v19 =	vadd.s32 v37, v19  }
0xb7: {  	v37 =	vsel vm4, $0x1, v0;
	v22 =	vadd.s32 v36, v23;
	vm4 =	vge.f32 v42, v3  }
0xb8: {  	v19 =	vadd.s32 v38, v19;
	v38 =	vsel vm5, $0x1, v0;
	v22 =	vadd.s32 v27, v22  }
0xb9: {  	vm5 =	vge.f32 v42, v4;
	v19 =	vshll.u32 v19, $0x3;
	vm7 =	vge.f32 v34, v8  }
0xba: {  	v48 =	vld [tilespmem:$0x2070];
	vm8 =	vge.f32 v34, v9;
	vm9 =	vge.f32 v34, v10;
	vm10 =	vge.f32 v34, v11  }
0xbb: {  	vm11 =	vge.f32 v34, v12;
	vm12 =	vge.f32 v34, v13;
	vm13 =	vge.f32 v34, v14  }
0xbc: {  	v18 =	vadd.s32 v19, v18;
	v19 =	vadd.s32 v43, v20;
	v20 =	vadd.s32 v47, v46  }
0xbd: {  	v40 =	vsel vm7, $0x1, v0;
	v41 =	vsel vm8, $0x1, v0;
	v43 =	vsel vm9, $0x1, v0  }
0xbe: {  	v46 =	vsel vm12, $0x1, v0;
	v47 =	vsel vm13, $0x1, v0;
	vm7 =	vge.f32 v42, v6  }
0xbf: {  	vm8 =	vge.f32 v48, v8;
	vm9 =	vge.f32 v48, v9;
	vm12 =	vge.f32 v48, v12  }
0xc0: {  	vm13 =	vge.f32 v48, v13;
	v19 =	vadd.s32 v44, v19;
	v20 =	vadd.s32 v49, v20  }
0xc1: {  	v44 =	vsel vm10, $0x1, v0;
	v49 =	vsel vm14, $0x1, v0;
	v54 =	vsel vm7, $0x1, v0  }
0xc2: {  	v55 =	vsel vm8, $0x1, v0;
	v56 =	vsel vm9, $0x1, v0;
	vm10 =	vge.f32 v48, v10  }
0xc3: {  	vm14 =	vge.f32 v48, v14;
	v19 =	vadd.s32 v45, v19;
	v20 =	vadd.s32 v50, v20  }
0xc4: {  	v45 =	vsel vm11, $0x1, v0;
	v50 =	vsel vm15, $0x1, v0;
	v20 =	vadd.s32 v51, v20  }
0xc5: {  	v57 =	vsel vm10, $0x1, v0;
	vm11 =	vge.f32 v48, v11;
	v20 =	vadd.s32 v52, v20  }
0xc6: {  	vm15 =	vge.f32 v42, v7;
	v51 =	vsel vm4, $0x1, v0;
	v20 =	vadd.s32 v53, v20  }
0xc7: {  	v25 =	vadd.s32 v50, v49;
	v63 =	vsel vm15, $0x1, v0;
	v20 =	vshll.u32 v20, $0x3  }
0xc8: {  	v19 =	vadd.s32 v20, v19;
	v20 =	vadd.s32 v58, v21;
	v21 =	vadd.s32 v62, v61  }
0xc9: {  	v52 =	vsel vm5, $0x1, v0;
	v23 =	vadd.s32 v51, v25;
	v21 =	vadd.s32 v28, v21  }
0xca: {  	v25 =	vadd.s32 v56, v55;
	v53 =	vsel vm6, $0x1, v0;
	v21 =	vadd.s32 v29, v21  }
0xcb: {  	[tilespmem:$0xC000] =	vst v15;
	v23 =	vadd.s32 v52, v23;
	v15 =	vadd.s32 v57, v25;
	v21 =	vadd.s32 v30, v21  }
0xcc: {  	v23 =	vadd.s32 v53, v23;
	v58 =	vsel vm11, $0x1, v0;
	v21 =	vadd.s32 v31, v21  }
0xcd: {  	v20 =	vadd.s32 v59, v20;
	v15 =	vadd.s32 v58, v15;
	v21 =	vadd.s32 v32, v21  }
0xce: {  	v59 =	vsel vm12, $0x1, v0;
	v20 =	vadd.s32 v60, v20;
	v21 =	vshll.u32 v21, $0x3  }
0xcf: {  	v20 =	vadd.s32 v21, v20;
	v21 =	vadd.s32 v37, v22;
	v22 =	vadd.s32 v41, v40  }
0xd0: {  	v15 =	vadd.s32 v59, v15;
	v60 =	vsel vm13, $0x1, v0;
	v22 =	vadd.s32 v43, v22  }
0xd1: {  	[tilespmem:$0xC010] =	vst v16;
	v61 =	vsel vm14, $0x1, v0;
	v15 =	vadd.s32 v60, v15;
	v22 =	vadd.s32 v44, v22  }
0xd2: {  	[tilespmem:$0xC020] =	vst v17;
	v23 =	vadd.s32 v54, v23;
	v15 =	vadd.s32 v61, v15;
	v22 =	vadd.s32 v45, v22  }
0xd3: {  	[tilespmem:$0xC030] =	vst v18;
	v17 =	vadd.s32 v63, v23;
	v15 =	vshll.u32 v15, $0x3;
	v22 =	vadd.s32 v46, v22  }
.Ltmp2:
0xd4: {  	[tilespmem:$0xC040] =	vst v19;
	v15 =	vadd.s32 v15, v17;
	v21 =	vadd.s32 v38, v21;
	v22 =	vadd.s32 v47, v22;
	(pc) =	sbr.rel .LBB2_2-.Ltmp2, $4  }
0xd5: {  	[tilespmem:$0xC070] =	vst v15;
	v21 =	vadd.s32 v39, v21;
	v62 =	vshll.u32 v22, $0x3  }
0xd6: {  	s12 =	simm.s32 $0xC0;
	[tilespmem:$0xC050] =	vst v20;
	v16 =	vadd.s32 v62, v21  }
0xd7: {  	s13 =	simm.s32 $0x20C0;
	s14 =	simm.s32 $0x0;
	s16 =	rddreg [dreg:$0xe];
	[tilespmem:$0xC060] =	vst v16  }
0xd8: {  	[tilespmem:s28], [sflag:$0x1] =	stream.linear.gather [hbm4b:s16+s6], $0x4000, $0x38;
	[tilespmem:$0x10D40] =	vst v63  }
.LBB2_4:
0xd9: {  	_ =	swait.ge [sflag:s24], $0x4000  }
0xda: {  	[sflag:s24] =	ssyncset.done $0x0  }
0xdb: {  	[sflag:s24] =	ssyncadd.s32 $0xFFFFC000  }
0xdc: {  	[spmem:s4] =	stream.indirect.scatter.add.f32 [tilespmem:s29], [sflag:$0x3], $0x40, s25, s31, $0xb8;
	[tilespmem:$0x10D40] =	vst v63  }
0xdd: {  	s14 =	sadd.s32 $0x1000, s14;
	_ =	swait.ge [sflag:s23], $0x2000  }
0xde: {  	p1 =	sne.s32 s14, $0x20000;
	[sflag:s23] =	ssyncset.done $0x0  }
.Ltmp3:
0xdf: {  	[sflag:s23] =	ssyncadd.s32 $0xFFFFE000;
	(pc) =	sbr.rel @!p1 .LBB2_5-.Ltmp3, $4  }
0xe0: {  	[spmem:s5] =	stream.indirect.scatter.add.f32 [tilespmem:s26], [sflag:$0x3], $0x10, s25, s31, $0xb8;
	[tilespmem:$0x10D40] =	vst v63  }
0xe1: {  	_ =	swait.ge [sflag:s23], $0x800  }
0xe2: {  	[sflag:s23] =	ssyncset.done $0x0  }
0xe3: {  	s12 =	sadd.s32 $0x100, s12;
	s13 =	sadd.s32 $0x100, s13;
	[sflag:s23] =	ssyncadd.s32 $0xFFFFF800  }
.LBB2_2:
0xe4: {  	v15 =	vld [tilespmem:s12+$0xFFFFFFC0];
	_ =	sdelay $0x1  }
0xe5: {  	v16 =	vld [tilespmem:s13+$0xFFFFFFC0];
	_ =	sdelay $0x2  }
0xe6: {  	vm0 =	vge.f32 v15, v1;
	vm1 =	vge.f32 v15, v2;
	vm14 =	vge.f32 v15, v3  }
0xe7: {  	vm15 =	vge.f32 v15, v4;
	vm4 =	vge.f32 v15, v5;
	vm5 =	vge.f32 v15, v6  }
0xe8: {  	vm6 =	vge.f32 v16, v8;
	vm7 =	vge.f32 v16, v9;
	vm8 =	vge.f32 v16, v10  }
0xe9: {  	vm9 =	vge.f32 v16, v11;
	vm10 =	vge.f32 v16, v12;
	vm11 =	vge.f32 v16, v13  }
0xea: {  	vm12 =	vge.f32 v16, v14;
	vm13 =	vge.f32 v15, v7;
	v17 =	vsel vm0, $0x1, v0  }
0xeb: {  	v18 =	vsel vm1, $0x1, v0;
	v32 =	vsel vm14, $0x1, v0;
	v33 =	vsel vm15, $0x1, v0  }
0xec: {  	v34 =	vsel vm4, $0x1, v0;
	v19 =	vsel vm6, $0x1, v0;
	v20 =	vsel vm7, $0x1, v0  }
0xed: {  	v35 =	vsel vm5, $0x1, v0;
	v36 =	vsel vm8, $0x1, v0;
	v19 =	vadd.s32 v20, v19  }
0xee: {  	v37 =	vsel vm9, $0x1, v0;
	v17 =	vadd.s32 v18, v17;
	v19 =	vadd.s32 v36, v19  }
0xef: {  	v38 =	vsel vm10, $0x1, v0;
	v17 =	vadd.s32 v32, v17;
	v19 =	vadd.s32 v37, v19  }
0xf0: {  	v39 =	vsel vm11, $0x1, v0;
	v17 =	vadd.s32 v33, v17;
	v19 =	vadd.s32 v38, v19  }
0xf1: {  	v16 =	vsel vm12, $0x1, v0;
	v17 =	vadd.s32 v34, v17;
	v15 =	vadd.s32 v39, v19  }
0xf2: {  	v40 =	vsel vm13, $0x1, v0;
	v17 =	vadd.s32 v35, v17;
	v15 =	vadd.s32 v16, v15  }
0xf3: {  	v41 =	vadd.s32 v40, v17;
	v15 =	vshll.u32 v15, $0x3  }
0xf4: {  	v15 =	vadd.s32 v15, v41  }
0xf5: {  	[tilespmem:$0xC080] =	vst v15  }
0xf6: {  	v15 =	vld [tilespmem:s12+$0xFFFFFFD0];
	_ =	sdelay $0x1  }
0xf7: {  	v42 =	vld [tilespmem:s13+$0xFFFFFFD0];
	_ =	sdelay $0x2  }
0xf8: {  	vm14 =	vge.f32 v15, v1;
	vm15 =	vge.f32 v15, v2;
	vm4 =	vge.f32 v15, v3  }
0xf9: {  	vm5 =	vge.f32 v15, v4;
	vm6 =	vge.f32 v15, v5;
	vm7 =	vge.f32 v15, v6  }
0xfa: {  	vm8 =	vge.f32 v42, v8;
	vm9 =	vge.f32 v42, v9;
	vm10 =	vge.f32 v42, v10  }
0xfb: {  	vm11 =	vge.f32 v42, v11;
	vm12 =	vge.f32 v42, v12;
	vm13 =	vge.f32 v42, v13  }
0xfc: {  	v43 =	vsel vm14, $0x1, v0;
	v44 =	vsel vm15, $0x1, v0;
	v45 =	vsel vm4, $0x1, v0  }
0xfd: {  	v46 =	vsel vm5, $0x1, v0;
	v47 =	vsel vm6, $0x1, v0;
	v48 =	vsel vm7, $0x1, v0  }
0xfe: {  	v49 =	vsel vm8, $0x1, v0;
	v50 =	vsel vm9, $0x1, v0;
	v51 =	vsel vm10, $0x1, v0  }
0xff: {  	v52 =	vsel vm11, $0x1, v0;
	v53 =	vsel vm12, $0x1, v0;
	v19 =	vadd.s32 v50, v49  }
0x100: {  	v54 =	vsel vm13, $0x1, v0;
	v17 =	vadd.s32 v44, v43;
	v19 =	vadd.s32 v51, v19  }
0x101: {  	vm14 =	vge.f32 v42, v14;
	v17 =	vadd.s32 v45, v17;
	v19 =	vadd.s32 v52, v19  }
0x102: {  	vm15 =	vge.f32 v15, v7;
	v17 =	vadd.s32 v46, v17;
	v19 =	vadd.s32 v53, v19  }
0x103: {  	v16 =	vsel vm14, $0x1, v0;
	v17 =	vadd.s32 v47, v17;
	v15 =	vadd.s32 v54, v19  }
0x104: {  	v55 =	vsel vm15, $0x1, v0;
	v17 =	vadd.s32 v48, v17;
	v15 =	vadd.s32 v16, v15  }
0x105: {  	v56 =	vadd.s32 v55, v17;
	v15 =	vshll.u32 v15, $0x3  }
0x106: {  	v15 =	vadd.s32 v15, v56  }
0x107: {  	[tilespmem:$0xC090] =	vst v15  }
0x108: {  	v15 =	vld [tilespmem:s12+$0xFFFFFFE0];
	_ =	sdelay $0x1  }
0x109: {  	v57 =	vld [tilespmem:s13+$0xFFFFFFE0];
	_ =	sdelay $0x2  }
0x10a: {  	vm4 =	vge.f32 v15, v1;
	vm5 =	vge.f32 v15, v2;
	vm6 =	vge.f32 v15, v3  }
0x10b: {  	vm7 =	vge.f32 v15, v4;
	vm8 =	vge.f32 v15, v5;
	vm9 =	vge.f32 v15, v6  }
0x10c: {  	vm10 =	vge.f32 v57, v8;
	vm11 =	vge.f32 v57, v9;
	vm12 =	vge.f32 v57, v10  }
0x10d: {  	vm13 =	vge.f32 v57, v11;
	vm14 =	vge.f32 v57, v12;
	vm15 =	vge.f32 v57, v13  }
0x10e: {  	v58 =	vsel vm4, $0x1, v0;
	v59 =	vsel vm5, $0x1, v0;
	v60 =	vsel vm6, $0x1, v0  }
0x10f: {  	v61 =	vsel vm7, $0x1, v0;
	v62 =	vsel vm8, $0x1, v0;
	v63 =	vsel vm9, $0x1, v0  }
0x110: {  	v24 =	vsel vm10, $0x1, v0;
	v25 =	vsel vm11, $0x1, v0;
	v26 =	vsel vm12, $0x1, v0  }
0x111: {  	v27 =	vsel vm13, $0x1, v0;
	v28 =	vsel vm14, $0x1, v0;
	v19 =	vadd.s32 v25, v24  }
0x112: {  	v29 =	vsel vm15, $0x1, v0;
	v17 =	vadd.s32 v59, v58;
	v19 =	vadd.s32 v26, v19  }
0x113: {  	vm4 =	vge.f32 v57, v14;
	v17 =	vadd.s32 v60, v17;
	v19 =	vadd.s32 v27, v19  }
0x114: {  	vm5 =	vge.f32 v15, v7;
	v17 =	vadd.s32 v61, v17;
	v19 =	vadd.s32 v28, v19  }
0x115: {  	v16 =	vsel vm4, $0x1, v0;
	v17 =	vadd.s32 v62, v17;
	v15 =	vadd.s32 v29, v19  }
0x116: {  	v30 =	vsel vm5, $0x1, v0;
	v17 =	vadd.s32 v63, v17;
	v15 =	vadd.s32 v16, v15  }
0x117: {  	v31 =	vadd.s32 v30, v17;
	v15 =	vshll.u32 v15, $0x3  }
0x118: {  	v15 =	vadd.s32 v15, v31  }
0x119: {  	[tilespmem:$0xC0A0] =	vst v15  }
0x11a: {  	v15 =	vld [tilespmem:s12+$0xFFFFFFF0];
	_ =	sdelay $0x1  }
0x11b: {  	v32 =	vld [tilespmem:s13+$0xFFFFFFF0];
	_ =	sdelay $0x2  }
0x11c: {  	vm6 =	vge.f32 v15, v1;
	vm7 =	vge.f32 v15, v2;
	vm8 =	vge.f32 v15, v3  }
0x11d: {  	vm9 =	vge.f32 v15, v4;
	vm10 =	vge.f32 v15, v5;
	vm11 =	vge.f32 v15, v6  }
0x11e: {  	vm12 =	vge.f32 v32, v8;
	vm13 =	vge.f32 v32, v9;
	vm14 =	vge.f32 v32, v10  }
0x11f: {  	vm15 =	vge.f32 v32, v11;
	vm4 =	vge.f32 v32, v12;
	vm5 =	vge.f32 v32, v13  }
0x120: {  	v33 =	vsel vm6, $0x1, v0;
	v34 =	vsel vm7, $0x1, v0;
	v35 =	vsel vm8, $0x1, v0  }
0x121: {  	v36 =	vsel vm9, $0x1, v0;
	v37 =	vsel vm10, $0x1, v0;
	v38 =	vsel vm11, $0x1, v0  }
0x122: {  	v39 =	vsel vm12, $0x1, v0;
	v40 =	vsel vm13, $0x1, v0;
	v41 =	vsel vm14, $0x1, v0  }
0x123: {  	v42 =	vsel vm15, $0x1, v0;
	v43 =	vsel vm4, $0x1, v0;
	v19 =	vadd.s32 v40, v39  }
0x124: {  	v44 =	vsel vm5, $0x1, v0;
	v17 =	vadd.s32 v34, v33;
	v19 =	vadd.s32 v41, v19  }
0x125: {  	vm6 =	vge.f32 v32, v14;
	v17 =	vadd.s32 v35, v17;
	v19 =	vadd.s32 v42, v19  }
0x126: {  	vm7 =	vge.f32 v15, v7;
	v17 =	vadd.s32 v36, v17;
	v19 =	vadd.s32 v43, v19  }
0x127: {  	v16 =	vsel vm6, $0x1, v0;
	v17 =	vadd.s32 v37, v17;
	v15 =	vadd.s32 v44, v19  }
0x128: {  	v45 =	vsel vm7, $0x1, v0;
	v17 =	vadd.s32 v38, v17;
	v15 =	vadd.s32 v16, v15  }
0x129: {  	v46 =	vadd.s32 v45, v17;
	v15 =	vshll.u32 v15, $0x3  }
0x12a: {  	v15 =	vadd.s32 v15, v46  }
0x12b: {  	[tilespmem:$0xC0B0] =	vst v15  }
0x12c: {  	v15 =	vld [tilespmem:s12+$0x0];
	_ =	sdelay $0x1  }
0x12d: {  	v47 =	vld [tilespmem:s13+$0x0];
	_ =	sdelay $0x2  }
0x12e: {  	vm8 =	vge.f32 v15, v1;
	vm9 =	vge.f32 v15, v2;
	vm10 =	vge.f32 v15, v3  }
0x12f: {  	vm11 =	vge.f32 v15, v4;
	vm12 =	vge.f32 v15, v5;
	vm13 =	vge.f32 v15, v6  }
0x130: {  	vm14 =	vge.f32 v47, v8;
	vm15 =	vge.f32 v47, v9;
	vm4 =	vge.f32 v47, v10  }
0x131: {  	vm5 =	vge.f32 v47, v11;
	vm6 =	vge.f32 v47, v12;
	vm7 =	vge.f32 v47, v13  }
0x132: {  	v48 =	vsel vm8, $0x1, v0;
	v49 =	vsel vm9, $0x1, v0;
	v50 =	vsel vm10, $0x1, v0  }
0x133: {  	v51 =	vsel vm11, $0x1, v0;
	v52 =	vsel vm12, $0x1, v0;
	v53 =	vsel vm13, $0x1, v0  }
0x134: {  	v54 =	vsel vm14, $0x1, v0;
	v55 =	vsel vm15, $0x1, v0;
	v56 =	vsel vm4, $0x1, v0  }
0x135: {  	v57 =	vsel vm5, $0x1, v0;
	v58 =	vsel vm6, $0x1, v0;
	v19 =	vadd.s32 v55, v54  }
0x136: {  	v59 =	vsel vm7, $0x1, v0;
	v17 =	vadd.s32 v49, v48;
	v19 =	vadd.s32 v56, v19  }
0x137: {  	vm8 =	vge.f32 v47, v14;
	v17 =	vadd.s32 v50, v17;
	v19 =	vadd.s32 v57, v19  }
0x138: {  	vm9 =	vge.f32 v15, v7;
	v17 =	vadd.s32 v51, v17;
	v19 =	vadd.s32 v58, v19  }
0x139: {  	v16 =	vsel vm8, $0x1, v0;
	v17 =	vadd.s32 v52, v17;
	v15 =	vadd.s32 v59, v19  }
0x13a: {  	v60 =	vsel vm9, $0x1, v0;
	v17 =	vadd.s32 v53, v17;
	v15 =	vadd.s32 v16, v15  }
0x13b: {  	v61 =	vadd.s32 v60, v17;
	v15 =	vshll.u32 v15, $0x3  }
0x13c: {  	v15 =	vadd.s32 v15, v61  }
0x13d: {  	[tilespmem:$0xC0C0] =	vst v15  }
0x13e: {  	v15 =	vld [tilespmem:s12+$0x10];
	_ =	sdelay $0x1  }
0x13f: {  	v62 =	vld [tilespmem:s13+$0x10];
	_ =	sdelay $0x2  }
0x140: {  	vm10 =	vge.f32 v15, v1;
	vm11 =	vge.f32 v15, v2;
	vm12 =	vge.f32 v15, v3  }
0x141: {  	vm13 =	vge.f32 v15, v4;
	vm14 =	vge.f32 v15, v5;
	vm15 =	vge.f32 v15, v6  }
0x142: {  	vm4 =	vge.f32 v62, v8;
	vm5 =	vge.f32 v62, v9;
	vm6 =	vge.f32 v62, v10  }
0x143: {  	vm7 =	vge.f32 v62, v11;
	vm8 =	vge.f32 v62, v12;
	vm9 =	vge.f32 v62, v13  }
0x144: {  	v63 =	vsel vm10, $0x1, v0;
	v21 =	vsel vm11, $0x1, v0;
	v22 =	vsel vm12, $0x1, v0  }
0x145: {  	v23 =	vsel vm13, $0x1, v0;
	v24 =	vsel vm14, $0x1, v0;
	v25 =	vsel vm15, $0x1, v0  }
0x146: {  	v26 =	vsel vm4, $0x1, v0;
	v27 =	vsel vm5, $0x1, v0;
	v28 =	vsel vm6, $0x1, v0  }
0x147: {  	v29 =	vsel vm7, $0x1, v0;
	v30 =	vsel vm8, $0x1, v0;
	v19 =	vadd.s32 v27, v26  }
0x148: {  	v31 =	vsel vm9, $0x1, v0;
	v17 =	vadd.s32 v21, v63;
	v19 =	vadd.s32 v28, v19  }
0x149: {  	vm10 =	vge.f32 v62, v14;
	v17 =	vadd.s32 v22, v17;
	v19 =	vadd.s32 v29, v19  }
0x14a: {  	vm11 =	vge.f32 v15, v7;
	v17 =	vadd.s32 v23, v17;
	v19 =	vadd.s32 v30, v19  }
0x14b: {  	v16 =	vsel vm10, $0x1, v0;
	v17 =	vadd.s32 v24, v17;
	v15 =	vadd.s32 v31, v19  }
0x14c: {  	v32 =	vsel vm11, $0x1, v0;
	v17 =	vadd.s32 v25, v17;
	v15 =	vadd.s32 v16, v15  }
0x14d: {  	v33 =	vadd.s32 v32, v17;
	v15 =	vshll.u32 v15, $0x3  }
0x14e: {  	v15 =	vadd.s32 v15, v33  }
0x14f: {  	[tilespmem:$0xC0D0] =	vst v15  }
0x150: {  	v15 =	vld [tilespmem:s12+$0x20];
	_ =	sdelay $0x1  }
0x151: {  	v34 =	vld [tilespmem:s13+$0x20];
	_ =	sdelay $0x2  }
0x152: {  	vm12 =	vge.f32 v15, v1;
	vm13 =	vge.f32 v15, v2;
	vm14 =	vge.f32 v15, v3  }
0x153: {  	vm15 =	vge.f32 v15, v4;
	vm4 =	vge.f32 v15, v5;
	vm5 =	vge.f32 v15, v6  }
0x154: {  	vm6 =	vge.f32 v34, v8;
	vm7 =	vge.f32 v34, v9;
	vm8 =	vge.f32 v34, v10  }
0x155: {  	vm9 =	vge.f32 v34, v11;
	vm10 =	vge.f32 v34, v12;
	vm11 =	vge.f32 v34, v13  }
0x156: {  	v35 =	vsel vm12, $0x1, v0;
	v36 =	vsel vm13, $0x1, v0;
	v37 =	vsel vm14, $0x1, v0  }
0x157: {  	v38 =	vsel vm15, $0x1, v0;
	v39 =	vsel vm4, $0x1, v0;
	v40 =	vsel vm5, $0x1, v0  }
0x158: {  	v41 =	vsel vm6, $0x1, v0;
	v42 =	vsel vm7, $0x1, v0;
	v43 =	vsel vm8, $0x1, v0  }
0x159: {  	v44 =	vsel vm9, $0x1, v0;
	v45 =	vsel vm10, $0x1, v0;
	v19 =	vadd.s32 v42, v41  }
0x15a: {  	v46 =	vsel vm11, $0x1, v0;
	v17 =	vadd.s32 v36, v35;
	v19 =	vadd.s32 v43, v19  }
0x15b: {  	vm12 =	vge.f32 v34, v14;
	v17 =	vadd.s32 v37, v17;
	v19 =	vadd.s32 v44, v19  }
0x15c: {  	vm13 =	vge.f32 v15, v7;
	v17 =	vadd.s32 v38, v17;
	v19 =	vadd.s32 v45, v19  }
0x15d: {  	v16 =	vsel vm12, $0x1, v0;
	v17 =	vadd.s32 v39, v17;
	v15 =	vadd.s32 v46, v19  }
0x15e: {  	v47 =	vsel vm13, $0x1, v0;
	v17 =	vadd.s32 v40, v17;
	v15 =	vadd.s32 v16, v15  }
0x15f: {  	v48 =	vadd.s32 v47, v17;
	v15 =	vshll.u32 v15, $0x3  }
0x160: {  	v15 =	vadd.s32 v15, v48  }
0x161: {  	[tilespmem:$0xC0E0] =	vst v15  }
0x162: {  	v15 =	vld [tilespmem:s12+$0x30];
	_ =	sdelay $0x1  }
0x163: {  	v49 =	vld [tilespmem:s13+$0x30];
	_ =	sdelay $0x2  }
0x164: {  	vm14 =	vge.f32 v15, v1;
	vm15 =	vge.f32 v15, v2;
	vm4 =	vge.f32 v15, v3  }
0x165: {  	vm5 =	vge.f32 v15, v4;
	vm6 =	vge.f32 v15, v5;
	vm7 =	vge.f32 v15, v6  }
0x166: {  	vm8 =	vge.f32 v49, v8;
	vm9 =	vge.f32 v49, v9;
	vm10 =	vge.f32 v49, v10  }
0x167: {  	vm11 =	vge.f32 v49, v11;
	vm12 =	vge.f32 v49, v12;
	vm13 =	vge.f32 v49, v13  }
0x168: {  	v50 =	vsel vm14, $0x1, v0;
	v51 =	vsel vm15, $0x1, v0;
	v52 =	vsel vm4, $0x1, v0  }
0x169: {  	v53 =	vsel vm5, $0x1, v0;
	v54 =	vsel vm6, $0x1, v0;
	v55 =	vsel vm7, $0x1, v0  }
0x16a: {  	v56 =	vsel vm8, $0x1, v0;
	v57 =	vsel vm9, $0x1, v0;
	v58 =	vsel vm10, $0x1, v0  }
0x16b: {  	v59 =	vsel vm11, $0x1, v0;
	v60 =	vsel vm12, $0x1, v0;
	v18 =	vadd.s32 v57, v56  }
0x16c: {  	v61 =	vsel vm13, $0x1, v0;
	v17 =	vadd.s32 v51, v50;
	v18 =	vadd.s32 v58, v18  }
0x16d: {  	vm14 =	vge.f32 v49, v14;
	v17 =	vadd.s32 v52, v17;
	v18 =	vadd.s32 v59, v18  }
0x16e: {  	vm15 =	vge.f32 v15, v7;
	v17 =	vadd.s32 v53, v17;
	v18 =	vadd.s32 v60, v18  }
0x16f: {  	v16 =	vsel vm14, $0x1, v0;
	v17 =	vadd.s32 v54, v17;
	v15 =	vadd.s32 v61, v18  }
0x170: {  	v62 =	vsel vm15, $0x1, v0;
	v17 =	vadd.s32 v55, v17;
	v15 =	vadd.s32 v16, v15  }
0x171: {  	v63 =	vadd.s32 v62, v17;
	v15 =	vshll.u32 v15, $0x3  }
0x172: {  	s15 =	sadd.s32 s14, s20;
	v15 =	vadd.s32 v15, v63  }
0x173: {  	s16 =	sadd.s32 $0x400000, s15;
	[tilespmem:$0xC0F0] =	vst v15  }
0x174: {  	[tilespmem:s29], [sflag:$0x2] =	stream.linear.gather [hbm4b:s16+s6], $0x4000, $0x38;
	[tilespmem:$0x10D40] =	vst v63  }
0x175: {  	_ =	swait.ge [sflag:s30], $0x4000  }
0x176: {  	[sflag:s30] =	ssyncset.done $0x0  }
0x177: {  	[sflag:s30] =	ssyncadd.s32 $0xFFFFC000  }
0x178: {  	[spmem:s1] =	stream.indirect.scatter.add.f32 [tilespmem:s28], [sflag:$0x3], $0x40, s0, s31, $0xb8;
	[tilespmem:$0x10D40] =	vst v63  }
0x179: {  	_ =	swait.ge [sflag:s23], $0x2000  }
0x17a: {  	[sflag:s23] =	ssyncset.done $0x0  }
0x17b: {  	s16 =	sadd.s32 $0x800000, s15;
	[sflag:s23] =	ssyncadd.s32 $0xFFFFE000  }
0x17c: {  	[tilespmem:s28], [sflag:$0x1] =	stream.linear.gather [hbm4b:s16+s6], $0x4000, $0x38;
	[tilespmem:$0x10D40] =	vst v63  }
0x17d: {  	_ =	swait.ge [sflag:s24], $0x4000  }
0x17e: {  	[sflag:s24] =	ssyncset.done $0x0  }
0x17f: {  	[sflag:s24] =	ssyncadd.s32 $0xFFFFC000  }
0x180: {  	[spmem:s2] =	stream.indirect.scatter.add.f32 [tilespmem:s29], [sflag:$0x3], $0x40, s0, s31, $0xb8;
	[tilespmem:$0x10D40] =	vst v63  }
0x181: {  	_ =	swait.ge [sflag:s23], $0x2000  }
0x182: {  	[sflag:s23] =	ssyncset.done $0x0  }
0x183: {  	s16 =	sadd.s32 $0xC00000, s15;
	[sflag:s23] =	ssyncadd.s32 $0xFFFFE000  }
0x184: {  	[tilespmem:s29], [sflag:$0x2] =	stream.linear.gather [hbm4b:s16+s6], $0x4000, $0x38;
	[tilespmem:$0x10D40] =	vst v63  }
0x185: {  	_ =	swait.ge [sflag:s30], $0x4000  }
0x186: {  	[sflag:s30] =	ssyncset.done $0x0  }
0x187: {  	[sflag:s30] =	ssyncadd.s32 $0xFFFFC000  }
0x188: {  	[spmem:s3] =	stream.indirect.scatter.add.f32 [tilespmem:s28], [sflag:$0x3], $0x40, s0, s31, $0xb8;
	[tilespmem:$0x10D40] =	vst v63  }
0x189: {  	_ =	swait.ge [sflag:s23], $0x2000  }
0x18a: {  	[sflag:s23] =	ssyncset.done $0x0  }
0x18b: {  	s16 =	sadd.s32 $0x800, s15;
	[sflag:s23] =	ssyncadd.s32 $0xFFFFE000  }
0x18c: {  	[tilespmem:s28], [sflag:$0x1] =	stream.linear.gather [hbm4b:s16+s6], $0x4000, $0x38;
	[tilespmem:$0x10D40] =	vst v63  }
0x18d: {  	_ =	swait.ge [sflag:s24], $0x4000  }
0x18e: {  	[sflag:s24] =	ssyncset.done $0x0  }
0x18f: {  	[sflag:s24] =	ssyncadd.s32 $0xFFFFC000  }
0x190: {  	[spmem:s4] =	stream.indirect.scatter.add.f32 [tilespmem:s29], [sflag:$0x3], $0x40, s0, s31, $0xb8;
	[tilespmem:$0x10D40] =	vst v63  }
0x191: {  	_ =	swait.ge [sflag:s23], $0x2000  }
0x192: {  	[sflag:s23] =	ssyncset.done $0x0  }
0x193: {  	[sflag:s23] =	ssyncadd.s32 $0xFFFFE000  }
0x194: {  	[spmem:s5] =	stream.indirect.scatter.add.f32 [tilespmem:s26], [sflag:$0x3], $0x10, s0, s31, $0xb8;
	[tilespmem:$0x10D40] =	vst v63  }
0x195: {  	_ =	swait.ge [sflag:s23], $0x800  }
0x196: {  	[sflag:s23] =	ssyncset.done $0x0  }
0x197: {  	s16 =	sadd.s32 $0x400800, s15;
	[sflag:s23] =	ssyncadd.s32 $0xFFFFF800  }
0x198: {  	[tilespmem:s29], [sflag:$0x2] =	stream.linear.gather [hbm4b:s16+s6], $0x4000, $0x38;
	[tilespmem:$0x10D40] =	vst v63  }
0x199: {  	_ =	swait.ge [sflag:s30], $0x4000  }
0x19a: {  	[sflag:s30] =	ssyncset.done $0x0  }
0x19b: {  	[sflag:s30] =	ssyncadd.s32 $0xFFFFC000  }
0x19c: {  	[spmem:s1] =	stream.indirect.scatter.add.f32 [tilespmem:s28], [sflag:$0x3], $0x40, s25, s31, $0xb8;
	[tilespmem:$0x10D40] =	vst v63  }
0x19d: {  	_ =	swait.ge [sflag:s23], $0x2000  }
0x19e: {  	[sflag:s23] =	ssyncset.done $0x0  }
0x19f: {  	s16 =	sadd.s32 $0x800800, s15;
	[sflag:s23] =	ssyncadd.s32 $0xFFFFE000  }
0x1a0: {  	[tilespmem:s28], [sflag:$0x1] =	stream.linear.gather [hbm4b:s16+s6], $0x4000, $0x38;
	[tilespmem:$0x10D40] =	vst v63  }
0x1a1: {  	_ =	swait.ge [sflag:s24], $0x4000  }
0x1a2: {  	[sflag:s24] =	ssyncset.done $0x0  }
0x1a3: {  	[sflag:s24] =	ssyncadd.s32 $0xFFFFC000  }
0x1a4: {  	[spmem:s2] =	stream.indirect.scatter.add.f32 [tilespmem:s29], [sflag:$0x3], $0x40, s25, s31, $0xb8;
	[tilespmem:$0x10D40] =	vst v63  }
0x1a5: {  	_ =	swait.ge [sflag:s23], $0x2000  }
0x1a6: {  	[sflag:s23] =	ssyncset.done $0x0  }
0x1a7: {  	s16 =	sadd.s32 $0xC00800, s15;
	[sflag:s23] =	ssyncadd.s32 $0xFFFFE000  }
0x1a8: {  	[tilespmem:s29], [sflag:$0x2] =	stream.linear.gather [hbm4b:s16+s6], $0x4000, $0x38;
	[tilespmem:$0x10D40] =	vst v63  }
0x1a9: {  	_ =	swait.ge [sflag:s30], $0x4000  }
0x1aa: {  	p1 =	seq.s32 s14, $0x1F000;
	[sflag:s30] =	ssyncset.done $0x0  }
.Ltmp4:
0x1ab: {  	[sflag:s30] =	ssyncadd.s32 $0xFFFFC000;
	(pc) =	sbr.rel @p1 .LBB2_4-.Ltmp4, $4  }
0x1ac: {  	[spmem:s3] =	stream.indirect.scatter.add.f32 [tilespmem:s28], [sflag:$0x3], $0x40, s25, s31, $0xb8;
	[tilespmem:$0x10D40] =	vst v63  }
0x1ad: {  	_ =	swait.ge [sflag:s23], $0x2000  }
0x1ae: {  	[sflag:s23] =	ssyncset.done $0x0  }
0x1af: {  	[sflag:s23] =	ssyncadd.s32 $0xFFFFE000  }
0x1b0: {  	v15 =	vld [tilespmem:s12+$0x40];
	_ =	sdelay $0x1  }
0x1b1: {  	v16 =	vld [tilespmem:s13+$0x40];
	_ =	sdelay $0x2  }
0x1b2: {  	vm0 =	vge.f32 v15, v1;
	vm1 =	vge.f32 v15, v2;
	vm14 =	vge.f32 v15, v3  }
0x1b3: {  	vm15 =	vge.f32 v15, v4;
	vm4 =	vge.f32 v15, v5;
	vm5 =	vge.f32 v15, v6  }
0x1b4: {  	vm6 =	vge.f32 v16, v8;
	vm7 =	vge.f32 v16, v9;
	vm8 =	vge.f32 v16, v10  }
0x1b5: {  	vm9 =	vge.f32 v16, v11;
	vm10 =	vge.f32 v16, v12;
	vm11 =	vge.f32 v16, v13  }
0x1b6: {  	vm12 =	vge.f32 v16, v14;
	vm13 =	vge.f32 v15, v7;
	v17 =	vsel vm0, $0x1, v0  }
0x1b7: {  	v18 =	vsel vm1, $0x1, v0;
	v32 =	vsel vm14, $0x1, v0;
	v33 =	vsel vm15, $0x1, v0  }
0x1b8: {  	v34 =	vsel vm4, $0x1, v0;
	v19 =	vsel vm6, $0x1, v0;
	v20 =	vsel vm7, $0x1, v0  }
0x1b9: {  	v35 =	vsel vm5, $0x1, v0;
	v36 =	vsel vm8, $0x1, v0;
	v19 =	vadd.s32 v20, v19  }
0x1ba: {  	v37 =	vsel vm9, $0x1, v0;
	v17 =	vadd.s32 v18, v17;
	v19 =	vadd.s32 v36, v19  }
0x1bb: {  	v38 =	vsel vm10, $0x1, v0;
	v17 =	vadd.s32 v32, v17;
	v19 =	vadd.s32 v37, v19  }
0x1bc: {  	v39 =	vsel vm11, $0x1, v0;
	v17 =	vadd.s32 v33, v17;
	v19 =	vadd.s32 v38, v19  }
0x1bd: {  	v16 =	vsel vm12, $0x1, v0;
	v17 =	vadd.s32 v34, v17;
	v15 =	vadd.s32 v39, v19  }
0x1be: {  	v40 =	vsel vm13, $0x1, v0;
	v17 =	vadd.s32 v35, v17;
	v15 =	vadd.s32 v16, v15  }
0x1bf: {  	v41 =	vadd.s32 v40, v17;
	v15 =	vshll.u32 v15, $0x3  }
0x1c0: {  	v15 =	vadd.s32 v15, v41  }
0x1c1: {  	[tilespmem:$0xC000] =	vst v15  }
0x1c2: {  	v15 =	vld [tilespmem:s12+$0x50];
	_ =	sdelay $0x1  }
0x1c3: {  	v42 =	vld [tilespmem:s13+$0x50];
	_ =	sdelay $0x2  }
0x1c4: {  	vm14 =	vge.f32 v15, v1;
	vm15 =	vge.f32 v15, v2;
	vm4 =	vge.f32 v15, v3  }
0x1c5: {  	vm5 =	vge.f32 v15, v4;
	vm6 =	vge.f32 v15, v5;
	vm7 =	vge.f32 v15, v6  }
0x1c6: {  	vm8 =	vge.f32 v42, v8;
	vm9 =	vge.f32 v42, v9;
	vm10 =	vge.f32 v42, v10  }
0x1c7: {  	vm11 =	vge.f32 v42, v11;
	vm12 =	vge.f32 v42, v12;
	vm13 =	vge.f32 v42, v13  }
0x1c8: {  	v43 =	vsel vm14, $0x1, v0;
	v44 =	vsel vm15, $0x1, v0;
	v45 =	vsel vm4, $0x1, v0  }
0x1c9: {  	v46 =	vsel vm5, $0x1, v0;
	v47 =	vsel vm6, $0x1, v0;
	v48 =	vsel vm7, $0x1, v0  }
0x1ca: {  	v49 =	vsel vm8, $0x1, v0;
	v50 =	vsel vm9, $0x1, v0;
	v51 =	vsel vm10, $0x1, v0  }
0x1cb: {  	v52 =	vsel vm11, $0x1, v0;
	v53 =	vsel vm12, $0x1, v0;
	v19 =	vadd.s32 v50, v49  }
0x1cc: {  	v54 =	vsel vm13, $0x1, v0;
	v17 =	vadd.s32 v44, v43;
	v19 =	vadd.s32 v51, v19  }
0x1cd: {  	vm14 =	vge.f32 v42, v14;
	v17 =	vadd.s32 v45, v17;
	v19 =	vadd.s32 v52, v19  }
0x1ce: {  	vm15 =	vge.f32 v15, v7;
	v17 =	vadd.s32 v46, v17;
	v19 =	vadd.s32 v53, v19  }
0x1cf: {  	v16 =	vsel vm14, $0x1, v0;
	v17 =	vadd.s32 v47, v17;
	v15 =	vadd.s32 v54, v19  }
0x1d0: {  	v55 =	vsel vm15, $0x1, v0;
	v17 =	vadd.s32 v48, v17;
	v15 =	vadd.s32 v16, v15  }
0x1d1: {  	v56 =	vadd.s32 v55, v17;
	v15 =	vshll.u32 v15, $0x3  }
0x1d2: {  	v15 =	vadd.s32 v15, v56  }
0x1d3: {  	[tilespmem:$0xC010] =	vst v15  }
0x1d4: {  	v15 =	vld [tilespmem:s12+$0x60];
	_ =	sdelay $0x1  }
0x1d5: {  	v57 =	vld [tilespmem:s13+$0x60];
	_ =	sdelay $0x2  }
0x1d6: {  	vm4 =	vge.f32 v15, v1;
	vm5 =	vge.f32 v15, v2;
	vm6 =	vge.f32 v15, v3  }
0x1d7: {  	vm7 =	vge.f32 v15, v4;
	vm8 =	vge.f32 v15, v5;
	vm9 =	vge.f32 v15, v6  }
0x1d8: {  	vm10 =	vge.f32 v57, v8;
	vm11 =	vge.f32 v57, v9;
	vm12 =	vge.f32 v57, v10  }
0x1d9: {  	vm13 =	vge.f32 v57, v11;
	vm14 =	vge.f32 v57, v12;
	vm15 =	vge.f32 v57, v13  }
0x1da: {  	v58 =	vsel vm4, $0x1, v0;
	v59 =	vsel vm5, $0x1, v0;
	v60 =	vsel vm6, $0x1, v0  }
0x1db: {  	v61 =	vsel vm7, $0x1, v0;
	v62 =	vsel vm8, $0x1, v0;
	v63 =	vsel vm9, $0x1, v0  }
0x1dc: {  	v24 =	vsel vm10, $0x1, v0;
	v25 =	vsel vm11, $0x1, v0;
	v26 =	vsel vm12, $0x1, v0  }
0x1dd: {  	v27 =	vsel vm13, $0x1, v0;
	v28 =	vsel vm14, $0x1, v0;
	v19 =	vadd.s32 v25, v24  }
0x1de: {  	v29 =	vsel vm15, $0x1, v0;
	v17 =	vadd.s32 v59, v58;
	v19 =	vadd.s32 v26, v19  }
0x1df: {  	vm4 =	vge.f32 v57, v14;
	v17 =	vadd.s32 v60, v17;
	v19 =	vadd.s32 v27, v19  }
0x1e0: {  	vm5 =	vge.f32 v15, v7;
	v17 =	vadd.s32 v61, v17;
	v19 =	vadd.s32 v28, v19  }
0x1e1: {  	v16 =	vsel vm4, $0x1, v0;
	v17 =	vadd.s32 v62, v17;
	v15 =	vadd.s32 v29, v19  }
0x1e2: {  	v30 =	vsel vm5, $0x1, v0;
	v17 =	vadd.s32 v63, v17;
	v15 =	vadd.s32 v16, v15  }
0x1e3: {  	v31 =	vadd.s32 v30, v17;
	v15 =	vshll.u32 v15, $0x3  }
0x1e4: {  	v15 =	vadd.s32 v15, v31  }
0x1e5: {  	[tilespmem:$0xC020] =	vst v15  }
0x1e6: {  	v15 =	vld [tilespmem:s12+$0x70];
	_ =	sdelay $0x1  }
0x1e7: {  	v32 =	vld [tilespmem:s13+$0x70];
	_ =	sdelay $0x2  }
0x1e8: {  	vm6 =	vge.f32 v15, v1;
	vm7 =	vge.f32 v15, v2;
	vm8 =	vge.f32 v15, v3  }
0x1e9: {  	vm9 =	vge.f32 v15, v4;
	vm10 =	vge.f32 v15, v5;
	vm11 =	vge.f32 v15, v6  }
0x1ea: {  	vm12 =	vge.f32 v32, v8;
	vm13 =	vge.f32 v32, v9;
	vm14 =	vge.f32 v32, v10  }
0x1eb: {  	vm15 =	vge.f32 v32, v11;
	vm4 =	vge.f32 v32, v12;
	vm5 =	vge.f32 v32, v13  }
0x1ec: {  	v33 =	vsel vm6, $0x1, v0;
	v34 =	vsel vm7, $0x1, v0;
	v35 =	vsel vm8, $0x1, v0  }
0x1ed: {  	v36 =	vsel vm9, $0x1, v0;
	v37 =	vsel vm10, $0x1, v0;
	v38 =	vsel vm11, $0x1, v0  }
0x1ee: {  	v39 =	vsel vm12, $0x1, v0;
	v40 =	vsel vm13, $0x1, v0;
	v41 =	vsel vm14, $0x1, v0  }
0x1ef: {  	v42 =	vsel vm15, $0x1, v0;
	v43 =	vsel vm4, $0x1, v0;
	v19 =	vadd.s32 v40, v39  }
0x1f0: {  	v44 =	vsel vm5, $0x1, v0;
	v17 =	vadd.s32 v34, v33;
	v19 =	vadd.s32 v41, v19  }
0x1f1: {  	vm6 =	vge.f32 v32, v14;
	v17 =	vadd.s32 v35, v17;
	v19 =	vadd.s32 v42, v19  }
0x1f2: {  	vm7 =	vge.f32 v15, v7;
	v17 =	vadd.s32 v36, v17;
	v19 =	vadd.s32 v43, v19  }
0x1f3: {  	v16 =	vsel vm6, $0x1, v0;
	v17 =	vadd.s32 v37, v17;
	v15 =	vadd.s32 v44, v19  }
0x1f4: {  	v45 =	vsel vm7, $0x1, v0;
	v17 =	vadd.s32 v38, v17;
	v15 =	vadd.s32 v16, v15  }
0x1f5: {  	v46 =	vadd.s32 v45, v17;
	v15 =	vshll.u32 v15, $0x3  }
0x1f6: {  	v15 =	vadd.s32 v15, v46  }
0x1f7: {  	[tilespmem:$0xC030] =	vst v15  }
0x1f8: {  	v15 =	vld [tilespmem:s12+$0x80];
	_ =	sdelay $0x1  }
0x1f9: {  	v47 =	vld [tilespmem:s13+$0x80];
	_ =	sdelay $0x2  }
0x1fa: {  	vm8 =	vge.f32 v15, v1;
	vm9 =	vge.f32 v15, v2;
	vm10 =	vge.f32 v15, v3  }
0x1fb: {  	vm11 =	vge.f32 v15, v4;
	vm12 =	vge.f32 v15, v5;
	vm13 =	vge.f32 v15, v6  }
0x1fc: {  	vm14 =	vge.f32 v47, v8;
	vm15 =	vge.f32 v47, v9;
	vm4 =	vge.f32 v47, v10  }
0x1fd: {  	vm5 =	vge.f32 v47, v11;
	vm6 =	vge.f32 v47, v12;
	vm7 =	vge.f32 v47, v13  }
0x1fe: {  	v48 =	vsel vm8, $0x1, v0;
	v49 =	vsel vm9, $0x1, v0;
	v50 =	vsel vm10, $0x1, v0  }
0x1ff: {  	v51 =	vsel vm11, $0x1, v0;
	v52 =	vsel vm12, $0x1, v0;
	v53 =	vsel vm13, $0x1, v0  }
0x200: {  	v54 =	vsel vm14, $0x1, v0;
	v55 =	vsel vm15, $0x1, v0;
	v56 =	vsel vm4, $0x1, v0  }
0x201: {  	v57 =	vsel vm5, $0x1, v0;
	v58 =	vsel vm6, $0x1, v0;
	v19 =	vadd.s32 v55, v54  }
0x202: {  	v59 =	vsel vm7, $0x1, v0;
	v17 =	vadd.s32 v49, v48;
	v19 =	vadd.s32 v56, v19  }
0x203: {  	vm8 =	vge.f32 v47, v14;
	v17 =	vadd.s32 v50, v17;
	v19 =	vadd.s32 v57, v19  }
0x204: {  	vm9 =	vge.f32 v15, v7;
	v17 =	vadd.s32 v51, v17;
	v19 =	vadd.s32 v58, v19  }
0x205: {  	v16 =	vsel vm8, $0x1, v0;
	v17 =	vadd.s32 v52, v17;
	v15 =	vadd.s32 v59, v19  }
0x206: {  	v60 =	vsel vm9, $0x1, v0;
	v17 =	vadd.s32 v53, v17;
	v15 =	vadd.s32 v16, v15  }
0x207: {  	v61 =	vadd.s32 v60, v17;
	v15 =	vshll.u32 v15, $0x3  }
0x208: {  	v15 =	vadd.s32 v15, v61  }
0x209: {  	[tilespmem:$0xC040] =	vst v15  }
0x20a: {  	v15 =	vld [tilespmem:s12+$0x90];
	_ =	sdelay $0x1  }
0x20b: {  	v62 =	vld [tilespmem:s13+$0x90];
	_ =	sdelay $0x2  }
0x20c: {  	vm10 =	vge.f32 v15, v1;
	vm11 =	vge.f32 v15, v2;
	vm12 =	vge.f32 v15, v3  }
0x20d: {  	vm13 =	vge.f32 v15, v4;
	vm14 =	vge.f32 v15, v5;
	vm15 =	vge.f32 v15, v6  }
0x20e: {  	vm4 =	vge.f32 v62, v8;
	vm5 =	vge.f32 v62, v9;
	vm6 =	vge.f32 v62, v10  }
0x20f: {  	vm7 =	vge.f32 v62, v11;
	vm8 =	vge.f32 v62, v12;
	vm9 =	vge.f32 v62, v13  }
0x210: {  	v63 =	vsel vm10, $0x1, v0;
	v21 =	vsel vm11, $0x1, v0;
	v22 =	vsel vm12, $0x1, v0  }
0x211: {  	v23 =	vsel vm13, $0x1, v0;
	v24 =	vsel vm14, $0x1, v0;
	v25 =	vsel vm15, $0x1, v0  }
0x212: {  	v26 =	vsel vm4, $0x1, v0;
	v27 =	vsel vm5, $0x1, v0;
	v28 =	vsel vm6, $0x1, v0  }
0x213: {  	v29 =	vsel vm7, $0x1, v0;
	v30 =	vsel vm8, $0x1, v0;
	v19 =	vadd.s32 v27, v26  }
0x214: {  	v31 =	vsel vm9, $0x1, v0;
	v17 =	vadd.s32 v21, v63;
	v19 =	vadd.s32 v28, v19  }
0x215: {  	vm10 =	vge.f32 v62, v14;
	v17 =	vadd.s32 v22, v17;
	v19 =	vadd.s32 v29, v19  }
0x216: {  	vm11 =	vge.f32 v15, v7;
	v17 =	vadd.s32 v23, v17;
	v19 =	vadd.s32 v30, v19  }
0x217: {  	v16 =	vsel vm10, $0x1, v0;
	v17 =	vadd.s32 v24, v17;
	v15 =	vadd.s32 v31, v19  }
0x218: {  	v32 =	vsel vm11, $0x1, v0;
	v17 =	vadd.s32 v25, v17;
	v15 =	vadd.s32 v16, v15  }
0x219: {  	v33 =	vadd.s32 v32, v17;
	v15 =	vshll.u32 v15, $0x3  }
0x21a: {  	v15 =	vadd.s32 v15, v33  }
0x21b: {  	[tilespmem:$0xC050] =	vst v15  }
0x21c: {  	v15 =	vld [tilespmem:s12+$0xA0];
	_ =	sdelay $0x1  }
0x21d: {  	v34 =	vld [tilespmem:s13+$0xA0];
	_ =	sdelay $0x2  }
0x21e: {  	vm12 =	vge.f32 v15, v1;
	vm13 =	vge.f32 v15, v2;
	vm14 =	vge.f32 v15, v3  }
0x21f: {  	vm15 =	vge.f32 v15, v4;
	vm4 =	vge.f32 v15, v5;
	vm5 =	vge.f32 v15, v6  }
0x220: {  	vm6 =	vge.f32 v34, v8;
	vm7 =	vge.f32 v34, v9;
	vm8 =	vge.f32 v34, v10  }
0x221: {  	vm9 =	vge.f32 v34, v11;
	vm10 =	vge.f32 v34, v12;
	vm11 =	vge.f32 v34, v13  }
0x222: {  	v35 =	vsel vm12, $0x1, v0;
	v36 =	vsel vm13, $0x1, v0;
	v37 =	vsel vm14, $0x1, v0  }
0x223: {  	v38 =	vsel vm15, $0x1, v0;
	v39 =	vsel vm4, $0x1, v0;
	v40 =	vsel vm5, $0x1, v0  }
0x224: {  	v41 =	vsel vm6, $0x1, v0;
	v42 =	vsel vm7, $0x1, v0;
	v43 =	vsel vm8, $0x1, v0  }
0x225: {  	v44 =	vsel vm9, $0x1, v0;
	v45 =	vsel vm10, $0x1, v0;
	v19 =	vadd.s32 v42, v41  }
0x226: {  	v46 =	vsel vm11, $0x1, v0;
	v17 =	vadd.s32 v36, v35;
	v19 =	vadd.s32 v43, v19  }
0x227: {  	vm12 =	vge.f32 v34, v14;
	v17 =	vadd.s32 v37, v17;
	v19 =	vadd.s32 v44, v19  }
0x228: {  	vm13 =	vge.f32 v15, v7;
	v17 =	vadd.s32 v38, v17;
	v19 =	vadd.s32 v45, v19  }
0x229: {  	v16 =	vsel vm12, $0x1, v0;
	v17 =	vadd.s32 v39, v17;
	v15 =	vadd.s32 v46, v19  }
0x22a: {  	v47 =	vsel vm13, $0x1, v0;
	v17 =	vadd.s32 v40, v17;
	v15 =	vadd.s32 v16, v15  }
0x22b: {  	v48 =	vadd.s32 v47, v17;
	v15 =	vshll.u32 v15, $0x3  }
0x22c: {  	v15 =	vadd.s32 v15, v48  }
0x22d: {  	[tilespmem:$0xC060] =	vst v15  }
0x22e: {  	v15 =	vld [tilespmem:s12+$0xB0];
	_ =	sdelay $0x1  }
0x22f: {  	v49 =	vld [tilespmem:s13+$0xB0];
	_ =	sdelay $0x2  }
0x230: {  	vm14 =	vge.f32 v15, v1;
	vm15 =	vge.f32 v15, v2;
	vm4 =	vge.f32 v15, v3  }
0x231: {  	vm5 =	vge.f32 v15, v4;
	vm6 =	vge.f32 v15, v5;
	vm7 =	vge.f32 v15, v6  }
0x232: {  	vm8 =	vge.f32 v49, v8;
	vm9 =	vge.f32 v49, v9;
	vm10 =	vge.f32 v49, v10  }
0x233: {  	vm11 =	vge.f32 v49, v11;
	vm12 =	vge.f32 v49, v12;
	vm13 =	vge.f32 v49, v13  }
0x234: {  	v50 =	vsel vm14, $0x1, v0;
	v51 =	vsel vm15, $0x1, v0;
	v52 =	vsel vm4, $0x1, v0  }
0x235: {  	v53 =	vsel vm5, $0x1, v0;
	v54 =	vsel vm6, $0x1, v0;
	v55 =	vsel vm7, $0x1, v0  }
0x236: {  	v56 =	vsel vm8, $0x1, v0;
	v57 =	vsel vm9, $0x1, v0;
	v58 =	vsel vm10, $0x1, v0  }
0x237: {  	v59 =	vsel vm11, $0x1, v0;
	v60 =	vsel vm12, $0x1, v0;
	v18 =	vadd.s32 v57, v56  }
0x238: {  	v61 =	vsel vm13, $0x1, v0;
	v17 =	vadd.s32 v51, v50;
	v18 =	vadd.s32 v58, v18  }
0x239: {  	vm14 =	vge.f32 v49, v14;
	v17 =	vadd.s32 v52, v17;
	v18 =	vadd.s32 v59, v18  }
0x23a: {  	vm15 =	vge.f32 v15, v7;
	v17 =	vadd.s32 v53, v17;
	v18 =	vadd.s32 v60, v18  }
0x23b: {  	v16 =	vsel vm14, $0x1, v0;
	v17 =	vadd.s32 v54, v17;
	v15 =	vadd.s32 v61, v18  }
.Ltmp5:
0x23c: {  	v62 =	vsel vm15, $0x1, v0;
	v17 =	vadd.s32 v55, v17;
	v15 =	vadd.s32 v16, v15;
	(pc) =	sbr.rel .LBB2_4-.Ltmp5, $4  }
0x23d: {  	v63 =	vadd.s32 v62, v17;
	v15 =	vshll.u32 v15, $0x3  }
0x23e: {  	v15 =	vadd.s32 v15, v63  }
0x23f: {  	s15 =	sadd.s32 $0x1000, s15;
	[tilespmem:$0xC070] =	vst v15  }
0x240: {  	[tilespmem:s28], [sflag:$0x1] =	stream.linear.gather [hbm4b:s15+s6], $0x4000, $0x38;
	[tilespmem:$0x10D40] =	vst v63  }
.LBB2_6:
0x241: {  	_ =	sfence.sel $0x180000  }
0x242: {  	[bflag:$0x0] =	sbarrier.arrive $0xFFFF  }
0x243: {  	_ =	strace $0x90000047  }
0x244: {  	[bflag:$0x2] =	sbarrier.arrive $0xFFFF  }
0x245: {  	s0 =	rddreg [dreg:$0x6]  }
0x246: {  	s0 =	sadd.s32 @!p0 $0x100000, s0  }
0x247: {  	[sflag:s0] =	ssyncadd.tile.s32 @!p0 $0x1;
	_ =	shalt  }
.Lfunc_end2:
_tile_overlayer_lowered:
.L_overlay_start_2:
0x248: {  	(tag) =	ssettag $0x2  }
0x249: {  	s0 =	rddreg [dreg:$0x0];
	s2 =	stileid.u32  }
0x24a: {  	s1 =	rddreg [dreg:$0x1];
	p0 =	sne.s32 s2, $0x0  }
0x24b: {  	s3 =	rddreg [dreg:$0x2];
	[bflag:$0x3] =	sbarrier.arrive $0xFFFF;
	s2 =	simm.s32 @!p0 $0x1C03  }
0x24c: {  	[timem:s3], [sflag:s2] =	dma.local @!p0 [hbm:s0], s1  }
0x24d: {  	s0 =	simm.s32 @!p0 $0x3  }
0x24e: {  	_ =	swait.ge @!p0 [sflag:s0], s1  }
0x24f: {  	s1 =	ssub.s32 @!p0 $0x0, s1;
	[sflag:s0] =	ssyncset.done @!p0 $0x0  }
0x250: {  	[sflag:s0] =	ssyncadd.s32 @!p0 s1  }
0x251: {  	[bflag:$0x3] =	sbarrier.arrive $0xFFFF  }
0x252: {  	_ =	shalt  }

</sc_bundles>
